<compile_context>
chip_gen: v7x
topology: tpu7x:2x2x1
jax: 0.10.2.dev20260603
libtpu: 0.0.44.dev20260713+nightly
codegen_flags: <defaults>
</compile_context>

<pallas_src>
import functools

import jax
import jax.numpy as jnp
from jax import lax
from jax.experimental import pallas as pl
from jax.experimental.pallas import tpu as pltpu
from jax.experimental.pallas import tpu_sc as plsc

N_PTS = 4194304
RES_UP = 688
RES_DN = 20
PR = RES_UP - 1
PATCH_R = PR * PR
ROWW = RES_UP * 3
N3 = RES_DN * RES_DN * RES_DN
G0W = N3 * 3
G0CH = 2000
NG0CH = G0W // G0CH

NW = 32
NT = 16
PW = N_PTS // NW
B = 1024
NCHUNK = PW // B
NVREG = B // 16

UROWS_PER_T = (PR + NT - 1) // NT

_SC_PARAMS = pltpu.CompilerParams(
    needs_layout_passes=False, use_tc_tiling_on_sc=False
)

mesh = plsc.VectorSubcoreMesh(core_axis_name="c", subcore_axis_name="s")


def _sigmoid(v):
    return 1.0 / (1.0 + jnp.exp(-v))


@functools.partial(
    pl.kernel,
    mesh=mesh,
    compiler_params=_SC_PARAMS,
    out_type=(
        jax.ShapeDtypeStruct((4 * N_PTS,), jnp.float32),
        jax.ShapeDtypeStruct((PATCH_R, 16), jnp.float32),
        jax.ShapeDtypeStruct((PATCH_R, 16), jnp.float32),
    ),
    scratch_types=[
        pltpu.VMEM((2 * ROWW,), jnp.float32),
        pltpu.VMEM((2 * ROWW,), jnp.float32),
        pltpu.VMEM((PR, 16), jnp.float32),
        pltpu.VMEM((G0W,), jnp.float32),
        pltpu.VMEM((2 * B,), jnp.float32),
        pltpu.VMEM((B,), jnp.int32),
        pltpu.VMEM((B,), jnp.float32),
        pltpu.VMEM((B,), jnp.float32),
        pltpu.VMEM((B, 16), jnp.float32),
        pltpu.VMEM((4 * B,), jnp.float32),
        pltpu.SemaphoreType.DMA,
    ],
)
def _sc_net(x_hbm, g1_hbm, g0_hbm, out_hbm, patch0_hbm, patch1_hbm,
            raw_v, sg_v, slab_v, s0_v,
            x_v, idx_v, fu_v, fv_v, cor_v, out_v, gsem):
    cid = lax.axis_index("c")
    sid = lax.axis_index("s")
    wid = sid * 2 + cid
    lanes = lax.iota(jnp.int32, 16)
    t0 = jnp.where(
        lanes < 12,
        (lanes % 3) * (2 * RES_UP) + (lanes // 6) * RES_UP + (lanes // 3) % 2,
        0)

    def urow(i, c0):
        u = sid * UROWS_PER_T + i

        @pl.when(u < PR)
        def _():
            for c in range(3):
                pltpu.sync_copy(
                    g1_hbm.at[pl.ds(c * (RES_UP * RES_UP) + u * RES_UP,
                                    2 * RES_UP)],
                    raw_v.at[pl.ds(c * 2 * RES_UP, 2 * RES_UP)])

            @plsc.parallel_loop(0, 2 * ROWW // 16, unroll=4)
            def _(s):
                sg_v[pl.ds(s * 16, 16)] = _sigmoid(raw_v[pl.ds(s * 16, 16)])

            @plsc.parallel_loop(0, PR, unroll=4)
            def _(v):
                vec = plsc.load_gather(sg_v, [t0 + v])
                plsc.store_scatter(slab_v, [jnp.full((16,), v, jnp.int32),
                                            lanes], vec)

            @pl.when(cid == 0)
            def _():
                pltpu.sync_copy(slab_v, patch0_hbm.at[pl.ds(u * PR, PR)])

            @pl.when(cid == 1)
            def _():
                pltpu.sync_copy(slab_v, patch1_hbm.at[pl.ds(u * PR, PR)])

        return c0

    lax.fori_loop(0, UROWS_PER_T, urow, 0)

    def build0(p, c0):
        pltpu.sync_copy(g0_hbm.at[pl.ds(p * G0CH, G0CH)],
                        raw_v.at[pl.ds(0, G0CH)])

        @plsc.parallel_loop(0, G0CH // 16, unroll=4)
        def _(m):
            s0_v[pl.ds(p * G0CH + m * 16, 16)] = _sigmoid(
                raw_v[pl.ds(m * 16, 16)])

        return c0

    lax.fori_loop(0, NG0CH, build0, 0)

    plsc.subcore_barrier()

    base0 = wid * PW

    def const16(val):
        return jnp.full((16,), val, jnp.int32)

    def chunk_body(t, carry):
        base = base0 + t * B
        pltpu.sync_copy(x_hbm.at[pl.ds(2 * base, 2 * B)], x_v)

        @plsc.parallel_loop(0, NVREG, unroll=2)
        def p1(j):
            rows = j * 16 + lanes
            xu_at = (rows >> 7) * 256 + (rows & 127)
            xu = plsc.load_gather(x_v, [xu_at])
            xv = plsc.load_gather(x_v, [xu_at + 128])
            u = jnp.minimum(jnp.maximum(xu, 0.0), 1.0) * float(RES_UP - 1)
            v = jnp.minimum(jnp.maximum(xv, 0.0), 1.0) * float(RES_UP - 1)
            ui = jnp.minimum(u.astype(jnp.int32), RES_UP - 2)
            vi = jnp.minimum(v.astype(jnp.int32), RES_UP - 2)
            idx_v[pl.ds(j * 16, 16)] = ui * PR + vi
            fu_v[pl.ds(j * 16, 16)] = u - ui.astype(jnp.float32)
            fv_v[pl.ds(j * 16, 16)] = v - vi.astype(jnp.float32)

        @pl.when(cid == 0)
        def _():
            copies = [
                pltpu.async_copy(
                    patch0_hbm.at[idx_v.at[pl.ds(g * 128, 128)]],
                    cor_v.at[pl.ds(g * 128, 128)],
                    gsem,
                )
                for g in range(B // 128)
            ]
            for cp in copies:
                cp.wait()

        @pl.when(cid == 1)
        def _():
            copies = [
                pltpu.async_copy(
                    patch1_hbm.at[idx_v.at[pl.ds(g * 128, 128)]],
                    cor_v.at[pl.ds(g * 128, 128)],
                    gsem,
                )
                for g in range(B // 128)
            ]
            for cp in copies:
                cp.wait()

        @plsc.parallel_loop(0, NVREG, unroll=2)
        def p2(j):
            rows = j * 16 + lanes
            fu = fu_v[pl.ds(j * 16, 16)]
            fv = fv_v[pl.ds(j * 16, 16)]
            w00 = (1.0 - fu) * (1.0 - fv)
            w01 = (1.0 - fu) * fv
            w10 = fu * (1.0 - fv)
            w11 = fu * fv
            key = []
            for ch in range(3):
                c00 = plsc.load_gather(cor_v, [rows, const16(ch)])
                c01 = plsc.load_gather(cor_v, [rows, const16(3 + ch)])
                c10 = plsc.load_gather(cor_v, [rows, const16(6 + ch)])
                c11 = plsc.load_gather(cor_v, [rows, const16(9 + ch)])
                key.append(w00 * c00 + w01 * c01 + w10 * c10 + w11 * c11)

            s = key[0] * float(RES_DN - 1)
            xi = jnp.minimum(s.astype(jnp.int32), RES_DN - 2)
            fx = s - xi.astype(jnp.float32)
            s = key[1] * float(RES_DN - 1)
            yi = jnp.minimum(s.astype(jnp.int32), RES_DN - 2)
            fy = s - yi.astype(jnp.float32)
            s = key[2] * float(RES_DN - 1)
            zi = jnp.minimum(s.astype(jnp.int32), RES_DN - 2)
            fz = s - zi.astype(jnp.float32)

            cell3 = ((xi * RES_DN + yi) * RES_DN + zi) * 3
            p00 = (1.0 - fx) * (1.0 - fy)
            p01 = (1.0 - fx) * fy
            p10 = fx * (1.0 - fy)
            p11 = fx * fy
            gz0 = 1.0 - fz
            w8 = [p00 * gz0, p00 * fz, p01 * gz0, p01 * fz,
                  p10 * gz0, p10 * fz, p11 * gz0, p11 * fz]
            offs = [0, 3, 60, 63, 1200, 1203, 1260, 1263]
            o_at = (rows >> 7) * 512 + (rows & 127)
            for ch in range(3):
                acc = w8[0] * plsc.load_gather(s0_v, [cell3 + ch])
                for kk in range(1, 8):
                    val = plsc.load_gather(s0_v, [cell3 + (offs[kk] + ch)])
                    acc = acc + w8[kk] * val
                plsc.store_scatter(out_v, [o_at + ch * 128], acc)

        pltpu.sync_copy(out_v, out_hbm.at[pl.ds(4 * base, 4 * B)])
        return carry

    lax.fori_loop(0, NCHUNK, chunk_body, 0)


def kernel(x, grid1_table, grid0_table):
    one = x[0, 0] * 0.0 + 1.0
    xp = x.reshape(N_PTS // 128, 128, 2).transpose(0, 2, 1).reshape(-1)
    g1p = (grid1_table.transpose(2, 0, 1) * one).reshape(-1)
    out, _, _ = _sc_net(xp, g1p, grid0_table.reshape(-1))
    o3 = out.reshape(N_PTS // 128, 4, 128)[:, :3, :].transpose(0, 2, 1)
    return o3.reshape(N_PTS, 3) * one

# --- scband reference (transcript-rebuilt; emitter-appended) ---
"""Pipeline reference for scband-network-p2-c3-321-21234318312194 (READ-ONLY COPY).

The authoritative reference and input builder live on the scoring server;
editing this copy changes nothing except your own understanding.
"""

import jax, jax.numpy as jnp
import numpy as np

# Derived from __init__ search with nativeResolution=2048, expectedCompression=10,
# latentIn=latentGUp=latentGDn=3, Q=7 (qFactor=0.875):
#   first loop  -> resolutionDn = 21 -> rounded to multiple of 4 -> 20
#   second loop -> resolutionUp = 686 -> rounded to multiple of 8 -> 688
RES_UP = 688
RES_DN = 20
N_PTS = 4194304  # 2048**2 query coordinates (full native-resolution image)


def _bilinear2d(coords, table):
    # coords: [N, 2] in [0, 1]; table: [U, V, C] (already normalized to [0,1])
    U, V, C = table.shape
    u = jnp.clip(coords[:, 0], 0.0, 1.0) * (U - 1)
    v = jnp.clip(coords[:, 1], 0.0, 1.0) * (V - 1)
    u0 = jnp.clip(jnp.floor(u).astype(jnp.int32), 0, U - 2)
    v0 = jnp.clip(jnp.floor(v).astype(jnp.int32), 0, V - 2)
    fu = (u - u0.astype(u.dtype))[:, None]
    fv = (v - v0.astype(v.dtype))[:, None]
    c00 = table[u0, v0]
    c01 = table[u0, v0 + 1]
    c10 = table[u0 + 1, v0]
    c11 = table[u0 + 1, v0 + 1]
    return (c00 * (1 - fu) * (1 - fv) + c01 * (1 - fu) * fv
            + c10 * fu * (1 - fv) + c11 * fu * fv)


def _trilinear3d(coords, table):
    # coords: [N, 3] in [0, 1]; table: [U, V, W, C]
    U, V, W, C = table.shape
    u = jnp.clip(coords[:, 0], 0.0, 1.0) * (U - 1)
    v = jnp.clip(coords[:, 1], 0.0, 1.0) * (V - 1)
    w = jnp.clip(coords[:, 2], 0.0, 1.0) * (W - 1)
    u0 = jnp.clip(jnp.floor(u).astype(jnp.int32), 0, U - 2)
    v0 = jnp.clip(jnp.floor(v).astype(jnp.int32), 0, V - 2)
    w0 = jnp.clip(jnp.floor(w).astype(jnp.int32), 0, W - 2)
    fu = (u - u0.astype(u.dtype))[:, None]
    fv = (v - v0.astype(v.dtype))[:, None]
    fw = (w - w0.astype(w.dtype))[:, None]
    c000 = table[u0, v0, w0]
    c001 = table[u0, v0, w0 + 1]
    c010 = table[u0, v0 + 1, w0]
    c011 = table[u0, v0 + 1, w0 + 1]
    c100 = table[u0 + 1, v0, w0]
    c101 = table[u0 + 1, v0, w0 + 1]
    c110 = table[u0 + 1, v0 + 1, w0]
    c111 = table[u0 + 1, v0 + 1, w0 + 1]
    return (c000 * (1 - fu) * (1 - fv) * (1 - fw)
            + c001 * (1 - fu) * (1 - fv) * fw
            + c010 * (1 - fu) * fv * (1 - fw)
            + c011 * (1 - fu) * fv * fw
            + c100 * fu * (1 - fv) * (1 - fw)
            + c101 * fu * (1 - fv) * fw
            + c110 * fu * fv * (1 - fw)
            + c111 * fu * fv * fw)


def setup_inputs(seed: int = 0) -> dict:
    key = jax.random.key(seed)
    k1, k2, k3 = jax.random.split(key, 3)
    # forward arg: 2D query coordinates in [0,1]^2
    x = jax.random.uniform(k1, (N_PTS, 2), dtype=jnp.float32)
    # learned params: SpatialGrid2D table (initMode 'U' -> uniform) and
    # SpatialGrid3D table (initMode 'R' -> random normal), initScale=1
    grid1_table = jax.random.uniform(k2, (RES_UP, RES_UP, 3), dtype=jnp.float32,
                                     minval=-1.0, maxval=1.0)
    grid0_table = jax.random.normal(k3, (RES_DN, RES_DN, RES_DN, 3), dtype=jnp.float32)
    return {"x": x, "grid1_table": grid1_table, "grid0_table": grid0_table}


def reference(x, grid1_table, grid0_table):
    # forward: grid0(grid1(x))
    # normalize=True -> NON_LINEARITY (sigmoid) applied to the raw table so
    # values lie in (0,1); grid1 output then serves as 3D coords for grid0.
    key_coords = _bilinear2d(x, jax.nn.sigmoid(grid1_table))
    out = _trilinear3d(key_coords, jax.nn.sigmoid(grid0_table))
    return out

if __name__ == "__main__":
    import jax
    _d = setup_inputs()
    print(jax.jit(kernel)(*tuple(_d.values())))

</pallas_src>

<mosaic_0001>
#map = affine_map<(d0, d1) -> (0)>
#map1 = affine_map<(d0, d1) -> (0, 0)>
module attributes {stable_mosaic.version = 14 : i64} {
  func.func @_sc_net(%arg0: i32, %arg1: i32, %arg2: memref<8388608xf32, #tpu.memory_space<hbm>>, %arg3: memref<1420032xf32, #tpu.memory_space<hbm>>, %arg4: memref<24000xf32, #tpu.memory_space<hbm>>, %arg5: memref<16777216xf32, #tpu.memory_space<hbm>>, %arg6: memref<471969x16xf32, #tpu.memory_space<hbm>>, %arg7: memref<471969x16xf32, #tpu.memory_space<hbm>>, %arg8: memref<4128xf32, #tpu.memory_space<vmem>>, %arg9: memref<4128xf32, #tpu.memory_space<vmem>>, %arg10: memref<687x16xf32, #tpu.memory_space<vmem>>, %arg11: memref<24000xf32, #tpu.memory_space<vmem>>, %arg12: memref<2048xf32, #tpu.memory_space<vmem>>, %arg13: memref<1024xi32, #tpu.memory_space<vmem>>, %arg14: memref<1024xf32, #tpu.memory_space<vmem>>, %arg15: memref<1024xf32, #tpu.memory_space<vmem>>, %arg16: memref<1024x16xf32, #tpu.memory_space<vmem>>, %arg17: memref<4096xf32, #tpu.memory_space<vmem>>, %arg18: memref<!tpu.dma_semaphore, #tpu.memory_space<semaphore_mem>>) attributes {dimension_semantics = [#tpu.dimension_semantics<core_parallel>, #tpu.dimension_semantics<subcore_parallel>], iteration_bounds = array<i64: 2, 16>, scalar_prefetch = 0 : i64, scratch_operands = 11 : i64, tpu.core_type = #tpu.core_type<sc_vector_subcore>, window_params = [{transform_indices = #map}, {transform_indices = #map}, {transform_indices = #map}, {transform_indices = #map}, {transform_indices = #map1}, {transform_indices = #map1}]} {
    %mul3A = arith.constant 2 : i32
    %mul3A_0 = arith.muli %arg1, %mul3A : i32
    %add3A = arith.addi %mul3A_0, %arg0 : i32
    %iota3A = tpu.iota {dimensions = array<i32: 0>} : vector<16xi32>
    %lt3A = arith.constant 12 : i32
    %lt3A_1 = vector.broadcast %lt3A : i32 to vector<16xi32>
    %lt3A_2 = arith.cmpi slt, %iota3A, %lt3A_1 : vector<16xi32>
    %jit3A = arith.constant 3 : i32
    %eq3A = arith.constant 0 : i32
    %eq3A_3 = arith.cmpi eq, %jit3A, %eq3A : i32
    %jit3A_4 = arith.constant 1 : i32
    %select_n3A = arith.select %eq3A_3, %jit3A_4, %jit3A : i32
    %rem3A = vector.broadcast %select_n3A : i32 to vector<16xi32>
    %rem3A_5 = arith.remsi %iota3A, %rem3A : vector<16xi32>
    %ne3A = arith.constant 0 : i32
    %ne3A_6 = vector.broadcast %ne3A : i32 to vector<16xi32>
    %ne3A_7 = arith.cmpi ne, %rem3A_5, %ne3A_6 : vector<16xi32>
    %lt3A_8 = arith.constant 0 : i32
    %lt3A_9 = vector.broadcast %lt3A_8 : i32 to vector<16xi32>
    %lt3A_10 = arith.cmpi slt, %rem3A_5, %lt3A_9 : vector<16xi32>
    %lt3A_11 = arith.constant 0 : i32
    %lt3A_12 = arith.cmpi slt, %select_n3A, %lt3A_11 : i32
    %ne3A_13 = vector.broadcast %lt3A_12 : i1 to vector<16xi1>
    %ne3A_14 = vector.broadcast %ne3A_13 : vector<16xi1> to vector<16xi1>
    %ne3A_15 = arith.xori %lt3A_10, %ne3A_14 : vector<16xi1>
    %and3A = arith.andi %ne3A_15, %ne3A_7 : vector<16xi1>
    %add3A_16 = vector.broadcast %select_n3A : i32 to vector<16xi32>
    %add3A_17 = arith.addi %rem3A_5, %add3A_16 : vector<16xi32>
    %select_n3A_18 = arith.select %and3A, %add3A_17, %rem3A_5 : vector<16xi1>, vector<16xi32>
    %mul3A_19 = arith.constant 1376 : i32
    %mul3A_20 = vector.broadcast %mul3A_19 : i32 to vector<16xi32>
    %mul3A_21 = arith.muli %select_n3A_18, %mul3A_20 : vector<16xi32>
    %jit3A_22 = arith.constant 6 : i32
    %div3A = vector.broadcast %jit3A_22 : i32 to vector<16xi32>
    %div3A_23 = arith.divsi %iota3A, %div3A : vector<16xi32>
    %sign3A = arith.constant 0 : i32
    %sign3A_24 = vector.broadcast %sign3A : i32 to vector<16xi32>
    %sign3A_25 = arith.cmpi sgt, %iota3A, %sign3A_24 : vector<16xi32>
    %sign3A_26 = arith.extui %sign3A_25 : vector<16xi1> to vector<16xi32>
    %sign3A_27 = arith.constant 0 : i32
    %sign3A_28 = vector.broadcast %sign3A_27 : i32 to vector<16xi32>
    %sign3A_29 = arith.cmpi slt, %iota3A, %sign3A_28 : vector<16xi32>
    %sign3A_30 = arith.extui %sign3A_29 : vector<16xi1> to vector<16xi32>
    %sign3A_31 = arith.subi %sign3A_26, %sign3A_30 : vector<16xi32>
    %sign3A_32 = arith.constant 0 : i32
    %sign3A_33 = arith.cmpi sgt, %jit3A_22, %sign3A_32 : i32
    %sign3A_34 = arith.extui %sign3A_33 : i1 to i32
    %sign3A_35 = arith.constant 0 : i32
    %sign3A_36 = arith.cmpi slt, %jit3A_22, %sign3A_35 : i32
    %sign3A_37 = arith.extui %sign3A_36 : i1 to i32
    %sign3A_38 = arith.subi %sign3A_34, %sign3A_37 : i32
    %ne3A_39 = vector.broadcast %sign3A_38 : i32 to vector<16xi32>
    %ne3A_40 = arith.cmpi ne, %sign3A_31, %ne3A_39 : vector<16xi32>
    %rem3A_41 = vector.broadcast %jit3A_22 : i32 to vector<16xi32>
    %rem3A_42 = arith.remsi %iota3A, %rem3A_41 : vector<16xi32>
    %ne3A_43 = arith.constant 0 : i32
    %ne3A_44 = vector.broadcast %ne3A_43 : i32 to vector<16xi32>
    %ne3A_45 = arith.cmpi ne, %rem3A_42, %ne3A_44 : vector<16xi32>
    %and3A_46 = arith.andi %ne3A_40, %ne3A_45 : vector<16xi1>
    %sub3A = arith.constant 1 : i32
    %sub3A_47 = vector.broadcast %sub3A : i32 to vector<16xi32>
    %sub3A_48 = arith.subi %div3A_23, %sub3A_47 : vector<16xi32>
    %select_n3A_49 = arith.select %and3A_46, %sub3A_48, %div3A_23 : vector<16xi1>, vector<16xi32>
    %mul3A_50 = arith.constant 688 : i32
    %mul3A_51 = vector.broadcast %mul3A_50 : i32 to vector<16xi32>
    %mul3A_52 = arith.muli %select_n3A_49, %mul3A_51 : vector<16xi32>
    %add3A_53 = arith.addi %mul3A_21, %mul3A_52 : vector<16xi32>
    %jit3A_54 = arith.constant 3 : i32
    %div3A_55 = vector.broadcast %jit3A_54 : i32 to vector<16xi32>
    %div3A_56 = arith.divsi %iota3A, %div3A_55 : vector<16xi32>
    %sign3A_57 = arith.constant 0 : i32
    %sign3A_58 = vector.broadcast %sign3A_57 : i32 to vector<16xi32>
    %sign3A_59 = arith.cmpi sgt, %iota3A, %sign3A_58 : vector<16xi32>
    %sign3A_60 = arith.extui %sign3A_59 : vector<16xi1> to vector<16xi32>
    %sign3A_61 = arith.constant 0 : i32
    %sign3A_62 = vector.broadcast %sign3A_61 : i32 to vector<16xi32>
    %sign3A_63 = arith.cmpi slt, %iota3A, %sign3A_62 : vector<16xi32>
    %sign3A_64 = arith.extui %sign3A_63 : vector<16xi1> to vector<16xi32>
    %sign3A_65 = arith.subi %sign3A_60, %sign3A_64 : vector<16xi32>
    %sign3A_66 = arith.constant 0 : i32
    %sign3A_67 = arith.cmpi sgt, %jit3A_54, %sign3A_66 : i32
    %sign3A_68 = arith.extui %sign3A_67 : i1 to i32
    %sign3A_69 = arith.constant 0 : i32
    %sign3A_70 = arith.cmpi slt, %jit3A_54, %sign3A_69 : i32
    %sign3A_71 = arith.extui %sign3A_70 : i1 to i32
    %sign3A_72 = arith.subi %sign3A_68, %sign3A_71 : i32
    %ne3A_73 = vector.broadcast %sign3A_72 : i32 to vector<16xi32>
    %ne3A_74 = arith.cmpi ne, %sign3A_65, %ne3A_73 : vector<16xi32>
    %rem3A_75 = vector.broadcast %jit3A_54 : i32 to vector<16xi32>
    %rem3A_76 = arith.remsi %iota3A, %rem3A_75 : vector<16xi32>
    %ne3A_77 = arith.constant 0 : i32
    %ne3A_78 = vector.broadcast %ne3A_77 : i32 to vector<16xi32>
    %ne3A_79 = arith.cmpi ne, %rem3A_76, %ne3A_78 : vector<16xi32>
    %and3A_80 = arith.andi %ne3A_74, %ne3A_79 : vector<16xi1>
    %sub3A_81 = arith.constant 1 : i32
    %sub3A_82 = vector.broadcast %sub3A_81 : i32 to vector<16xi32>
    %sub3A_83 = arith.subi %div3A_56, %sub3A_82 : vector<16xi32>
    %select_n3A_84 = arith.select %and3A_80, %sub3A_83, %div3A_56 : vector<16xi1>, vector<16xi32>
    %jit3A_85 = arith.constant 2 : i32
    %eq3A_86 = arith.constant 0 : i32
    %eq3A_87 = arith.cmpi eq, %jit3A_85, %eq3A_86 : i32
    %jit3A_88 = arith.constant 1 : i32
    %select_n3A_89 = arith.select %eq3A_87, %jit3A_88, %jit3A_85 : i32
    %rem3A_90 = vector.broadcast %select_n3A_89 : i32 to vector<16xi32>
    %rem3A_91 = arith.remsi %select_n3A_84, %rem3A_90 : vector<16xi32>
    %ne3A_92 = arith.constant 0 : i32
    %ne3A_93 = vector.broadcast %ne3A_92 : i32 to vector<16xi32>
    %ne3A_94 = arith.cmpi ne, %rem3A_91, %ne3A_93 : vector<16xi32>
    %lt3A_95 = arith.constant 0 : i32
    %lt3A_96 = vector.broadcast %lt3A_95 : i32 to vector<16xi32>
    %lt3A_97 = arith.cmpi slt, %rem3A_91, %lt3A_96 : vector<16xi32>
    %lt3A_98 = arith.constant 0 : i32
    %lt3A_99 = arith.cmpi slt, %select_n3A_89, %lt3A_98 : i32
    %ne3A_100 = vector.broadcast %lt3A_99 : i1 to vector<16xi1>
    %ne3A_101 = vector.broadcast %ne3A_100 : vector<16xi1> to vector<16xi1>
    %ne3A_102 = arith.xori %lt3A_97, %ne3A_101 : vector<16xi1>
    %and3A_103 = arith.andi %ne3A_102, %ne3A_94 : vector<16xi1>
    %add3A_104 = vector.broadcast %select_n3A_89 : i32 to vector<16xi32>
    %add3A_105 = arith.addi %rem3A_91, %add3A_104 : vector<16xi32>
    %select_n3A_106 = arith.select %and3A_103, %add3A_105, %rem3A_91 : vector<16xi1>, vector<16xi32>
    %add3A_107 = arith.addi %add3A_53, %select_n3A_106 : vector<16xi32>
    %jit3A_108 = arith.constant 0 : i32
    %broadcast_in_dim3A = vector.broadcast %jit3A_108 : i32 to vector<16xi32>
    %select_n3A_109 = arith.select %lt3A_2, %add3A_107, %broadcast_in_dim3A : vector<16xi1>, vector<16xi32>
    %scan3A = arith.constant 0 : i32
    %scan3A_110 = arith.constant 0 : i32
    %scan3A_111 = arith.constant 43 : i32
    %scan3A_112 = arith.addi %scan3A_110, %scan3A_111 : i32
    %scan3A_113 = arith.constant 1 : i32
    scf.for %scan3A_129 = %scan3A_110 to %scan3A_112 step %scan3A_113  : i32 {
      %mul3A_130 = arith.constant 43 : i32
      %mul3A_131 = arith.muli %arg1, %mul3A_130 : i32
      %add3A_132 = arith.addi %mul3A_131, %scan3A_129 : i32
      %lt3A_133 = arith.constant 687 : i32
      %lt3A_134 = arith.cmpi slt, %add3A_132, %lt3A_133 : i32
      %convert_element_type3A = arith.extui %lt3A_134 : i1 to i32
      %cond3A = arith.constant 0 : i32
      %cond3A_135 = arith.cmpi ne, %convert_element_type3A, %cond3A : i32
      scf.if %cond3A_135 {
        %mul3A_136 = arith.constant 688 : i32
        %mul3A_137 = arith.muli %add3A_132, %mul3A_136 : i32
        %add3A_138 = arith.constant 0 : i32
        %add3A_139 = arith.addi %add3A_138, %mul3A_137 : i32
        "tpu.region"() ({
          %run_scoped3A = tpu.sem_alloc : memref<!tpu.dma_semaphore, #tpu.memory_space<semaphore_mem>>
          %dma_start3A = arith.constant 0 : i32
          %dma_start3A_163 = tpu.memref_slice %arg8[%dma_start3A] : memref<4128xf32, #tpu.memory_space<vmem>> -> memref<1376xf32, #tpu.memory_space<vmem>>
          %dma_start3A_164 = tpu.memref_slice %arg3[%add3A_139] : memref<1420032xf32, #tpu.memory_space<hbm>> -> memref<1376xf32, #tpu.memory_space<hbm>>
          %dma_start3A_165 = arith.constant 0 : i32
          %dma_start3A_166 = tpu.memref_slice %arg8[%dma_start3A_165] : memref<4128xf32, #tpu.memory_space<vmem>> -> memref<1376xf32, #tpu.memory_space<vmem>>
          %dma_start3A_167 = tpu.memref_slice %arg3[%add3A_139] : memref<1420032xf32, #tpu.memory_space<hbm>> -> memref<1376xf32, #tpu.memory_space<hbm>>
          tpu.enqueue_dma source(%dma_start3A_167 : memref<1376xf32, #tpu.memory_space<hbm>>) target(%dma_start3A_166 : memref<1376xf32, #tpu.memory_space<vmem>>) target_semaphore(%run_scoped3A : memref<!tpu.dma_semaphore, #tpu.memory_space<semaphore_mem>>)
          %dma_wait3A = arith.constant 0 : i32
          %dma_wait3A_168 = tpu.memref_slice %arg8[%dma_wait3A] : memref<4128xf32, #tpu.memory_space<vmem>> -> memref<1376xf32, #tpu.memory_space<vmem>>
          %dma_wait3A_169 = tpu.memref_slice %arg3[%add3A_139] : memref<1420032xf32, #tpu.memory_space<hbm>> -> memref<1376xf32, #tpu.memory_space<hbm>>
          %dma_wait3A_170 = arith.constant 0 : i32
          %dma_wait3A_171 = tpu.memref_slice %arg8[%dma_wait3A_170] : memref<4128xf32, #tpu.memory_space<vmem>> -> memref<1376xf32, #tpu.memory_space<vmem>>
          %dma_wait3A_172 = tpu.memref_slice %arg3[%add3A_139] : memref<1420032xf32, #tpu.memory_space<hbm>> -> memref<1376xf32, #tpu.memory_space<hbm>>
          tpu.wait_dma2 semaphore(%run_scoped3A : memref<!tpu.dma_semaphore, #tpu.memory_space<semaphore_mem>>) src(%dma_wait3A_172 : memref<1376xf32, #tpu.memory_space<hbm>>) dst(%dma_wait3A_171 : memref<1376xf32, #tpu.memory_space<vmem>>)
          tpu.yield
        }) : () -> ()
        %mul3A_140 = arith.constant 688 : i32
        %mul3A_141 = arith.muli %add3A_132, %mul3A_140 : i32
        %add3A_142 = arith.constant 473344 : i32
        %add3A_143 = arith.addi %add3A_142, %mul3A_141 : i32
        "tpu.region"() ({
          %run_scoped3A = tpu.sem_alloc : memref<!tpu.dma_semaphore, #tpu.memory_space<semaphore_mem>>
          %dma_start3A = arith.constant 1376 : i32
          %dma_start3A_163 = tpu.memref_slice %arg8[%dma_start3A] : memref<4128xf32, #tpu.memory_space<vmem>> -> memref<1376xf32, #tpu.memory_space<vmem>>
          %dma_start3A_164 = tpu.memref_slice %arg3[%add3A_143] : memref<1420032xf32, #tpu.memory_space<hbm>> -> memref<1376xf32, #tpu.memory_space<hbm>>
          %dma_start3A_165 = arith.constant 1376 : i32
          %dma_start3A_166 = tpu.memref_slice %arg8[%dma_start3A_165] : memref<4128xf32, #tpu.memory_space<vmem>> -> memref<1376xf32, #tpu.memory_space<vmem>>
          %dma_start3A_167 = tpu.memref_slice %arg3[%add3A_143] : memref<1420032xf32, #tpu.memory_space<hbm>> -> memref<1376xf32, #tpu.memory_space<hbm>>
          tpu.enqueue_dma source(%dma_start3A_167 : memref<1376xf32, #tpu.memory_space<hbm>>) target(%dma_start3A_166 : memref<1376xf32, #tpu.memory_space<vmem>>) target_semaphore(%run_scoped3A : memref<!tpu.dma_semaphore, #tpu.memory_space<semaphore_mem>>)
          %dma_wait3A = arith.constant 1376 : i32
          %dma_wait3A_168 = tpu.memref_slice %arg8[%dma_wait3A] : memref<4128xf32, #tpu.memory_space<vmem>> -> memref<1376xf32, #tpu.memory_space<vmem>>
          %dma_wait3A_169 = tpu.memref_slice %arg3[%add3A_143] : memref<1420032xf32, #tpu.memory_space<hbm>> -> memref<1376xf32, #tpu.memory_space<hbm>>
          %dma_wait3A_170 = arith.constant 1376 : i32
          %dma_wait3A_171 = tpu.memref_slice %arg8[%dma_wait3A_170] : memref<4128xf32, #tpu.memory_space<vmem>> -> memref<1376xf32, #tpu.memory_space<vmem>>
          %dma_wait3A_172 = tpu.memref_slice %arg3[%add3A_143] : memref<1420032xf32, #tpu.memory_space<hbm>> -> memref<1376xf32, #tpu.memory_space<hbm>>
          tpu.wait_dma2 semaphore(%run_scoped3A : memref<!tpu.dma_semaphore, #tpu.memory_space<semaphore_mem>>) src(%dma_wait3A_172 : memref<1376xf32, #tpu.memory_space<hbm>>) dst(%dma_wait3A_171 : memref<1376xf32, #tpu.memory_space<vmem>>)
          tpu.yield
        }) : () -> ()
        %mul3A_144 = arith.constant 688 : i32
        %mul3A_145 = arith.muli %add3A_132, %mul3A_144 : i32
        %add3A_146 = arith.constant 946688 : i32
        %add3A_147 = arith.addi %add3A_146, %mul3A_145 : i32
        "tpu.region"() ({
          %run_scoped3A = tpu.sem_alloc : memref<!tpu.dma_semaphore, #tpu.memory_space<semaphore_mem>>
          %dma_start3A = arith.constant 2752 : i32
          %dma_start3A_163 = tpu.memref_slice %arg8[%dma_start3A] : memref<4128xf32, #tpu.memory_space<vmem>> -> memref<1376xf32, #tpu.memory_space<vmem>>
          %dma_start3A_164 = tpu.memref_slice %arg3[%add3A_147] : memref<1420032xf32, #tpu.memory_space<hbm>> -> memref<1376xf32, #tpu.memory_space<hbm>>
          %dma_start3A_165 = arith.constant 2752 : i32
          %dma_start3A_166 = tpu.memref_slice %arg8[%dma_start3A_165] : memref<4128xf32, #tpu.memory_space<vmem>> -> memref<1376xf32, #tpu.memory_space<vmem>>
          %dma_start3A_167 = tpu.memref_slice %arg3[%add3A_147] : memref<1420032xf32, #tpu.memory_space<hbm>> -> memref<1376xf32, #tpu.memory_space<hbm>>
          tpu.enqueue_dma source(%dma_start3A_167 : memref<1376xf32, #tpu.memory_space<hbm>>) target(%dma_start3A_166 : memref<1376xf32, #tpu.memory_space<vmem>>) target_semaphore(%run_scoped3A : memref<!tpu.dma_semaphore, #tpu.memory_space<semaphore_mem>>)
          %dma_wait3A = arith.constant 2752 : i32
          %dma_wait3A_168 = tpu.memref_slice %arg8[%dma_wait3A] : memref<4128xf32, #tpu.memory_space<vmem>> -> memref<1376xf32, #tpu.memory_space<vmem>>
          %dma_wait3A_169 = tpu.memref_slice %arg3[%add3A_147] : memref<1420032xf32, #tpu.memory_space<hbm>> -> memref<1376xf32, #tpu.memory_space<hbm>>
          %dma_wait3A_170 = arith.constant 2752 : i32
          %dma_wait3A_171 = tpu.memref_slice %arg8[%dma_wait3A_170] : memref<4128xf32, #tpu.memory_space<vmem>> -> memref<1376xf32, #tpu.memory_space<vmem>>
          %dma_wait3A_172 = tpu.memref_slice %arg3[%add3A_147] : memref<1420032xf32, #tpu.memory_space<hbm>> -> memref<1376xf32, #tpu.memory_space<hbm>>
          tpu.wait_dma2 semaphore(%run_scoped3A : memref<!tpu.dma_semaphore, #tpu.memory_space<semaphore_mem>>) src(%dma_wait3A_172 : memref<1376xf32, #tpu.memory_space<hbm>>) dst(%dma_wait3A_171 : memref<1376xf32, #tpu.memory_space<vmem>>)
          tpu.yield
        }) : () -> ()
        %parallel_loop3A = arith.constant 0 : i32
        %parallel_loop3A_148 = arith.constant 258 : i32
        %parallel_loop3A_149 = arith.constant 1 : i32
        scf.for %parallel_loop3A_163 = %parallel_loop3A to %parallel_loop3A_148 step %parallel_loop3A_149  : i32 {
          %parallel_loop3A_164 = arith.constant 16 : i32
          %parallel_loop3A_165 = arith.muli %parallel_loop3A_163, %parallel_loop3A_164 : i32
          %parallel_loop3A_166 = arith.index_cast %parallel_loop3A_165 : i32 to index
          %parallel_loop3A_167 = tpu.vector_load %arg8[%parallel_loop3A_166] {strides = array<i32>} : memref<4128xf32, #tpu.memory_space<vmem>>, vector<16xf32>,
          %parallel_loop3A_168 = arith.constant 0.000000e+00 : f32
          %parallel_loop3A_169 = vector.broadcast %parallel_loop3A_168 : f32 to vector<16xf32>
          %parallel_loop3A_170 = arith.subf %parallel_loop3A_169, %parallel_loop3A_167 : vector<16xf32>
          %parallel_loop3A_171 = math.exp %parallel_loop3A_170 : vector<16xf32>
          %parallel_loop3A_172 = arith.constant 1.000000e+00 : f32
          %parallel_loop3A_173 = vector.broadcast %parallel_loop3A_172 : f32 to vector<16xf32>
          %parallel_loop3A_174 = arith.addf %parallel_loop3A_173, %parallel_loop3A_171 : vector<16xf32>
          %parallel_loop3A_175 = arith.constant 1.000000e+00 : f32
          %parallel_loop3A_176 = vector.broadcast %parallel_loop3A_175 : f32 to vector<16xf32>
          %parallel_loop3A_177 = arith.divf %parallel_loop3A_176, %parallel_loop3A_174 : vector<16xf32>
          %parallel_loop3A_178 = arith.constant 16 : i32
          %parallel_loop3A_179 = arith.muli %parallel_loop3A_163, %parallel_loop3A_178 : i32
          %parallel_loop3A_180 = arith.index_cast %parallel_loop3A_179 : i32 to index
          %parallel_loop3A_181 = tpu.vector_load %arg9[%parallel_loop3A_180] {strides = array<i32>} : memref<4128xf32, #tpu.memory_space<vmem>>, vector<16xf32>,
          tpu.vector_store %arg9[%parallel_loop3A_180], %parallel_loop3A_177 {strides = array<i32>} : memref<4128xf32, #tpu.memory_space<vmem>>, vector<16xf32>,
        } {sc.loop_unroll_factor = 4 : i64, sc.parallel_access}
        %parallel_loop3A_150 = arith.constant 0 : i32
        %parallel_loop3A_151 = arith.constant 687 : i32
        %parallel_loop3A_152 = arith.constant 1 : i32
        scf.for %parallel_loop3A_163 = %parallel_loop3A_150 to %parallel_loop3A_151 step %parallel_loop3A_152  : i32 {
          %parallel_loop3A_164 = vector.broadcast %parallel_loop3A_163 : i32 to vector<16xi32>
          %parallel_loop3A_165 = arith.addi %select_n3A_109, %parallel_loop3A_164 : vector<16xi32>
          %parallel_loop3A_166 = tpu.vector_load_idx %arg9[%parallel_loop3A_165] : memref<4128xf32, #tpu.memory_space<vmem>>[vector<16xi32>], vector<16xf32>,
          %parallel_loop3A_167 = vector.broadcast %parallel_loop3A_163 : i32 to vector<16xi32>
          tpu.vector_store_idx %arg10[%parallel_loop3A_167, %iota3A], %parallel_loop3A_166 : memref<687x16xf32, #tpu.memory_space<vmem>>[vector<16xi32>, vector<16xi32>], vector<16xf32>,
        } {sc.loop_unroll_factor = 4 : i64, sc.parallel_access}
        %eq3A_153 = arith.constant 0 : i32
        %eq3A_154 = arith.cmpi eq, %arg0, %eq3A_153 : i32
        %convert_element_type3A_155 = arith.extui %eq3A_154 : i1 to i32
        %cond3A_156 = arith.constant 0 : i32
        %cond3A_157 = arith.cmpi ne, %convert_element_type3A_155, %cond3A_156 : i32
        scf.if %cond3A_157 {
          %mul3A_163 = arith.constant 687 : i32
          %mul3A_164 = arith.muli %add3A_132, %mul3A_163 : i32
          "tpu.region"() ({
            %run_scoped3A = tpu.sem_alloc : memref<!tpu.dma_semaphore, #tpu.memory_space<semaphore_mem>>
            %dma_start3A = arith.constant 0 : i32
            %dma_start3A_165 = tpu.memref_slice %arg6[%mul3A_164, %dma_start3A] : memref<471969x16xf32, #tpu.memory_space<hbm>> -> memref<687x16xf32, #tpu.memory_space<hbm>>
            %dma_start3A_166 = arith.constant 0 : i32
            %dma_start3A_167 = tpu.memref_slice %arg6[%mul3A_164, %dma_start3A_166] : memref<471969x16xf32, #tpu.memory_space<hbm>> -> memref<687x16xf32, #tpu.memory_space<hbm>>
            tpu.enqueue_dma source(%arg10 : memref<687x16xf32, #tpu.memory_space<vmem>>) target(%dma_start3A_167 : memref<687x16xf32, #tpu.memory_space<hbm>>) target_semaphore(%run_scoped3A : memref<!tpu.dma_semaphore, #tpu.memory_space<semaphore_mem>>)
            %dma_wait3A = arith.constant 0 : i32
            %dma_wait3A_168 = tpu.memref_slice %arg6[%mul3A_164, %dma_wait3A] : memref<471969x16xf32, #tpu.memory_space<hbm>> -> memref<687x16xf32, #tpu.memory_space<hbm>>
            %dma_wait3A_169 = arith.constant 0 : i32
            %dma_wait3A_170 = tpu.memref_slice %arg6[%mul3A_164, %dma_wait3A_169] : memref<471969x16xf32, #tpu.memory_space<hbm>> -> memref<687x16xf32, #tpu.memory_space<hbm>>
            tpu.wait_dma2 semaphore(%run_scoped3A : memref<!tpu.dma_semaphore, #tpu.memory_space<semaphore_mem>>) src(%arg10 : memref<687x16xf32, #tpu.memory_space<vmem>>) dst(%dma_wait3A_170 : memref<687x16xf32, #tpu.memory_space<hbm>>)
            tpu.yield
          }) : () -> ()
        } else {
        }
        %eq3A_158 = arith.constant 1 : i32
        %eq3A_159 = arith.cmpi eq, %arg0, %eq3A_158 : i32
        %convert_element_type3A_160 = arith.extui %eq3A_159 : i1 to i32
        %cond3A_161 = arith.constant 0 : i32
        %cond3A_162 = arith.cmpi ne, %convert_element_type3A_160, %cond3A_161 : i32
        scf.if %cond3A_162 {
          %mul3A_163 = arith.constant 687 : i32
          %mul3A_164 = arith.muli %add3A_132, %mul3A_163 : i32
          "tpu.region"() ({
            %run_scoped3A = tpu.sem_alloc : memref<!tpu.dma_semaphore, #tpu.memory_space<semaphore_mem>>
            %dma_start3A = arith.constant 0 : i32
            %dma_start3A_165 = tpu.memref_slice %arg7[%mul3A_164, %dma_start3A] : memref<471969x16xf32, #tpu.memory_space<hbm>> -> memref<687x16xf32, #tpu.memory_space<hbm>>
            %dma_start3A_166 = arith.constant 0 : i32
            %dma_start3A_167 = tpu.memref_slice %arg7[%mul3A_164, %dma_start3A_166] : memref<471969x16xf32, #tpu.memory_space<hbm>> -> memref<687x16xf32, #tpu.memory_space<hbm>>
            tpu.enqueue_dma source(%arg10 : memref<687x16xf32, #tpu.memory_space<vmem>>) target(%dma_start3A_167 : memref<687x16xf32, #tpu.memory_space<hbm>>) target_semaphore(%run_scoped3A : memref<!tpu.dma_semaphore, #tpu.memory_space<semaphore_mem>>)
            %dma_wait3A = arith.constant 0 : i32
            %dma_wait3A_168 = tpu.memref_slice %arg7[%mul3A_164, %dma_wait3A] : memref<471969x16xf32, #tpu.memory_space<hbm>> -> memref<687x16xf32, #tpu.memory_space<hbm>>
            %dma_wait3A_169 = arith.constant 0 : i32
            %dma_wait3A_170 = tpu.memref_slice %arg7[%mul3A_164, %dma_wait3A_169] : memref<471969x16xf32, #tpu.memory_space<hbm>> -> memref<687x16xf32, #tpu.memory_space<hbm>>
            tpu.wait_dma2 semaphore(%run_scoped3A : memref<!tpu.dma_semaphore, #tpu.memory_space<semaphore_mem>>) src(%arg10 : memref<687x16xf32, #tpu.memory_space<vmem>>) dst(%dma_wait3A_170 : memref<687x16xf32, #tpu.memory_space<hbm>>)
            tpu.yield
          }) : () -> ()
        } else {
        }
      } else {
      }
    }
    %scan3A_114 = arith.constant 43 : i32
    %scan3A_115 = arith.constant 0 : i32
    %scan3A_116 = arith.constant 0 : i32
    %scan3A_117 = arith.constant 12 : i32
    %scan3A_118 = arith.addi %scan3A_116, %scan3A_117 : i32
    %scan3A_119 = arith.constant 1 : i32
    scf.for %scan3A_129 = %scan3A_116 to %scan3A_118 step %scan3A_119  : i32 {
      %mul3A_130 = arith.constant 2000 : i32
      %mul3A_131 = arith.muli %scan3A_129, %mul3A_130 : i32
      "tpu.region"() ({
        %run_scoped3A = tpu.sem_alloc : memref<!tpu.dma_semaphore, #tpu.memory_space<semaphore_mem>>
        %dma_start3A = arith.constant 0 : i32
        %dma_start3A_134 = tpu.memref_slice %arg8[%dma_start3A] : memref<4128xf32, #tpu.memory_space<vmem>> -> memref<2000xf32, #tpu.memory_space<vmem>>
        %dma_start3A_135 = tpu.memref_slice %arg4[%mul3A_131] : memref<24000xf32, #tpu.memory_space<hbm>> -> memref<2000xf32, #tpu.memory_space<hbm>>
        %dma_start3A_136 = arith.constant 0 : i32
        %dma_start3A_137 = tpu.memref_slice %arg8[%dma_start3A_136] : memref<4128xf32, #tpu.memory_space<vmem>> -> memref<2000xf32, #tpu.memory_space<vmem>>
        %dma_start3A_138 = tpu.memref_slice %arg4[%mul3A_131] : memref<24000xf32, #tpu.memory_space<hbm>> -> memref<2000xf32, #tpu.memory_space<hbm>>
        tpu.enqueue_dma source(%dma_start3A_138 : memref<2000xf32, #tpu.memory_space<hbm>>) target(%dma_start3A_137 : memref<2000xf32, #tpu.memory_space<vmem>>) target_semaphore(%run_scoped3A : memref<!tpu.dma_semaphore, #tpu.memory_space<semaphore_mem>>)
        %dma_wait3A = arith.constant 0 : i32
        %dma_wait3A_139 = tpu.memref_slice %arg8[%dma_wait3A] : memref<4128xf32, #tpu.memory_space<vmem>> -> memref<2000xf32, #tpu.memory_space<vmem>>
        %dma_wait3A_140 = tpu.memref_slice %arg4[%mul3A_131] : memref<24000xf32, #tpu.memory_space<hbm>> -> memref<2000xf32, #tpu.memory_space<hbm>>
        %dma_wait3A_141 = arith.constant 0 : i32
        %dma_wait3A_142 = tpu.memref_slice %arg8[%dma_wait3A_141] : memref<4128xf32, #tpu.memory_space<vmem>> -> memref<2000xf32, #tpu.memory_space<vmem>>
        %dma_wait3A_143 = tpu.memref_slice %arg4[%mul3A_131] : memref<24000xf32, #tpu.memory_space<hbm>> -> memref<2000xf32, #tpu.memory_space<hbm>>
        tpu.wait_dma2 semaphore(%run_scoped3A : memref<!tpu.dma_semaphore, #tpu.memory_space<semaphore_mem>>) src(%dma_wait3A_143 : memref<2000xf32, #tpu.memory_space<hbm>>) dst(%dma_wait3A_142 : memref<2000xf32, #tpu.memory_space<vmem>>)
        tpu.yield
      }) : () -> ()
      %parallel_loop3A = arith.constant 0 : i32
      %parallel_loop3A_132 = arith.constant 125 : i32
      %parallel_loop3A_133 = arith.constant 1 : i32
      scf.for %parallel_loop3A_134 = %parallel_loop3A to %parallel_loop3A_132 step %parallel_loop3A_133  : i32 {
        %parallel_loop3A_135 = arith.constant 16 : i32
        %parallel_loop3A_136 = arith.muli %parallel_loop3A_134, %parallel_loop3A_135 : i32
        %parallel_loop3A_137 = arith.index_cast %parallel_loop3A_136 : i32 to index
        %parallel_loop3A_138 = tpu.vector_load %arg8[%parallel_loop3A_137] {strides = array<i32>} : memref<4128xf32, #tpu.memory_space<vmem>>, vector<16xf32>,
        %parallel_loop3A_139 = arith.constant 0.000000e+00 : f32
        %parallel_loop3A_140 = vector.broadcast %parallel_loop3A_139 : f32 to vector<16xf32>
        %parallel_loop3A_141 = arith.subf %parallel_loop3A_140, %parallel_loop3A_138 : vector<16xf32>
        %parallel_loop3A_142 = math.exp %parallel_loop3A_141 : vector<16xf32>
        %parallel_loop3A_143 = arith.constant 1.000000e+00 : f32
        %parallel_loop3A_144 = vector.broadcast %parallel_loop3A_143 : f32 to vector<16xf32>
        %parallel_loop3A_145 = arith.addf %parallel_loop3A_144, %parallel_loop3A_142 : vector<16xf32>
        %parallel_loop3A_146 = arith.constant 1.000000e+00 : f32
        %parallel_loop3A_147 = vector.broadcast %parallel_loop3A_146 : f32 to vector<16xf32>
        %parallel_loop3A_148 = arith.divf %parallel_loop3A_147, %parallel_loop3A_145 : vector<16xf32>
        %parallel_loop3A_149 = arith.constant 2000 : i32
        %parallel_loop3A_150 = arith.muli %scan3A_129, %parallel_loop3A_149 : i32
        %parallel_loop3A_151 = arith.constant 16 : i32
        %parallel_loop3A_152 = arith.muli %parallel_loop3A_134, %parallel_loop3A_151 : i32
        %parallel_loop3A_153 = arith.addi %parallel_loop3A_150, %parallel_loop3A_152 : i32
        %parallel_loop3A_154 = arith.index_cast %parallel_loop3A_153 : i32 to index
        %parallel_loop3A_155 = tpu.vector_load %arg11[%parallel_loop3A_154] {strides = array<i32>} : memref<24000xf32, #tpu.memory_space<vmem>>, vector<16xf32>,
        tpu.vector_store %arg11[%parallel_loop3A_154], %parallel_loop3A_148 {strides = array<i32>} : memref<24000xf32, #tpu.memory_space<vmem>>, vector<16xf32>,
      } {sc.loop_unroll_factor = 4 : i64, sc.parallel_access}
    }
    %scan3A_120 = arith.constant 12 : i32
    %barrier3A = arith.constant 0 : index
    tpu.barrier barrier_id(%barrier3A)
    %mul3A_121 = arith.constant 131072 : i32
    %mul3A_122 = arith.muli %add3A, %mul3A_121 : i32
    %scan3A_123 = arith.constant 0 : i32
    %scan3A_124 = arith.constant 0 : i32
    %scan3A_125 = arith.constant 128 : i32
    %scan3A_126 = arith.addi %scan3A_124, %scan3A_125 : i32
    %scan3A_127 = arith.constant 1 : i32
    scf.for %scan3A_129 = %scan3A_124 to %scan3A_126 step %scan3A_127  : i32 {
      %mul3A_130 = arith.constant 1024 : i32
      %mul3A_131 = arith.muli %scan3A_129, %mul3A_130 : i32
      %add3A_132 = arith.addi %mul3A_122, %mul3A_131 : i32
      %mul3A_133 = arith.constant 2 : i32
      %mul3A_134 = arith.muli %mul3A_133, %add3A_132 : i32
      "tpu.region"() ({
        %run_scoped3A = tpu.sem_alloc : memref<!tpu.dma_semaphore, #tpu.memory_space<semaphore_mem>>
        %dma_start3A = tpu.memref_slice %arg2[%mul3A_134] : memref<8388608xf32, #tpu.memory_space<hbm>> -> memref<2048xf32, #tpu.memory_space<hbm>>
        %dma_start3A_150 = tpu.memref_slice %arg2[%mul3A_134] : memref<8388608xf32, #tpu.memory_space<hbm>> -> memref<2048xf32, #tpu.memory_space<hbm>>
        tpu.enqueue_dma source(%dma_start3A_150 : memref<2048xf32, #tpu.memory_space<hbm>>) target(%arg12 : memref<2048xf32, #tpu.memory_space<vmem>>) target_semaphore(%run_scoped3A : memref<!tpu.dma_semaphore, #tpu.memory_space<semaphore_mem>>)
        %dma_wait3A = tpu.memref_slice %arg2[%mul3A_134] : memref<8388608xf32, #tpu.memory_space<hbm>> -> memref<2048xf32, #tpu.memory_space<hbm>>
        %dma_wait3A_151 = tpu.memref_slice %arg2[%mul3A_134] : memref<8388608xf32, #tpu.memory_space<hbm>> -> memref<2048xf32, #tpu.memory_space<hbm>>
        tpu.wait_dma2 semaphore(%run_scoped3A : memref<!tpu.dma_semaphore, #tpu.memory_space<semaphore_mem>>) src(%dma_wait3A_151 : memref<2048xf32, #tpu.memory_space<hbm>>) dst(%arg12 : memref<2048xf32, #tpu.memory_space<vmem>>)
        tpu.yield
      }) : () -> ()
      %parallel_loop3A = arith.constant 0 : i32
      %parallel_loop3A_135 = arith.constant 64 : i32
      %parallel_loop3A_136 = arith.constant 1 : i32
      scf.for %parallel_loop3A_150 = %parallel_loop3A to %parallel_loop3A_135 step %parallel_loop3A_136  : i32 {
        %parallel_loop3A_151 = arith.constant 16 : i32
        %parallel_loop3A_152 = arith.muli %parallel_loop3A_150, %parallel_loop3A_151 : i32
        %parallel_loop3A_153 = vector.broadcast %parallel_loop3A_152 : i32 to vector<16xi32>
        %parallel_loop3A_154 = arith.addi %parallel_loop3A_153, %iota3A : vector<16xi32>
        %parallel_loop3A_155 = arith.constant 7 : i32
        %parallel_loop3A_156 = vector.broadcast %parallel_loop3A_155 : i32 to vector<16xi32>
        %parallel_loop3A_157 = arith.shrsi %parallel_loop3A_154, %parallel_loop3A_156 : vector<16xi32>
        %parallel_loop3A_158 = arith.constant 256 : i32
        %parallel_loop3A_159 = vector.broadcast %parallel_loop3A_158 : i32 to vector<16xi32>
        %parallel_loop3A_160 = arith.muli %parallel_loop3A_157, %parallel_loop3A_159 : vector<16xi32>
        %parallel_loop3A_161 = arith.constant 127 : i32
        %parallel_loop3A_162 = vector.broadcast %parallel_loop3A_161 : i32 to vector<16xi32>
        %parallel_loop3A_163 = arith.andi %parallel_loop3A_154, %parallel_loop3A_162 : vector<16xi32>
        %parallel_loop3A_164 = arith.addi %parallel_loop3A_160, %parallel_loop3A_163 : vector<16xi32>
        %parallel_loop3A_165 = tpu.vector_load_idx %arg12[%parallel_loop3A_164] : memref<2048xf32, #tpu.memory_space<vmem>>[vector<16xi32>], vector<16xf32>,
        %parallel_loop3A_166 = arith.constant 128 : i32
        %parallel_loop3A_167 = vector.broadcast %parallel_loop3A_166 : i32 to vector<16xi32>
        %parallel_loop3A_168 = arith.addi %parallel_loop3A_164, %parallel_loop3A_167 : vector<16xi32>
        %parallel_loop3A_169 = tpu.vector_load_idx %arg12[%parallel_loop3A_168] : memref<2048xf32, #tpu.memory_space<vmem>>[vector<16xi32>], vector<16xf32>,
        %parallel_loop3A_170 = arith.constant 0.000000e+00 : f32
        %parallel_loop3A_171 = vector.broadcast %parallel_loop3A_170 : f32 to vector<16xf32>
        %parallel_loop3A_172 = arith.maximumf %parallel_loop3A_165, %parallel_loop3A_171 : vector<16xf32>
        %parallel_loop3A_173 = arith.constant 1.000000e+00 : f32
        %parallel_loop3A_174 = vector.broadcast %parallel_loop3A_173 : f32 to vector<16xf32>
        %parallel_loop3A_175 = arith.minimumf %parallel_loop3A_172, %parallel_loop3A_174 : vector<16xf32>
        %parallel_loop3A_176 = arith.constant 6.870000e+02 : f32
        %parallel_loop3A_177 = vector.broadcast %parallel_loop3A_176 : f32 to vector<16xf32>
        %parallel_loop3A_178 = arith.mulf %parallel_loop3A_175, %parallel_loop3A_177 : vector<16xf32>
        %parallel_loop3A_179 = arith.constant 0.000000e+00 : f32
        %parallel_loop3A_180 = vector.broadcast %parallel_loop3A_179 : f32 to vector<16xf32>
        %parallel_loop3A_181 = arith.maximumf %parallel_loop3A_169, %parallel_loop3A_180 : vector<16xf32>
        %parallel_loop3A_182 = arith.constant 1.000000e+00 : f32
        %parallel_loop3A_183 = vector.broadcast %parallel_loop3A_182 : f32 to vector<16xf32>
        %parallel_loop3A_184 = arith.minimumf %parallel_loop3A_181, %parallel_loop3A_183 : vector<16xf32>
        %parallel_loop3A_185 = arith.constant 6.870000e+02 : f32
        %parallel_loop3A_186 = vector.broadcast %parallel_loop3A_185 : f32 to vector<16xf32>
        %parallel_loop3A_187 = arith.mulf %parallel_loop3A_184, %parallel_loop3A_186 : vector<16xf32>
        %parallel_loop3A_188 = arith.fptosi %parallel_loop3A_178 : vector<16xf32> to vector<16xi32>
        %parallel_loop3A_189 = arith.constant 686 : i32
        %parallel_loop3A_190 = vector.broadcast %parallel_loop3A_189 : i32 to vector<16xi32>
        %parallel_loop3A_191 = arith.minsi %parallel_loop3A_188, %parallel_loop3A_190 : vector<16xi32>
        %parallel_loop3A_192 = arith.fptosi %parallel_loop3A_187 : vector<16xf32> to vector<16xi32>
        %parallel_loop3A_193 = arith.constant 686 : i32
        %parallel_loop3A_194 = vector.broadcast %parallel_loop3A_193 : i32 to vector<16xi32>
        %parallel_loop3A_195 = arith.minsi %parallel_loop3A_192, %parallel_loop3A_194 : vector<16xi32>
        %parallel_loop3A_196 = arith.constant 687 : i32
        %parallel_loop3A_197 = vector.broadcast %parallel_loop3A_196 : i32 to vector<16xi32>
        %parallel_loop3A_198 = arith.muli %parallel_loop3A_191, %parallel_loop3A_197 : vector<16xi32>
        %parallel_loop3A_199 = arith.addi %parallel_loop3A_198, %parallel_loop3A_195 : vector<16xi32>
        %parallel_loop3A_200 = arith.constant 16 : i32
        %parallel_loop3A_201 = arith.muli %parallel_loop3A_150, %parallel_loop3A_200 : i32
        %parallel_loop3A_202 = arith.index_cast %parallel_loop3A_201 : i32 to index
        %parallel_loop3A_203 = tpu.vector_load %arg13[%parallel_loop3A_202] {strides = array<i32>} : memref<1024xi32, #tpu.memory_space<vmem>>, vector<16xi32>,
        tpu.vector_store %arg13[%parallel_loop3A_202], %parallel_loop3A_199 {strides = array<i32>} : memref<1024xi32, #tpu.memory_space<vmem>>, vector<16xi32>,
        %parallel_loop3A_204 = arith.sitofp %parallel_loop3A_191 : vector<16xi32> to vector<16xf32>
        %parallel_loop3A_205 = arith.subf %parallel_loop3A_178, %parallel_loop3A_204 : vector<16xf32>
        %parallel_loop3A_206 = arith.constant 16 : i32
        %parallel_loop3A_207 = arith.muli %parallel_loop3A_150, %parallel_loop3A_206 : i32
        %parallel_loop3A_208 = arith.index_cast %parallel_loop3A_207 : i32 to index
        %parallel_loop3A_209 = tpu.vector_load %arg14[%parallel_loop3A_208] {strides = array<i32>} : memref<1024xf32, #tpu.memory_space<vmem>>, vector<16xf32>,
        tpu.vector_store %arg14[%parallel_loop3A_208], %parallel_loop3A_205 {strides = array<i32>} : memref<1024xf32, #tpu.memory_space<vmem>>, vector<16xf32>,
        %parallel_loop3A_210 = arith.sitofp %parallel_loop3A_195 : vector<16xi32> to vector<16xf32>
        %parallel_loop3A_211 = arith.subf %parallel_loop3A_187, %parallel_loop3A_210 : vector<16xf32>
        %parallel_loop3A_212 = arith.constant 16 : i32
        %parallel_loop3A_213 = arith.muli %parallel_loop3A_150, %parallel_loop3A_212 : i32
        %parallel_loop3A_214 = arith.index_cast %parallel_loop3A_213 : i32 to index
        %parallel_loop3A_215 = tpu.vector_load %arg15[%parallel_loop3A_214] {strides = array<i32>} : memref<1024xf32, #tpu.memory_space<vmem>>, vector<16xf32>,
        tpu.vector_store %arg15[%parallel_loop3A_214], %parallel_loop3A_211 {strides = array<i32>} : memref<1024xf32, #tpu.memory_space<vmem>>, vector<16xf32>,
      } {sc.loop_unroll_factor = 2 : i64, sc.parallel_access}
      %eq3A_137 = arith.constant 0 : i32
      %eq3A_138 = arith.cmpi eq, %arg0, %eq3A_137 : i32
      %convert_element_type3A = arith.extui %eq3A_138 : i1 to i32
      %cond3A = arith.constant 0 : i32
      %cond3A_139 = arith.cmpi ne, %convert_element_type3A, %cond3A : i32
      scf.if %cond3A_139 {
        %dma_start3A = arith.constant 0 : i32
        %dma_start3A_150 = arith.constant 0 : i32
        %dma_start3A_151 = tpu.memref_slice %arg16[%dma_start3A, %dma_start3A_150] : memref<1024x16xf32, #tpu.memory_space<vmem>> -> memref<128x16xf32, #tpu.memory_space<vmem>>
        %dma_start3A_152 = arith.constant 0 : i32
        %dma_start3A_153 = tpu.memref_slice %arg13[%dma_start3A_152] : memref<1024xi32, #tpu.memory_space<vmem>> -> memref<128xi32, #tpu.memory_space<vmem>>
        %dma_start3A_154 = arith.constant 0 : i32
        %dma_start3A_155 = arith.constant 0 : i32
        %dma_start3A_156 = tpu.memref_slice %arg6[%dma_start3A_154, %dma_start3A_155] : memref<471969x16xf32, #tpu.memory_space<hbm>> -> memref<471969x16xf32, #tpu.memory_space<hbm>>
        tpu.enqueue_indirect_dma source(%dma_start3A_156 : memref<471969x16xf32, #tpu.memory_space<hbm>>) target(%dma_start3A_151 : memref<128x16xf32, #tpu.memory_space<vmem>>) offsets(%dma_start3A_153 : memref<128xi32, #tpu.memory_space<vmem>>) semaphore(%arg18 : memref<!tpu.dma_semaphore, #tpu.memory_space<semaphore_mem>>)
        %dma_start3A_157 = arith.constant 128 : i32
        %dma_start3A_158 = arith.constant 0 : i32
        %dma_start3A_159 = tpu.memref_slice %arg16[%dma_start3A_157, %dma_start3A_158] : memref<1024x16xf32, #tpu.memory_space<vmem>> -> memref<128x16xf32, #tpu.memory_space<vmem>>
        %dma_start3A_160 = arith.constant 128 : i32
        %dma_start3A_161 = tpu.memref_slice %arg13[%dma_start3A_160] : memref<1024xi32, #tpu.memory_space<vmem>> -> memref<128xi32, #tpu.memory_space<vmem>>
        %dma_start3A_162 = arith.constant 0 : i32
        %dma_start3A_163 = arith.constant 0 : i32
        %dma_start3A_164 = tpu.memref_slice %arg6[%dma_start3A_162, %dma_start3A_163] : memref<471969x16xf32, #tpu.memory_space<hbm>> -> memref<471969x16xf32, #tpu.memory_space<hbm>>
        tpu.enqueue_indirect_dma source(%dma_start3A_164 : memref<471969x16xf32, #tpu.memory_space<hbm>>) target(%dma_start3A_159 : memref<128x16xf32, #tpu.memory_space<vmem>>) offsets(%dma_start3A_161 : memref<128xi32, #tpu.memory_space<vmem>>) semaphore(%arg18 : memref<!tpu.dma_semaphore, #tpu.memory_space<semaphore_mem>>)
        %dma_start3A_165 = arith.constant 256 : i32
        %dma_start3A_166 = arith.constant 0 : i32
        %dma_start3A_167 = tpu.memref_slice %arg16[%dma_start3A_165, %dma_start3A_166] : memref<1024x16xf32, #tpu.memory_space<vmem>> -> memref<128x16xf32, #tpu.memory_space<vmem>>
        %dma_start3A_168 = arith.constant 256 : i32
        %dma_start3A_169 = tpu.memref_slice %arg13[%dma_start3A_168] : memref<1024xi32, #tpu.memory_space<vmem>> -> memref<128xi32, #tpu.memory_space<vmem>>
        %dma_start3A_170 = arith.constant 0 : i32
        %dma_start3A_171 = arith.constant 0 : i32
        %dma_start3A_172 = tpu.memref_slice %arg6[%dma_start3A_170, %dma_start3A_171] : memref<471969x16xf32, #tpu.memory_space<hbm>> -> memref<471969x16xf32, #tpu.memory_space<hbm>>
        tpu.enqueue_indirect_dma source(%dma_start3A_172 : memref<471969x16xf32, #tpu.memory_space<hbm>>) target(%dma_start3A_167 : memref<128x16xf32, #tpu.memory_space<vmem>>) offsets(%dma_start3A_169 : memref<128xi32, #tpu.memory_space<vmem>>) semaphore(%arg18 : memref<!tpu.dma_semaphore, #tpu.memory_space<semaphore_mem>>)
        %dma_start3A_173 = arith.constant 384 : i32
        %dma_start3A_174 = arith.constant 0 : i32
        %dma_start3A_175 = tpu.memref_slice %arg16[%dma_start3A_173, %dma_start3A_174] : memref<1024x16xf32, #tpu.memory_space<vmem>> -> memref<128x16xf32, #tpu.memory_space<vmem>>
        %dma_start3A_176 = arith.constant 384 : i32
        %dma_start3A_177 = tpu.memref_slice %arg13[%dma_start3A_176] : memref<1024xi32, #tpu.memory_space<vmem>> -> memref<128xi32, #tpu.memory_space<vmem>>
        %dma_start3A_178 = arith.constant 0 : i32
        %dma_start3A_179 = arith.constant 0 : i32
        %dma_start3A_180 = tpu.memref_slice %arg6[%dma_start3A_178, %dma_start3A_179] : memref<471969x16xf32, #tpu.memory_space<hbm>> -> memref<471969x16xf32, #tpu.memory_space<hbm>>
        tpu.enqueue_indirect_dma source(%dma_start3A_180 : memref<471969x16xf32, #tpu.memory_space<hbm>>) target(%dma_start3A_175 : memref<128x16xf32, #tpu.memory_space<vmem>>) offsets(%dma_start3A_177 : memref<128xi32, #tpu.memory_space<vmem>>) semaphore(%arg18 : memref<!tpu.dma_semaphore, #tpu.memory_space<semaphore_mem>>)
        %dma_start3A_181 = arith.constant 512 : i32
        %dma_start3A_182 = arith.constant 0 : i32
        %dma_start3A_183 = tpu.memref_slice %arg16[%dma_start3A_181, %dma_start3A_182] : memref<1024x16xf32, #tpu.memory_space<vmem>> -> memref<128x16xf32, #tpu.memory_space<vmem>>
        %dma_start3A_184 = arith.constant 512 : i32
        %dma_start3A_185 = tpu.memref_slice %arg13[%dma_start3A_184] : memref<1024xi32, #tpu.memory_space<vmem>> -> memref<128xi32, #tpu.memory_space<vmem>>
        %dma_start3A_186 = arith.constant 0 : i32
        %dma_start3A_187 = arith.constant 0 : i32
        %dma_start3A_188 = tpu.memref_slice %arg6[%dma_start3A_186, %dma_start3A_187] : memref<471969x16xf32, #tpu.memory_space<hbm>> -> memref<471969x16xf32, #tpu.memory_space<hbm>>
        tpu.enqueue_indirect_dma source(%dma_start3A_188 : memref<471969x16xf32, #tpu.memory_space<hbm>>) target(%dma_start3A_183 : memref<128x16xf32, #tpu.memory_space<vmem>>) offsets(%dma_start3A_185 : memref<128xi32, #tpu.memory_space<vmem>>) semaphore(%arg18 : memref<!tpu.dma_semaphore, #tpu.memory_space<semaphore_mem>>)
        %dma_start3A_189 = arith.constant 640 : i32
        %dma_start3A_190 = arith.constant 0 : i32
        %dma_start3A_191 = tpu.memref_slice %arg16[%dma_start3A_189, %dma_start3A_190] : memref<1024x16xf32, #tpu.memory_space<vmem>> -> memref<128x16xf32, #tpu.memory_space<vmem>>
        %dma_start3A_192 = arith.constant 640 : i32
        %dma_start3A_193 = tpu.memref_slice %arg13[%dma_start3A_192] : memref<1024xi32, #tpu.memory_space<vmem>> -> memref<128xi32, #tpu.memory_space<vmem>>
        %dma_start3A_194 = arith.constant 0 : i32
        %dma_start3A_195 = arith.constant 0 : i32
        %dma_start3A_196 = tpu.memref_slice %arg6[%dma_start3A_194, %dma_start3A_195] : memref<471969x16xf32, #tpu.memory_space<hbm>> -> memref<471969x16xf32, #tpu.memory_space<hbm>>
        tpu.enqueue_indirect_dma source(%dma_start3A_196 : memref<471969x16xf32, #tpu.memory_space<hbm>>) target(%dma_start3A_191 : memref<128x16xf32, #tpu.memory_space<vmem>>) offsets(%dma_start3A_193 : memref<128xi32, #tpu.memory_space<vmem>>) semaphore(%arg18 : memref<!tpu.dma_semaphore, #tpu.memory_space<semaphore_mem>>)
        %dma_start3A_197 = arith.constant 768 : i32
        %dma_start3A_198 = arith.constant 0 : i32
        %dma_start3A_199 = tpu.memref_slice %arg16[%dma_start3A_197, %dma_start3A_198] : memref<1024x16xf32, #tpu.memory_space<vmem>> -> memref<128x16xf32, #tpu.memory_space<vmem>>
        %dma_start3A_200 = arith.constant 768 : i32
        %dma_start3A_201 = tpu.memref_slice %arg13[%dma_start3A_200] : memref<1024xi32, #tpu.memory_space<vmem>> -> memref<128xi32, #tpu.memory_space<vmem>>
        %dma_start3A_202 = arith.constant 0 : i32
        %dma_start3A_203 = arith.constant 0 : i32
        %dma_start3A_204 = tpu.memref_slice %arg6[%dma_start3A_202, %dma_start3A_203] : memref<471969x16xf32, #tpu.memory_space<hbm>> -> memref<471969x16xf32, #tpu.memory_space<hbm>>
        tpu.enqueue_indirect_dma source(%dma_start3A_204 : memref<471969x16xf32, #tpu.memory_space<hbm>>) target(%dma_start3A_199 : memref<128x16xf32, #tpu.memory_space<vmem>>) offsets(%dma_start3A_201 : memref<128xi32, #tpu.memory_space<vmem>>) semaphore(%arg18 : memref<!tpu.dma_semaphore, #tpu.memory_space<semaphore_mem>>)
        %dma_start3A_205 = arith.constant 896 : i32
        %dma_start3A_206 = arith.constant 0 : i32
        %dma_start3A_207 = tpu.memref_slice %arg16[%dma_start3A_205, %dma_start3A_206] : memref<1024x16xf32, #tpu.memory_space<vmem>> -> memref<128x16xf32, #tpu.memory_space<vmem>>
        %dma_start3A_208 = arith.constant 896 : i32
        %dma_start3A_209 = tpu.memref_slice %arg13[%dma_start3A_208] : memref<1024xi32, #tpu.memory_space<vmem>> -> memref<128xi32, #tpu.memory_space<vmem>>
        %dma_start3A_210 = arith.constant 0 : i32
        %dma_start3A_211 = arith.constant 0 : i32
        %dma_start3A_212 = tpu.memref_slice %arg6[%dma_start3A_210, %dma_start3A_211] : memref<471969x16xf32, #tpu.memory_space<hbm>> -> memref<471969x16xf32, #tpu.memory_space<hbm>>
        tpu.enqueue_indirect_dma source(%dma_start3A_212 : memref<471969x16xf32, #tpu.memory_space<hbm>>) target(%dma_start3A_207 : memref<128x16xf32, #tpu.memory_space<vmem>>) offsets(%dma_start3A_209 : memref<128xi32, #tpu.memory_space<vmem>>) semaphore(%arg18 : memref<!tpu.dma_semaphore, #tpu.memory_space<semaphore_mem>>)
        %dma_wait3A = arith.constant 0 : i32
        %dma_wait3A_213 = arith.constant 0 : i32
        %dma_wait3A_214 = tpu.memref_slice %arg16[%dma_wait3A, %dma_wait3A_213] : memref<1024x16xf32, #tpu.memory_space<vmem>> -> memref<128x16xf32, #tpu.memory_space<vmem>>
        %dma_wait3A_215 = arith.constant 0 : i32
        %dma_wait3A_216 = tpu.memref_slice %arg13[%dma_wait3A_215] : memref<1024xi32, #tpu.memory_space<vmem>> -> memref<128xi32, #tpu.memory_space<vmem>>
        %dma_wait3A_217 = arith.constant 0 : i32
        %dma_wait3A_218 = arith.constant 0 : i32
        %dma_wait3A_219 = tpu.memref_slice %arg6[%dma_wait3A_217, %dma_wait3A_218] : memref<471969x16xf32, #tpu.memory_space<hbm>> -> memref<471969x16xf32, #tpu.memory_space<hbm>>
        tpu.wait_indirect_dma semaphore(%arg18 : memref<!tpu.dma_semaphore, #tpu.memory_space<semaphore_mem>>) src(%dma_wait3A_219 : memref<471969x16xf32, #tpu.memory_space<hbm>>) dst(%dma_wait3A_214 : memref<128x16xf32, #tpu.memory_space<vmem>>)
        %dma_wait3A_220 = arith.constant 128 : i32
        %dma_wait3A_221 = arith.constant 0 : i32
        %dma_wait3A_222 = tpu.memref_slice %arg16[%dma_wait3A_220, %dma_wait3A_221] : memref<1024x16xf32, #tpu.memory_space<vmem>> -> memref<128x16xf32, #tpu.memory_space<vmem>>
        %dma_wait3A_223 = arith.constant 128 : i32
        %dma_wait3A_224 = tpu.memref_slice %arg13[%dma_wait3A_223] : memref<1024xi32, #tpu.memory_space<vmem>> -> memref<128xi32, #tpu.memory_space<vmem>>
        %dma_wait3A_225 = arith.constant 0 : i32
        %dma_wait3A_226 = arith.constant 0 : i32
        %dma_wait3A_227 = tpu.memref_slice %arg6[%dma_wait3A_225, %dma_wait3A_226] : memref<471969x16xf32, #tpu.memory_space<hbm>> -> memref<471969x16xf32, #tpu.memory_space<hbm>>
        tpu.wait_indirect_dma semaphore(%arg18 : memref<!tpu.dma_semaphore, #tpu.memory_space<semaphore_mem>>) src(%dma_wait3A_227 : memref<471969x16xf32, #tpu.memory_space<hbm>>) dst(%dma_wait3A_222 : memref<128x16xf32, #tpu.memory_space<vmem>>)
        %dma_wait3A_228 = arith.constant 256 : i32
        %dma_wait3A_229 = arith.constant 0 : i32
        %dma_wait3A_230 = tpu.memref_slice %arg16[%dma_wait3A_228, %dma_wait3A_229] : memref<1024x16xf32, #tpu.memory_space<vmem>> -> memref<128x16xf32, #tpu.memory_space<vmem>>
        %dma_wait3A_231 = arith.constant 256 : i32
        %dma_wait3A_232 = tpu.memref_slice %arg13[%dma_wait3A_231] : memref<1024xi32, #tpu.memory_space<vmem>> -> memref<128xi32, #tpu.memory_space<vmem>>
        %dma_wait3A_233 = arith.constant 0 : i32
        %dma_wait3A_234 = arith.constant 0 : i32
        %dma_wait3A_235 = tpu.memref_slice %arg6[%dma_wait3A_233, %dma_wait3A_234] : memref<471969x16xf32, #tpu.memory_space<hbm>> -> memref<471969x16xf32, #tpu.memory_space<hbm>>
        tpu.wait_indirect_dma semaphore(%arg18 : memref<!tpu.dma_semaphore, #tpu.memory_space<semaphore_mem>>) src(%dma_wait3A_235 : memref<471969x16xf32, #tpu.memory_space<hbm>>) dst(%dma_wait3A_230 : memref<128x16xf32, #tpu.memory_space<vmem>>)
        %dma_wait3A_236 = arith.constant 384 : i32
        %dma_wait3A_237 = arith.constant 0 : i32
        %dma_wait3A_238 = tpu.memref_slice %arg16[%dma_wait3A_236, %dma_wait3A_237] : memref<1024x16xf32, #tpu.memory_space<vmem>> -> memref<128x16xf32, #tpu.memory_space<vmem>>
        %dma_wait3A_239 = arith.constant 384 : i32
        %dma_wait3A_240 = tpu.memref_slice %arg13[%dma_wait3A_239] : memref<1024xi32, #tpu.memory_space<vmem>> -> memref<128xi32, #tpu.memory_space<vmem>>
        %dma_wait3A_241 = arith.constant 0 : i32
        %dma_wait3A_242 = arith.constant 0 : i32
        %dma_wait3A_243 = tpu.memref_slice %arg6[%dma_wait3A_241, %dma_wait3A_242] : memref<471969x16xf32, #tpu.memory_space<hbm>> -> memref<471969x16xf32, #tpu.memory_space<hbm>>
        tpu.wait_indirect_dma semaphore(%arg18 : memref<!tpu.dma_semaphore, #tpu.memory_space<semaphore_mem>>) src(%dma_wait3A_243 : memref<471969x16xf32, #tpu.memory_space<hbm>>) dst(%dma_wait3A_238 : memref<128x16xf32, #tpu.memory_space<vmem>>)
        %dma_wait3A_244 = arith.constant 512 : i32
        %dma_wait3A_245 = arith.constant 0 : i32
        %dma_wait3A_246 = tpu.memref_slice %arg16[%dma_wait3A_244, %dma_wait3A_245] : memref<1024x16xf32, #tpu.memory_space<vmem>> -> memref<128x16xf32, #tpu.memory_space<vmem>>
        %dma_wait3A_247 = arith.constant 512 : i32
        %dma_wait3A_248 = tpu.memref_slice %arg13[%dma_wait3A_247] : memref<1024xi32, #tpu.memory_space<vmem>> -> memref<128xi32, #tpu.memory_space<vmem>>
        %dma_wait3A_249 = arith.constant 0 : i32
        %dma_wait3A_250 = arith.constant 0 : i32
        %dma_wait3A_251 = tpu.memref_slice %arg6[%dma_wait3A_249, %dma_wait3A_250] : memref<471969x16xf32, #tpu.memory_space<hbm>> -> memref<471969x16xf32, #tpu.memory_space<hbm>>
        tpu.wait_indirect_dma semaphore(%arg18 : memref<!tpu.dma_semaphore, #tpu.memory_space<semaphore_mem>>) src(%dma_wait3A_251 : memref<471969x16xf32, #tpu.memory_space<hbm>>) dst(%dma_wait3A_246 : memref<128x16xf32, #tpu.memory_space<vmem>>)
        %dma_wait3A_252 = arith.constant 640 : i32
        %dma_wait3A_253 = arith.constant 0 : i32
        %dma_wait3A_254 = tpu.memref_slice %arg16[%dma_wait3A_252, %dma_wait3A_253] : memref<1024x16xf32, #tpu.memory_space<vmem>> -> memref<128x16xf32, #tpu.memory_space<vmem>>
        %dma_wait3A_255 = arith.constant 640 : i32
        %dma_wait3A_256 = tpu.memref_slice %arg13[%dma_wait3A_255] : memref<1024xi32, #tpu.memory_space<vmem>> -> memref<128xi32, #tpu.memory_space<vmem>>
        %dma_wait3A_257 = arith.constant 0 : i32
        %dma_wait3A_258 = arith.constant 0 : i32
        %dma_wait3A_259 = tpu.memref_slice %arg6[%dma_wait3A_257, %dma_wait3A_258] : memref<471969x16xf32, #tpu.memory_space<hbm>> -> memref<471969x16xf32, #tpu.memory_space<hbm>>
        tpu.wait_indirect_dma semaphore(%arg18 : memref<!tpu.dma_semaphore, #tpu.memory_space<semaphore_mem>>) src(%dma_wait3A_259 : memref<471969x16xf32, #tpu.memory_space<hbm>>) dst(%dma_wait3A_254 : memref<128x16xf32, #tpu.memory_space<vmem>>)
        %dma_wait3A_260 = arith.constant 768 : i32
        %dma_wait3A_261 = arith.constant 0 : i32
        %dma_wait3A_262 = tpu.memref_slice %arg16[%dma_wait3A_260, %dma_wait3A_261] : memref<1024x16xf32, #tpu.memory_space<vmem>> -> memref<128x16xf32, #tpu.memory_space<vmem>>
        %dma_wait3A_263 = arith.constant 768 : i32
        %dma_wait3A_264 = tpu.memref_slice %arg13[%dma_wait3A_263] : memref<1024xi32, #tpu.memory_space<vmem>> -> memref<128xi32, #tpu.memory_space<vmem>>
        %dma_wait3A_265 = arith.constant 0 : i32
        %dma_wait3A_266 = arith.constant 0 : i32
        %dma_wait3A_267 = tpu.memref_slice %arg6[%dma_wait3A_265, %dma_wait3A_266] : memref<471969x16xf32, #tpu.memory_space<hbm>> -> memref<471969x16xf32, #tpu.memory_space<hbm>>
        tpu.wait_indirect_dma semaphore(%arg18 : memref<!tpu.dma_semaphore, #tpu.memory_space<semaphore_mem>>) src(%dma_wait3A_267 : memref<471969x16xf32, #tpu.memory_space<hbm>>) dst(%dma_wait3A_262 : memref<128x16xf32, #tpu.memory_space<vmem>>)
        %dma_wait3A_268 = arith.constant 896 : i32
        %dma_wait3A_269 = arith.constant 0 : i32
        %dma_wait3A_270 = tpu.memref_slice %arg16[%dma_wait3A_268, %dma_wait3A_269] : memref<1024x16xf32, #tpu.memory_space<vmem>> -> memref<128x16xf32, #tpu.memory_space<vmem>>
        %dma_wait3A_271 = arith.constant 896 : i32
        %dma_wait3A_272 = tpu.memref_slice %arg13[%dma_wait3A_271] : memref<1024xi32, #tpu.memory_space<vmem>> -> memref<128xi32, #tpu.memory_space<vmem>>
        %dma_wait3A_273 = arith.constant 0 : i32
        %dma_wait3A_274 = arith.constant 0 : i32
        %dma_wait3A_275 = tpu.memref_slice %arg6[%dma_wait3A_273, %dma_wait3A_274] : memref<471969x16xf32, #tpu.memory_space<hbm>> -> memref<471969x16xf32, #tpu.memory_space<hbm>>
        tpu.wait_indirect_dma semaphore(%arg18 : memref<!tpu.dma_semaphore, #tpu.memory_space<semaphore_mem>>) src(%dma_wait3A_275 : memref<471969x16xf32, #tpu.memory_space<hbm>>) dst(%dma_wait3A_270 : memref<128x16xf32, #tpu.memory_space<vmem>>)
      } else {
      }
      %eq3A_140 = arith.constant 1 : i32
      %eq3A_141 = arith.cmpi eq, %arg0, %eq3A_140 : i32
      %convert_element_type3A_142 = arith.extui %eq3A_141 : i1 to i32
      %cond3A_143 = arith.constant 0 : i32
      %cond3A_144 = arith.cmpi ne, %convert_element_type3A_142, %cond3A_143 : i32
      scf.if %cond3A_144 {
        %dma_start3A = arith.constant 0 : i32
        %dma_start3A_150 = arith.constant 0 : i32
        %dma_start3A_151 = tpu.memref_slice %arg16[%dma_start3A, %dma_start3A_150] : memref<1024x16xf32, #tpu.memory_space<vmem>> -> memref<128x16xf32, #tpu.memory_space<vmem>>
        %dma_start3A_152 = arith.constant 0 : i32
        %dma_start3A_153 = tpu.memref_slice %arg13[%dma_start3A_152] : memref<1024xi32, #tpu.memory_space<vmem>> -> memref<128xi32, #tpu.memory_space<vmem>>
        %dma_start3A_154 = arith.constant 0 : i32
        %dma_start3A_155 = arith.constant 0 : i32
        %dma_start3A_156 = tpu.memref_slice %arg7[%dma_start3A_154, %dma_start3A_155] : memref<471969x16xf32, #tpu.memory_space<hbm>> -> memref<471969x16xf32, #tpu.memory_space<hbm>>
        tpu.enqueue_indirect_dma source(%dma_start3A_156 : memref<471969x16xf32, #tpu.memory_space<hbm>>) target(%dma_start3A_151 : memref<128x16xf32, #tpu.memory_space<vmem>>) offsets(%dma_start3A_153 : memref<128xi32, #tpu.memory_space<vmem>>) semaphore(%arg18 : memref<!tpu.dma_semaphore, #tpu.memory_space<semaphore_mem>>)
        %dma_start3A_157 = arith.constant 128 : i32
        %dma_start3A_158 = arith.constant 0 : i32
        %dma_start3A_159 = tpu.memref_slice %arg16[%dma_start3A_157, %dma_start3A_158] : memref<1024x16xf32, #tpu.memory_space<vmem>> -> memref<128x16xf32, #tpu.memory_space<vmem>>
        %dma_start3A_160 = arith.constant 128 : i32
        %dma_start3A_161 = tpu.memref_slice %arg13[%dma_start3A_160] : memref<1024xi32, #tpu.memory_space<vmem>> -> memref<128xi32, #tpu.memory_space<vmem>>
        %dma_start3A_162 = arith.constant 0 : i32
        %dma_start3A_163 = arith.constant 0 : i32
        %dma_start3A_164 = tpu.memref_slice %arg7[%dma_start3A_162, %dma_start3A_163] : memref<471969x16xf32, #tpu.memory_space<hbm>> -> memref<471969x16xf32, #tpu.memory_space<hbm>>
        tpu.enqueue_indirect_dma source(%dma_start3A_164 : memref<471969x16xf32, #tpu.memory_space<hbm>>) target(%dma_start3A_159 : memref<128x16xf32, #tpu.memory_space<vmem>>) offsets(%dma_start3A_161 : memref<128xi32, #tpu.memory_space<vmem>>) semaphore(%arg18 : memref<!tpu.dma_semaphore, #tpu.memory_space<semaphore_mem>>)
        %dma_start3A_165 = arith.constant 256 : i32
        %dma_start3A_166 = arith.constant 0 : i32
        %dma_start3A_167 = tpu.memref_slice %arg16[%dma_start3A_165, %dma_start3A_166] : memref<1024x16xf32, #tpu.memory_space<vmem>> -> memref<128x16xf32, #tpu.memory_space<vmem>>
        %dma_start3A_168 = arith.constant 256 : i32
        %dma_start3A_169 = tpu.memref_slice %arg13[%dma_start3A_168] : memref<1024xi32, #tpu.memory_space<vmem>> -> memref<128xi32, #tpu.memory_space<vmem>>
        %dma_start3A_170 = arith.constant 0 : i32
        %dma_start3A_171 = arith.constant 0 : i32
        %dma_start3A_172 = tpu.memref_slice %arg7[%dma_start3A_170, %dma_start3A_171] : memref<471969x16xf32, #tpu.memory_space<hbm>> -> memref<471969x16xf32, #tpu.memory_space<hbm>>
        tpu.enqueue_indirect_dma source(%dma_start3A_172 : memref<471969x16xf32, #tpu.memory_space<hbm>>) target(%dma_start3A_167 : memref<128x16xf32, #tpu.memory_space<vmem>>) offsets(%dma_start3A_169 : memref<128xi32, #tpu.memory_space<vmem>>) semaphore(%arg18 : memref<!tpu.dma_semaphore, #tpu.memory_space<semaphore_mem>>)
        %dma_start3A_173 = arith.constant 384 : i32
        %dma_start3A_174 = arith.constant 0 : i32
        %dma_start3A_175 = tpu.memref_slice %arg16[%dma_start3A_173, %dma_start3A_174] : memref<1024x16xf32, #tpu.memory_space<vmem>> -> memref<128x16xf32, #tpu.memory_space<vmem>>
        %dma_start3A_176 = arith.constant 384 : i32
        %dma_start3A_177 = tpu.memref_slice %arg13[%dma_start3A_176] : memref<1024xi32, #tpu.memory_space<vmem>> -> memref<128xi32, #tpu.memory_space<vmem>>
        %dma_start3A_178 = arith.constant 0 : i32
        %dma_start3A_179 = arith.constant 0 : i32
        %dma_start3A_180 = tpu.memref_slice %arg7[%dma_start3A_178, %dma_start3A_179] : memref<471969x16xf32, #tpu.memory_space<hbm>> -> memref<471969x16xf32, #tpu.memory_space<hbm>>
        tpu.enqueue_indirect_dma source(%dma_start3A_180 : memref<471969x16xf32, #tpu.memory_space<hbm>>) target(%dma_start3A_175 : memref<128x16xf32, #tpu.memory_space<vmem>>) offsets(%dma_start3A_177 : memref<128xi32, #tpu.memory_space<vmem>>) semaphore(%arg18 : memref<!tpu.dma_semaphore, #tpu.memory_space<semaphore_mem>>)
        %dma_start3A_181 = arith.constant 512 : i32
        %dma_start3A_182 = arith.constant 0 : i32
        %dma_start3A_183 = tpu.memref_slice %arg16[%dma_start3A_181, %dma_start3A_182] : memref<1024x16xf32, #tpu.memory_space<vmem>> -> memref<128x16xf32, #tpu.memory_space<vmem>>
        %dma_start3A_184 = arith.constant 512 : i32
        %dma_start3A_185 = tpu.memref_slice %arg13[%dma_start3A_184] : memref<1024xi32, #tpu.memory_space<vmem>> -> memref<128xi32, #tpu.memory_space<vmem>>
        %dma_start3A_186 = arith.constant 0 : i32
        %dma_start3A_187 = arith.constant 0 : i32
        %dma_start3A_188 = tpu.memref_slice %arg7[%dma_start3A_186, %dma_start3A_187] : memref<471969x16xf32, #tpu.memory_space<hbm>> -> memref<471969x16xf32, #tpu.memory_space<hbm>>
        tpu.enqueue_indirect_dma source(%dma_start3A_188 : memref<471969x16xf32, #tpu.memory_space<hbm>>) target(%dma_start3A_183 : memref<128x16xf32, #tpu.memory_space<vmem>>) offsets(%dma_start3A_185 : memref<128xi32, #tpu.memory_space<vmem>>) semaphore(%arg18 : memref<!tpu.dma_semaphore, #tpu.memory_space<semaphore_mem>>)
        %dma_start3A_189 = arith.constant 640 : i32
        %dma_start3A_190 = arith.constant 0 : i32
        %dma_start3A_191 = tpu.memref_slice %arg16[%dma_start3A_189, %dma_start3A_190] : memref<1024x16xf32, #tpu.memory_space<vmem>> -> memref<128x16xf32, #tpu.memory_space<vmem>>
        %dma_start3A_192 = arith.constant 640 : i32
        %dma_start3A_193 = tpu.memref_slice %arg13[%dma_start3A_192] : memref<1024xi32, #tpu.memory_space<vmem>> -> memref<128xi32, #tpu.memory_space<vmem>>
        %dma_start3A_194 = arith.constant 0 : i32
        %dma_start3A_195 = arith.constant 0 : i32
        %dma_start3A_196 = tpu.memref_slice %arg7[%dma_start3A_194, %dma_start3A_195] : memref<471969x16xf32, #tpu.memory_space<hbm>> -> memref<471969x16xf32, #tpu.memory_space<hbm>>
        tpu.enqueue_indirect_dma source(%dma_start3A_196 : memref<471969x16xf32, #tpu.memory_space<hbm>>) target(%dma_start3A_191 : memref<128x16xf32, #tpu.memory_space<vmem>>) offsets(%dma_start3A_193 : memref<128xi32, #tpu.memory_space<vmem>>) semaphore(%arg18 : memref<!tpu.dma_semaphore, #tpu.memory_space<semaphore_mem>>)
        %dma_start3A_197 = arith.constant 768 : i32
        %dma_start3A_198 = arith.constant 0 : i32
        %dma_start3A_199 = tpu.memref_slice %arg16[%dma_start3A_197, %dma_start3A_198] : memref<1024x16xf32, #tpu.memory_space<vmem>> -> memref<128x16xf32, #tpu.memory_space<vmem>>
        %dma_start3A_200 = arith.constant 768 : i32
        %dma_start3A_201 = tpu.memref_slice %arg13[%dma_start3A_200] : memref<1024xi32, #tpu.memory_space<vmem>> -> memref<128xi32, #tpu.memory_space<vmem>>
        %dma_start3A_202 = arith.constant 0 : i32
        %dma_start3A_203 = arith.constant 0 : i32
        %dma_start3A_204 = tpu.memref_slice %arg7[%dma_start3A_202, %dma_start3A_203] : memref<471969x16xf32, #tpu.memory_space<hbm>> -> memref<471969x16xf32, #tpu.memory_space<hbm>>
        tpu.enqueue_indirect_dma source(%dma_start3A_204 : memref<471969x16xf32, #tpu.memory_space<hbm>>) target(%dma_start3A_199 : memref<128x16xf32, #tpu.memory_space<vmem>>) offsets(%dma_start3A_201 : memref<128xi32, #tpu.memory_space<vmem>>) semaphore(%arg18 : memref<!tpu.dma_semaphore, #tpu.memory_space<semaphore_mem>>)
        %dma_start3A_205 = arith.constant 896 : i32
        %dma_start3A_206 = arith.constant 0 : i32
        %dma_start3A_207 = tpu.memref_slice %arg16[%dma_start3A_205, %dma_start3A_206] : memref<1024x16xf32, #tpu.memory_space<vmem>> -> memref<128x16xf32, #tpu.memory_space<vmem>>
        %dma_start3A_208 = arith.constant 896 : i32
        %dma_start3A_209 = tpu.memref_slice %arg13[%dma_start3A_208] : memref<1024xi32, #tpu.memory_space<vmem>> -> memref<128xi32, #tpu.memory_space<vmem>>
        %dma_start3A_210 = arith.constant 0 : i32
        %dma_start3A_211 = arith.constant 0 : i32
        %dma_start3A_212 = tpu.memref_slice %arg7[%dma_start3A_210, %dma_start3A_211] : memref<471969x16xf32, #tpu.memory_space<hbm>> -> memref<471969x16xf32, #tpu.memory_space<hbm>>
        tpu.enqueue_indirect_dma source(%dma_start3A_212 : memref<471969x16xf32, #tpu.memory_space<hbm>>) target(%dma_start3A_207 : memref<128x16xf32, #tpu.memory_space<vmem>>) offsets(%dma_start3A_209 : memref<128xi32, #tpu.memory_space<vmem>>) semaphore(%arg18 : memref<!tpu.dma_semaphore, #tpu.memory_space<semaphore_mem>>)
        %dma_wait3A = arith.constant 0 : i32
        %dma_wait3A_213 = arith.constant 0 : i32
        %dma_wait3A_214 = tpu.memref_slice %arg16[%dma_wait3A, %dma_wait3A_213] : memref<1024x16xf32, #tpu.memory_space<vmem>> -> memref<128x16xf32, #tpu.memory_space<vmem>>
        %dma_wait3A_215 = arith.constant 0 : i32
        %dma_wait3A_216 = tpu.memref_slice %arg13[%dma_wait3A_215] : memref<1024xi32, #tpu.memory_space<vmem>> -> memref<128xi32, #tpu.memory_space<vmem>>
        %dma_wait3A_217 = arith.constant 0 : i32
        %dma_wait3A_218 = arith.constant 0 : i32
        %dma_wait3A_219 = tpu.memref_slice %arg7[%dma_wait3A_217, %dma_wait3A_218] : memref<471969x16xf32, #tpu.memory_space<hbm>> -> memref<471969x16xf32, #tpu.memory_space<hbm>>
        tpu.wait_indirect_dma semaphore(%arg18 : memref<!tpu.dma_semaphore, #tpu.memory_space<semaphore_mem>>) src(%dma_wait3A_219 : memref<471969x16xf32, #tpu.memory_space<hbm>>) dst(%dma_wait3A_214 : memref<128x16xf32, #tpu.memory_space<vmem>>)
        %dma_wait3A_220 = arith.constant 128 : i32
        %dma_wait3A_221 = arith.constant 0 : i32
        %dma_wait3A_222 = tpu.memref_slice %arg16[%dma_wait3A_220, %dma_wait3A_221] : memref<1024x16xf32, #tpu.memory_space<vmem>> -> memref<128x16xf32, #tpu.memory_space<vmem>>
        %dma_wait3A_223 = arith.constant 128 : i32
        %dma_wait3A_224 = tpu.memref_slice %arg13[%dma_wait3A_223] : memref<1024xi32, #tpu.memory_space<vmem>> -> memref<128xi32, #tpu.memory_space<vmem>>
        %dma_wait3A_225 = arith.constant 0 : i32
        %dma_wait3A_226 = arith.constant 0 : i32
        %dma_wait3A_227 = tpu.memref_slice %arg7[%dma_wait3A_225, %dma_wait3A_226] : memref<471969x16xf32, #tpu.memory_space<hbm>> -> memref<471969x16xf32, #tpu.memory_space<hbm>>
        tpu.wait_indirect_dma semaphore(%arg18 : memref<!tpu.dma_semaphore, #tpu.memory_space<semaphore_mem>>) src(%dma_wait3A_227 : memref<471969x16xf32, #tpu.memory_space<hbm>>) dst(%dma_wait3A_222 : memref<128x16xf32, #tpu.memory_space<vmem>>)
        %dma_wait3A_228 = arith.constant 256 : i32
        %dma_wait3A_229 = arith.constant 0 : i32
        %dma_wait3A_230 = tpu.memref_slice %arg16[%dma_wait3A_228, %dma_wait3A_229] : memref<1024x16xf32, #tpu.memory_space<vmem>> -> memref<128x16xf32, #tpu.memory_space<vmem>>
        %dma_wait3A_231 = arith.constant 256 : i32
        %dma_wait3A_232 = tpu.memref_slice %arg13[%dma_wait3A_231] : memref<1024xi32, #tpu.memory_space<vmem>> -> memref<128xi32, #tpu.memory_space<vmem>>
        %dma_wait3A_233 = arith.constant 0 : i32
        %dma_wait3A_234 = arith.constant 0 : i32
        %dma_wait3A_235 = tpu.memref_slice %arg7[%dma_wait3A_233, %dma_wait3A_234] : memref<471969x16xf32, #tpu.memory_space<hbm>> -> memref<471969x16xf32, #tpu.memory_space<hbm>>
        tpu.wait_indirect_dma semaphore(%arg18 : memref<!tpu.dma_semaphore, #tpu.memory_space<semaphore_mem>>) src(%dma_wait3A_235 : memref<471969x16xf32, #tpu.memory_space<hbm>>) dst(%dma_wait3A_230 : memref<128x16xf32, #tpu.memory_space<vmem>>)
        %dma_wait3A_236 = arith.constant 384 : i32
        %dma_wait3A_237 = arith.constant 0 : i32
        %dma_wait3A_238 = tpu.memref_slice %arg16[%dma_wait3A_236, %dma_wait3A_237] : memref<1024x16xf32, #tpu.memory_space<vmem>> -> memref<128x16xf32, #tpu.memory_space<vmem>>
        %dma_wait3A_239 = arith.constant 384 : i32
        %dma_wait3A_240 = tpu.memref_slice %arg13[%dma_wait3A_239] : memref<1024xi32, #tpu.memory_space<vmem>> -> memref<128xi32, #tpu.memory_space<vmem>>
        %dma_wait3A_241 = arith.constant 0 : i32
        %dma_wait3A_242 = arith.constant 0 : i32
        %dma_wait3A_243 = tpu.memref_slice %arg7[%dma_wait3A_241, %dma_wait3A_242] : memref<471969x16xf32, #tpu.memory_space<hbm>> -> memref<471969x16xf32, #tpu.memory_space<hbm>>
        tpu.wait_indirect_dma semaphore(%arg18 : memref<!tpu.dma_semaphore, #tpu.memory_space<semaphore_mem>>) src(%dma_wait3A_243 : memref<471969x16xf32, #tpu.memory_space<hbm>>) dst(%dma_wait3A_238 : memref<128x16xf32, #tpu.memory_space<vmem>>)
        %dma_wait3A_244 = arith.constant 512 : i32
        %dma_wait3A_245 = arith.constant 0 : i32
        %dma_wait3A_246 = tpu.memref_slice %arg16[%dma_wait3A_244, %dma_wait3A_245] : memref<1024x16xf32, #tpu.memory_space<vmem>> -> memref<128x16xf32, #tpu.memory_space<vmem>>
        %dma_wait3A_247 = arith.constant 512 : i32
        %dma_wait3A_248 = tpu.memref_slice %arg13[%dma_wait3A_247] : memref<1024xi32, #tpu.memory_space<vmem>> -> memref<128xi32, #tpu.memory_space<vmem>>
        %dma_wait3A_249 = arith.constant 0 : i32
        %dma_wait3A_250 = arith.constant 0 : i32
        %dma_wait3A_251 = tpu.memref_slice %arg7[%dma_wait3A_249, %dma_wait3A_250] : memref<471969x16xf32, #tpu.memory_space<hbm>> -> memref<471969x16xf32, #tpu.memory_space<hbm>>
        tpu.wait_indirect_dma semaphore(%arg18 : memref<!tpu.dma_semaphore, #tpu.memory_space<semaphore_mem>>) src(%dma_wait3A_251 : memref<471969x16xf32, #tpu.memory_space<hbm>>) dst(%dma_wait3A_246 : memref<128x16xf32, #tpu.memory_space<vmem>>)
        %dma_wait3A_252 = arith.constant 640 : i32
        %dma_wait3A_253 = arith.constant 0 : i32
        %dma_wait3A_254 = tpu.memref_slice %arg16[%dma_wait3A_252, %dma_wait3A_253] : memref<1024x16xf32, #tpu.memory_space<vmem>> -> memref<128x16xf32, #tpu.memory_space<vmem>>
        %dma_wait3A_255 = arith.constant 640 : i32
        %dma_wait3A_256 = tpu.memref_slice %arg13[%dma_wait3A_255] : memref<1024xi32, #tpu.memory_space<vmem>> -> memref<128xi32, #tpu.memory_space<vmem>>
        %dma_wait3A_257 = arith.constant 0 : i32
        %dma_wait3A_258 = arith.constant 0 : i32
        %dma_wait3A_259 = tpu.memref_slice %arg7[%dma_wait3A_257, %dma_wait3A_258] : memref<471969x16xf32, #tpu.memory_space<hbm>> -> memref<471969x16xf32, #tpu.memory_space<hbm>>
        tpu.wait_indirect_dma semaphore(%arg18 : memref<!tpu.dma_semaphore, #tpu.memory_space<semaphore_mem>>) src(%dma_wait3A_259 : memref<471969x16xf32, #tpu.memory_space<hbm>>) dst(%dma_wait3A_254 : memref<128x16xf32, #tpu.memory_space<vmem>>)
        %dma_wait3A_260 = arith.constant 768 : i32
        %dma_wait3A_261 = arith.constant 0 : i32
        %dma_wait3A_262 = tpu.memref_slice %arg16[%dma_wait3A_260, %dma_wait3A_261] : memref<1024x16xf32, #tpu.memory_space<vmem>> -> memref<128x16xf32, #tpu.memory_space<vmem>>
        %dma_wait3A_263 = arith.constant 768 : i32
        %dma_wait3A_264 = tpu.memref_slice %arg13[%dma_wait3A_263] : memref<1024xi32, #tpu.memory_space<vmem>> -> memref<128xi32, #tpu.memory_space<vmem>>
        %dma_wait3A_265 = arith.constant 0 : i32
        %dma_wait3A_266 = arith.constant 0 : i32
        %dma_wait3A_267 = tpu.memref_slice %arg7[%dma_wait3A_265, %dma_wait3A_266] : memref<471969x16xf32, #tpu.memory_space<hbm>> -> memref<471969x16xf32, #tpu.memory_space<hbm>>
        tpu.wait_indirect_dma semaphore(%arg18 : memref<!tpu.dma_semaphore, #tpu.memory_space<semaphore_mem>>) src(%dma_wait3A_267 : memref<471969x16xf32, #tpu.memory_space<hbm>>) dst(%dma_wait3A_262 : memref<128x16xf32, #tpu.memory_space<vmem>>)
        %dma_wait3A_268 = arith.constant 896 : i32
        %dma_wait3A_269 = arith.constant 0 : i32
        %dma_wait3A_270 = tpu.memref_slice %arg16[%dma_wait3A_268, %dma_wait3A_269] : memref<1024x16xf32, #tpu.memory_space<vmem>> -> memref<128x16xf32, #tpu.memory_space<vmem>>
        %dma_wait3A_271 = arith.constant 896 : i32
        %dma_wait3A_272 = tpu.memref_slice %arg13[%dma_wait3A_271] : memref<1024xi32, #tpu.memory_space<vmem>> -> memref<128xi32, #tpu.memory_space<vmem>>
        %dma_wait3A_273 = arith.constant 0 : i32
        %dma_wait3A_274 = arith.constant 0 : i32
        %dma_wait3A_275 = tpu.memref_slice %arg7[%dma_wait3A_273, %dma_wait3A_274] : memref<471969x16xf32, #tpu.memory_space<hbm>> -> memref<471969x16xf32, #tpu.memory_space<hbm>>
        tpu.wait_indirect_dma semaphore(%arg18 : memref<!tpu.dma_semaphore, #tpu.memory_space<semaphore_mem>>) src(%dma_wait3A_275 : memref<471969x16xf32, #tpu.memory_space<hbm>>) dst(%dma_wait3A_270 : memref<128x16xf32, #tpu.memory_space<vmem>>)
      } else {
      }
      %parallel_loop3A_145 = arith.constant 0 : i32
      %parallel_loop3A_146 = arith.constant 64 : i32
      %parallel_loop3A_147 = arith.constant 1 : i32
      scf.for %parallel_loop3A_150 = %parallel_loop3A_145 to %parallel_loop3A_146 step %parallel_loop3A_147  : i32 {
        %parallel_loop3A_151 = arith.constant 16 : i32
        %parallel_loop3A_152 = arith.muli %parallel_loop3A_150, %parallel_loop3A_151 : i32
        %parallel_loop3A_153 = vector.broadcast %parallel_loop3A_152 : i32 to vector<16xi32>
        %parallel_loop3A_154 = arith.addi %parallel_loop3A_153, %iota3A : vector<16xi32>
        %parallel_loop3A_155 = arith.constant 16 : i32
        %parallel_loop3A_156 = arith.muli %parallel_loop3A_150, %parallel_loop3A_155 : i32
        %parallel_loop3A_157 = arith.index_cast %parallel_loop3A_156 : i32 to index
        %parallel_loop3A_158 = tpu.vector_load %arg14[%parallel_loop3A_157] {strides = array<i32>} : memref<1024xf32, #tpu.memory_space<vmem>>, vector<16xf32>,
        %parallel_loop3A_159 = arith.constant 16 : i32
        %parallel_loop3A_160 = arith.muli %parallel_loop3A_150, %parallel_loop3A_159 : i32
        %parallel_loop3A_161 = arith.index_cast %parallel_loop3A_160 : i32 to index
        %parallel_loop3A_162 = tpu.vector_load %arg15[%parallel_loop3A_161] {strides = array<i32>} : memref<1024xf32, #tpu.memory_space<vmem>>, vector<16xf32>,
        %parallel_loop3A_163 = arith.constant 1.000000e+00 : f32
        %parallel_loop3A_164 = vector.broadcast %parallel_loop3A_163 : f32 to vector<16xf32>
        %parallel_loop3A_165 = arith.subf %parallel_loop3A_164, %parallel_loop3A_158 : vector<16xf32>
        %parallel_loop3A_166 = arith.constant 1.000000e+00 : f32
        %parallel_loop3A_167 = vector.broadcast %parallel_loop3A_166 : f32 to vector<16xf32>
        %parallel_loop3A_168 = arith.subf %parallel_loop3A_167, %parallel_loop3A_162 : vector<16xf32>
        %parallel_loop3A_169 = arith.mulf %parallel_loop3A_165, %parallel_loop3A_168 : vector<16xf32>
        %parallel_loop3A_170 = arith.constant 1.000000e+00 : f32
        %parallel_loop3A_171 = vector.broadcast %parallel_loop3A_170 : f32 to vector<16xf32>
        %parallel_loop3A_172 = arith.subf %parallel_loop3A_171, %parallel_loop3A_158 : vector<16xf32>
        %parallel_loop3A_173 = arith.mulf %parallel_loop3A_172, %parallel_loop3A_162 : vector<16xf32>
        %parallel_loop3A_174 = arith.constant 1.000000e+00 : f32
        %parallel_loop3A_175 = vector.broadcast %parallel_loop3A_174 : f32 to vector<16xf32>
        %parallel_loop3A_176 = arith.subf %parallel_loop3A_175, %parallel_loop3A_162 : vector<16xf32>
        %parallel_loop3A_177 = arith.mulf %parallel_loop3A_158, %parallel_loop3A_176 : vector<16xf32>
        %parallel_loop3A_178 = arith.mulf %parallel_loop3A_158, %parallel_loop3A_162 : vector<16xf32>
        %parallel_loop3A_179 = arith.constant 0 : i32
        %parallel_loop3A_180 = vector.broadcast %parallel_loop3A_179 : i32 to vector<16xi32>
        %parallel_loop3A_181 = tpu.vector_load_idx %arg16[%parallel_loop3A_154, %parallel_loop3A_180] : memref<1024x16xf32, #tpu.memory_space<vmem>>[vector<16xi32>, vector<16xi32>], vector<16xf32>,
        %parallel_loop3A_182 = arith.constant 3 : i32
        %parallel_loop3A_183 = vector.broadcast %parallel_loop3A_182 : i32 to vector<16xi32>
        %parallel_loop3A_184 = tpu.vector_load_idx %arg16[%parallel_loop3A_154, %parallel_loop3A_183] : memref<1024x16xf32, #tpu.memory_space<vmem>>[vector<16xi32>, vector<16xi32>], vector<16xf32>,
        %parallel_loop3A_185 = arith.constant 6 : i32
        %parallel_loop3A_186 = vector.broadcast %parallel_loop3A_185 : i32 to vector<16xi32>
        %parallel_loop3A_187 = tpu.vector_load_idx %arg16[%parallel_loop3A_154, %parallel_loop3A_186] : memref<1024x16xf32, #tpu.memory_space<vmem>>[vector<16xi32>, vector<16xi32>], vector<16xf32>,
        %parallel_loop3A_188 = arith.constant 9 : i32
        %parallel_loop3A_189 = vector.broadcast %parallel_loop3A_188 : i32 to vector<16xi32>
        %parallel_loop3A_190 = tpu.vector_load_idx %arg16[%parallel_loop3A_154, %parallel_loop3A_189] : memref<1024x16xf32, #tpu.memory_space<vmem>>[vector<16xi32>, vector<16xi32>], vector<16xf32>,
        %parallel_loop3A_191 = arith.mulf %parallel_loop3A_169, %parallel_loop3A_181 : vector<16xf32>
        %parallel_loop3A_192 = arith.mulf %parallel_loop3A_173, %parallel_loop3A_184 : vector<16xf32>
        %parallel_loop3A_193 = arith.addf %parallel_loop3A_191, %parallel_loop3A_192 : vector<16xf32>
        %parallel_loop3A_194 = arith.mulf %parallel_loop3A_177, %parallel_loop3A_187 : vector<16xf32>
        %parallel_loop3A_195 = arith.addf %parallel_loop3A_193, %parallel_loop3A_194 : vector<16xf32>
        %parallel_loop3A_196 = arith.mulf %parallel_loop3A_178, %parallel_loop3A_190 : vector<16xf32>
        %parallel_loop3A_197 = arith.addf %parallel_loop3A_195, %parallel_loop3A_196 : vector<16xf32>
        %parallel_loop3A_198 = arith.constant 1 : i32
        %parallel_loop3A_199 = vector.broadcast %parallel_loop3A_198 : i32 to vector<16xi32>
        %parallel_loop3A_200 = tpu.vector_load_idx %arg16[%parallel_loop3A_154, %parallel_loop3A_199] : memref<1024x16xf32, #tpu.memory_space<vmem>>[vector<16xi32>, vector<16xi32>], vector<16xf32>,
        %parallel_loop3A_201 = arith.constant 4 : i32
        %parallel_loop3A_202 = vector.broadcast %parallel_loop3A_201 : i32 to vector<16xi32>
        %parallel_loop3A_203 = tpu.vector_load_idx %arg16[%parallel_loop3A_154, %parallel_loop3A_202] : memref<1024x16xf32, #tpu.memory_space<vmem>>[vector<16xi32>, vector<16xi32>], vector<16xf32>,
        %parallel_loop3A_204 = arith.constant 7 : i32
        %parallel_loop3A_205 = vector.broadcast %parallel_loop3A_204 : i32 to vector<16xi32>
        %parallel_loop3A_206 = tpu.vector_load_idx %arg16[%parallel_loop3A_154, %parallel_loop3A_205] : memref<1024x16xf32, #tpu.memory_space<vmem>>[vector<16xi32>, vector<16xi32>], vector<16xf32>,
        %parallel_loop3A_207 = arith.constant 10 : i32
        %parallel_loop3A_208 = vector.broadcast %parallel_loop3A_207 : i32 to vector<16xi32>
        %parallel_loop3A_209 = tpu.vector_load_idx %arg16[%parallel_loop3A_154, %parallel_loop3A_208] : memref<1024x16xf32, #tpu.memory_space<vmem>>[vector<16xi32>, vector<16xi32>], vector<16xf32>,
        %parallel_loop3A_210 = arith.mulf %parallel_loop3A_169, %parallel_loop3A_200 : vector<16xf32>
        %parallel_loop3A_211 = arith.mulf %parallel_loop3A_173, %parallel_loop3A_203 : vector<16xf32>
        %parallel_loop3A_212 = arith.addf %parallel_loop3A_210, %parallel_loop3A_211 : vector<16xf32>
        %parallel_loop3A_213 = arith.mulf %parallel_loop3A_177, %parallel_loop3A_206 : vector<16xf32>
        %parallel_loop3A_214 = arith.addf %parallel_loop3A_212, %parallel_loop3A_213 : vector<16xf32>
        %parallel_loop3A_215 = arith.mulf %parallel_loop3A_178, %parallel_loop3A_209 : vector<16xf32>
        %parallel_loop3A_216 = arith.addf %parallel_loop3A_214, %parallel_loop3A_215 : vector<16xf32>
        %parallel_loop3A_217 = arith.constant 2 : i32
        %parallel_loop3A_218 = vector.broadcast %parallel_loop3A_217 : i32 to vector<16xi32>
        %parallel_loop3A_219 = tpu.vector_load_idx %arg16[%parallel_loop3A_154, %parallel_loop3A_218] : memref<1024x16xf32, #tpu.memory_space<vmem>>[vector<16xi32>, vector<16xi32>], vector<16xf32>,
        %parallel_loop3A_220 = arith.constant 5 : i32
        %parallel_loop3A_221 = vector.broadcast %parallel_loop3A_220 : i32 to vector<16xi32>
        %parallel_loop3A_222 = tpu.vector_load_idx %arg16[%parallel_loop3A_154, %parallel_loop3A_221] : memref<1024x16xf32, #tpu.memory_space<vmem>>[vector<16xi32>, vector<16xi32>], vector<16xf32>,
        %parallel_loop3A_223 = arith.constant 8 : i32
        %parallel_loop3A_224 = vector.broadcast %parallel_loop3A_223 : i32 to vector<16xi32>
        %parallel_loop3A_225 = tpu.vector_load_idx %arg16[%parallel_loop3A_154, %parallel_loop3A_224] : memref<1024x16xf32, #tpu.memory_space<vmem>>[vector<16xi32>, vector<16xi32>], vector<16xf32>,
        %parallel_loop3A_226 = arith.constant 11 : i32
        %parallel_loop3A_227 = vector.broadcast %parallel_loop3A_226 : i32 to vector<16xi32>
        %parallel_loop3A_228 = tpu.vector_load_idx %arg16[%parallel_loop3A_154, %parallel_loop3A_227] : memref<1024x16xf32, #tpu.memory_space<vmem>>[vector<16xi32>, vector<16xi32>], vector<16xf32>,
        %parallel_loop3A_229 = arith.mulf %parallel_loop3A_169, %parallel_loop3A_219 : vector<16xf32>
        %parallel_loop3A_230 = arith.mulf %parallel_loop3A_173, %parallel_loop3A_222 : vector<16xf32>
        %parallel_loop3A_231 = arith.addf %parallel_loop3A_229, %parallel_loop3A_230 : vector<16xf32>
        %parallel_loop3A_232 = arith.mulf %parallel_loop3A_177, %parallel_loop3A_225 : vector<16xf32>
        %parallel_loop3A_233 = arith.addf %parallel_loop3A_231, %parallel_loop3A_232 : vector<16xf32>
        %parallel_loop3A_234 = arith.mulf %parallel_loop3A_178, %parallel_loop3A_228 : vector<16xf32>
        %parallel_loop3A_235 = arith.addf %parallel_loop3A_233, %parallel_loop3A_234 : vector<16xf32>
        %parallel_loop3A_236 = arith.constant 1.900000e+01 : f32
        %parallel_loop3A_237 = vector.broadcast %parallel_loop3A_236 : f32 to vector<16xf32>
        %parallel_loop3A_238 = arith.mulf %parallel_loop3A_197, %parallel_loop3A_237 : vector<16xf32>
        %parallel_loop3A_239 = arith.fptosi %parallel_loop3A_238 : vector<16xf32> to vector<16xi32>
        %parallel_loop3A_240 = arith.constant 18 : i32
        %parallel_loop3A_241 = vector.broadcast %parallel_loop3A_240 : i32 to vector<16xi32>
        %parallel_loop3A_242 = arith.minsi %parallel_loop3A_239, %parallel_loop3A_241 : vector<16xi32>
        %parallel_loop3A_243 = arith.sitofp %parallel_loop3A_242 : vector<16xi32> to vector<16xf32>
        %parallel_loop3A_244 = arith.subf %parallel_loop3A_238, %parallel_loop3A_243 : vector<16xf32>
        %parallel_loop3A_245 = arith.constant 1.900000e+01 : f32
        %parallel_loop3A_246 = vector.broadcast %parallel_loop3A_245 : f32 to vector<16xf32>
        %parallel_loop3A_247 = arith.mulf %parallel_loop3A_216, %parallel_loop3A_246 : vector<16xf32>
        %parallel_loop3A_248 = arith.fptosi %parallel_loop3A_247 : vector<16xf32> to vector<16xi32>
        %parallel_loop3A_249 = arith.constant 18 : i32
        %parallel_loop3A_250 = vector.broadcast %parallel_loop3A_249 : i32 to vector<16xi32>
        %parallel_loop3A_251 = arith.minsi %parallel_loop3A_248, %parallel_loop3A_250 : vector<16xi32>
        %parallel_loop3A_252 = arith.sitofp %parallel_loop3A_251 : vector<16xi32> to vector<16xf32>
        %parallel_loop3A_253 = arith.subf %parallel_loop3A_247, %parallel_loop3A_252 : vector<16xf32>
        %parallel_loop3A_254 = arith.constant 1.900000e+01 : f32
        %parallel_loop3A_255 = vector.broadcast %parallel_loop3A_254 : f32 to vector<16xf32>
        %parallel_loop3A_256 = arith.mulf %parallel_loop3A_235, %parallel_loop3A_255 : vector<16xf32>
        %parallel_loop3A_257 = arith.fptosi %parallel_loop3A_256 : vector<16xf32> to vector<16xi32>
        %parallel_loop3A_258 = arith.constant 18 : i32
        %parallel_loop3A_259 = vector.broadcast %parallel_loop3A_258 : i32 to vector<16xi32>
        %parallel_loop3A_260 = arith.minsi %parallel_loop3A_257, %parallel_loop3A_259 : vector<16xi32>
        %parallel_loop3A_261 = arith.sitofp %parallel_loop3A_260 : vector<16xi32> to vector<16xf32>
        %parallel_loop3A_262 = arith.subf %parallel_loop3A_256, %parallel_loop3A_261 : vector<16xf32>
        %parallel_loop3A_263 = arith.constant 20 : i32
        %parallel_loop3A_264 = vector.broadcast %parallel_loop3A_263 : i32 to vector<16xi32>
        %parallel_loop3A_265 = arith.muli %parallel_loop3A_242, %parallel_loop3A_264 : vector<16xi32>
        %parallel_loop3A_266 = arith.addi %parallel_loop3A_265, %parallel_loop3A_251 : vector<16xi32>
        %parallel_loop3A_267 = arith.constant 20 : i32
        %parallel_loop3A_268 = vector.broadcast %parallel_loop3A_267 : i32 to vector<16xi32>
        %parallel_loop3A_269 = arith.muli %parallel_loop3A_266, %parallel_loop3A_268 : vector<16xi32>
        %parallel_loop3A_270 = arith.addi %parallel_loop3A_269, %parallel_loop3A_260 : vector<16xi32>
        %parallel_loop3A_271 = arith.constant 3 : i32
        %parallel_loop3A_272 = vector.broadcast %parallel_loop3A_271 : i32 to vector<16xi32>
        %parallel_loop3A_273 = arith.muli %parallel_loop3A_270, %parallel_loop3A_272 : vector<16xi32>
        %parallel_loop3A_274 = arith.constant 1.000000e+00 : f32
        %parallel_loop3A_275 = vector.broadcast %parallel_loop3A_274 : f32 to vector<16xf32>
        %parallel_loop3A_276 = arith.subf %parallel_loop3A_275, %parallel_loop3A_244 : vector<16xf32>
        %parallel_loop3A_277 = arith.constant 1.000000e+00 : f32
        %parallel_loop3A_278 = vector.broadcast %parallel_loop3A_277 : f32 to vector<16xf32>
        %parallel_loop3A_279 = arith.subf %parallel_loop3A_278, %parallel_loop3A_253 : vector<16xf32>
        %parallel_loop3A_280 = arith.mulf %parallel_loop3A_276, %parallel_loop3A_279 : vector<16xf32>
        %parallel_loop3A_281 = arith.constant 1.000000e+00 : f32
        %parallel_loop3A_282 = vector.broadcast %parallel_loop3A_281 : f32 to vector<16xf32>
        %parallel_loop3A_283 = arith.subf %parallel_loop3A_282, %parallel_loop3A_244 : vector<16xf32>
        %parallel_loop3A_284 = arith.mulf %parallel_loop3A_283, %parallel_loop3A_253 : vector<16xf32>
        %parallel_loop3A_285 = arith.constant 1.000000e+00 : f32
        %parallel_loop3A_286 = vector.broadcast %parallel_loop3A_285 : f32 to vector<16xf32>
        %parallel_loop3A_287 = arith.subf %parallel_loop3A_286, %parallel_loop3A_253 : vector<16xf32>
        %parallel_loop3A_288 = arith.mulf %parallel_loop3A_244, %parallel_loop3A_287 : vector<16xf32>
        %parallel_loop3A_289 = arith.mulf %parallel_loop3A_244, %parallel_loop3A_253 : vector<16xf32>
        %parallel_loop3A_290 = arith.constant 1.000000e+00 : f32
        %parallel_loop3A_291 = vector.broadcast %parallel_loop3A_290 : f32 to vector<16xf32>
        %parallel_loop3A_292 = arith.subf %parallel_loop3A_291, %parallel_loop3A_262 : vector<16xf32>
        %parallel_loop3A_293 = arith.mulf %parallel_loop3A_280, %parallel_loop3A_292 : vector<16xf32>
        %parallel_loop3A_294 = arith.mulf %parallel_loop3A_280, %parallel_loop3A_262 : vector<16xf32>
        %parallel_loop3A_295 = arith.mulf %parallel_loop3A_284, %parallel_loop3A_292 : vector<16xf32>
        %parallel_loop3A_296 = arith.mulf %parallel_loop3A_284, %parallel_loop3A_262 : vector<16xf32>
        %parallel_loop3A_297 = arith.mulf %parallel_loop3A_288, %parallel_loop3A_292 : vector<16xf32>
        %parallel_loop3A_298 = arith.mulf %parallel_loop3A_288, %parallel_loop3A_262 : vector<16xf32>
        %parallel_loop3A_299 = arith.mulf %parallel_loop3A_289, %parallel_loop3A_292 : vector<16xf32>
        %parallel_loop3A_300 = arith.mulf %parallel_loop3A_289, %parallel_loop3A_262 : vector<16xf32>
        %parallel_loop3A_301 = arith.constant 7 : i32
        %parallel_loop3A_302 = vector.broadcast %parallel_loop3A_301 : i32 to vector<16xi32>
        %parallel_loop3A_303 = arith.shrsi %parallel_loop3A_154, %parallel_loop3A_302 : vector<16xi32>
        %parallel_loop3A_304 = arith.constant 512 : i32
        %parallel_loop3A_305 = vector.broadcast %parallel_loop3A_304 : i32 to vector<16xi32>
        %parallel_loop3A_306 = arith.muli %parallel_loop3A_303, %parallel_loop3A_305 : vector<16xi32>
        %parallel_loop3A_307 = arith.constant 127 : i32
        %parallel_loop3A_308 = vector.broadcast %parallel_loop3A_307 : i32 to vector<16xi32>
        %parallel_loop3A_309 = arith.andi %parallel_loop3A_154, %parallel_loop3A_308 : vector<16xi32>
        %parallel_loop3A_310 = arith.addi %parallel_loop3A_306, %parallel_loop3A_309 : vector<16xi32>
        %parallel_loop3A_311 = arith.constant 0 : i32
        %parallel_loop3A_312 = vector.broadcast %parallel_loop3A_311 : i32 to vector<16xi32>
        %parallel_loop3A_313 = arith.addi %parallel_loop3A_273, %parallel_loop3A_312 : vector<16xi32>
        %parallel_loop3A_314 = tpu.vector_load_idx %arg11[%parallel_loop3A_313] : memref<24000xf32, #tpu.memory_space<vmem>>[vector<16xi32>], vector<16xf32>,
        %parallel_loop3A_315 = arith.mulf %parallel_loop3A_293, %parallel_loop3A_314 : vector<16xf32>
        %parallel_loop3A_316 = arith.constant 3 : i32
        %parallel_loop3A_317 = vector.broadcast %parallel_loop3A_316 : i32 to vector<16xi32>
        %parallel_loop3A_318 = arith.addi %parallel_loop3A_273, %parallel_loop3A_317 : vector<16xi32>
        %parallel_loop3A_319 = tpu.vector_load_idx %arg11[%parallel_loop3A_318] : memref<24000xf32, #tpu.memory_space<vmem>>[vector<16xi32>], vector<16xf32>,
        %parallel_loop3A_320 = arith.mulf %parallel_loop3A_294, %parallel_loop3A_319 : vector<16xf32>
        %parallel_loop3A_321 = arith.addf %parallel_loop3A_315, %parallel_loop3A_320 : vector<16xf32>
        %parallel_loop3A_322 = arith.constant 60 : i32
        %parallel_loop3A_323 = vector.broadcast %parallel_loop3A_322 : i32 to vector<16xi32>
        %parallel_loop3A_324 = arith.addi %parallel_loop3A_273, %parallel_loop3A_323 : vector<16xi32>
        %parallel_loop3A_325 = tpu.vector_load_idx %arg11[%parallel_loop3A_324] : memref<24000xf32, #tpu.memory_space<vmem>>[vector<16xi32>], vector<16xf32>,
        %parallel_loop3A_326 = arith.mulf %parallel_loop3A_295, %parallel_loop3A_325 : vector<16xf32>
        %parallel_loop3A_327 = arith.addf %parallel_loop3A_321, %parallel_loop3A_326 : vector<16xf32>
        %parallel_loop3A_328 = arith.constant 63 : i32
        %parallel_loop3A_329 = vector.broadcast %parallel_loop3A_328 : i32 to vector<16xi32>
        %parallel_loop3A_330 = arith.addi %parallel_loop3A_273, %parallel_loop3A_329 : vector<16xi32>
        %parallel_loop3A_331 = tpu.vector_load_idx %arg11[%parallel_loop3A_330] : memref<24000xf32, #tpu.memory_space<vmem>>[vector<16xi32>], vector<16xf32>,
        %parallel_loop3A_332 = arith.mulf %parallel_loop3A_296, %parallel_loop3A_331 : vector<16xf32>
        %parallel_loop3A_333 = arith.addf %parallel_loop3A_327, %parallel_loop3A_332 : vector<16xf32>
        %parallel_loop3A_334 = arith.constant 1200 : i32
        %parallel_loop3A_335 = vector.broadcast %parallel_loop3A_334 : i32 to vector<16xi32>
        %parallel_loop3A_336 = arith.addi %parallel_loop3A_273, %parallel_loop3A_335 : vector<16xi32>
        %parallel_loop3A_337 = tpu.vector_load_idx %arg11[%parallel_loop3A_336] : memref<24000xf32, #tpu.memory_space<vmem>>[vector<16xi32>], vector<16xf32>,
        %parallel_loop3A_338 = arith.mulf %parallel_loop3A_297, %parallel_loop3A_337 : vector<16xf32>
        %parallel_loop3A_339 = arith.addf %parallel_loop3A_333, %parallel_loop3A_338 : vector<16xf32>
        %parallel_loop3A_340 = arith.constant 1203 : i32
        %parallel_loop3A_341 = vector.broadcast %parallel_loop3A_340 : i32 to vector<16xi32>
        %parallel_loop3A_342 = arith.addi %parallel_loop3A_273, %parallel_loop3A_341 : vector<16xi32>
        %parallel_loop3A_343 = tpu.vector_load_idx %arg11[%parallel_loop3A_342] : memref<24000xf32, #tpu.memory_space<vmem>>[vector<16xi32>], vector<16xf32>,
        %parallel_loop3A_344 = arith.mulf %parallel_loop3A_298, %parallel_loop3A_343 : vector<16xf32>
        %parallel_loop3A_345 = arith.addf %parallel_loop3A_339, %parallel_loop3A_344 : vector<16xf32>
        %parallel_loop3A_346 = arith.constant 1260 : i32
        %parallel_loop3A_347 = vector.broadcast %parallel_loop3A_346 : i32 to vector<16xi32>
        %parallel_loop3A_348 = arith.addi %parallel_loop3A_273, %parallel_loop3A_347 : vector<16xi32>
        %parallel_loop3A_349 = tpu.vector_load_idx %arg11[%parallel_loop3A_348] : memref<24000xf32, #tpu.memory_space<vmem>>[vector<16xi32>], vector<16xf32>,
        %parallel_loop3A_350 = arith.mulf %parallel_loop3A_299, %parallel_loop3A_349 : vector<16xf32>
        %parallel_loop3A_351 = arith.addf %parallel_loop3A_345, %parallel_loop3A_350 : vector<16xf32>
        %parallel_loop3A_352 = arith.constant 1263 : i32
        %parallel_loop3A_353 = vector.broadcast %parallel_loop3A_352 : i32 to vector<16xi32>
        %parallel_loop3A_354 = arith.addi %parallel_loop3A_273, %parallel_loop3A_353 : vector<16xi32>
        %parallel_loop3A_355 = tpu.vector_load_idx %arg11[%parallel_loop3A_354] : memref<24000xf32, #tpu.memory_space<vmem>>[vector<16xi32>], vector<16xf32>,
        %parallel_loop3A_356 = arith.mulf %parallel_loop3A_300, %parallel_loop3A_355 : vector<16xf32>
        %parallel_loop3A_357 = arith.addf %parallel_loop3A_351, %parallel_loop3A_356 : vector<16xf32>
        %parallel_loop3A_358 = arith.constant 0 : i32
        %parallel_loop3A_359 = vector.broadcast %parallel_loop3A_358 : i32 to vector<16xi32>
        %parallel_loop3A_360 = arith.addi %parallel_loop3A_310, %parallel_loop3A_359 : vector<16xi32>
        tpu.vector_store_idx %arg17[%parallel_loop3A_360], %parallel_loop3A_357 : memref<4096xf32, #tpu.memory_space<vmem>>[vector<16xi32>], vector<16xf32>,
        %parallel_loop3A_361 = arith.constant 1 : i32
        %parallel_loop3A_362 = vector.broadcast %parallel_loop3A_361 : i32 to vector<16xi32>
        %parallel_loop3A_363 = arith.addi %parallel_loop3A_273, %parallel_loop3A_362 : vector<16xi32>
        %parallel_loop3A_364 = tpu.vector_load_idx %arg11[%parallel_loop3A_363] : memref<24000xf32, #tpu.memory_space<vmem>>[vector<16xi32>], vector<16xf32>,
        %parallel_loop3A_365 = arith.mulf %parallel_loop3A_293, %parallel_loop3A_364 : vector<16xf32>
        %parallel_loop3A_366 = arith.constant 4 : i32
        %parallel_loop3A_367 = vector.broadcast %parallel_loop3A_366 : i32 to vector<16xi32>
        %parallel_loop3A_368 = arith.addi %parallel_loop3A_273, %parallel_loop3A_367 : vector<16xi32>
        %parallel_loop3A_369 = tpu.vector_load_idx %arg11[%parallel_loop3A_368] : memref<24000xf32, #tpu.memory_space<vmem>>[vector<16xi32>], vector<16xf32>,
        %parallel_loop3A_370 = arith.mulf %parallel_loop3A_294, %parallel_loop3A_369 : vector<16xf32>
        %parallel_loop3A_371 = arith.addf %parallel_loop3A_365, %parallel_loop3A_370 : vector<16xf32>
        %parallel_loop3A_372 = arith.constant 61 : i32
        %parallel_loop3A_373 = vector.broadcast %parallel_loop3A_372 : i32 to vector<16xi32>
        %parallel_loop3A_374 = arith.addi %parallel_loop3A_273, %parallel_loop3A_373 : vector<16xi32>
        %parallel_loop3A_375 = tpu.vector_load_idx %arg11[%parallel_loop3A_374] : memref<24000xf32, #tpu.memory_space<vmem>>[vector<16xi32>], vector<16xf32>,
        %parallel_loop3A_376 = arith.mulf %parallel_loop3A_295, %parallel_loop3A_375 : vector<16xf32>
        %parallel_loop3A_377 = arith.addf %parallel_loop3A_371, %parallel_loop3A_376 : vector<16xf32>
        %parallel_loop3A_378 = arith.constant 64 : i32
        %parallel_loop3A_379 = vector.broadcast %parallel_loop3A_378 : i32 to vector<16xi32>
        %parallel_loop3A_380 = arith.addi %parallel_loop3A_273, %parallel_loop3A_379 : vector<16xi32>
        %parallel_loop3A_381 = tpu.vector_load_idx %arg11[%parallel_loop3A_380] : memref<24000xf32, #tpu.memory_space<vmem>>[vector<16xi32>], vector<16xf32>,
        %parallel_loop3A_382 = arith.mulf %parallel_loop3A_296, %parallel_loop3A_381 : vector<16xf32>
        %parallel_loop3A_383 = arith.addf %parallel_loop3A_377, %parallel_loop3A_382 : vector<16xf32>
        %parallel_loop3A_384 = arith.constant 1201 : i32
        %parallel_loop3A_385 = vector.broadcast %parallel_loop3A_384 : i32 to vector<16xi32>
        %parallel_loop3A_386 = arith.addi %parallel_loop3A_273, %parallel_loop3A_385 : vector<16xi32>
        %parallel_loop3A_387 = tpu.vector_load_idx %arg11[%parallel_loop3A_386] : memref<24000xf32, #tpu.memory_space<vmem>>[vector<16xi32>], vector<16xf32>,
        %parallel_loop3A_388 = arith.mulf %parallel_loop3A_297, %parallel_loop3A_387 : vector<16xf32>
        %parallel_loop3A_389 = arith.addf %parallel_loop3A_383, %parallel_loop3A_388 : vector<16xf32>
        %parallel_loop3A_390 = arith.constant 1204 : i32
        %parallel_loop3A_391 = vector.broadcast %parallel_loop3A_390 : i32 to vector<16xi32>
        %parallel_loop3A_392 = arith.addi %parallel_loop3A_273, %parallel_loop3A_391 : vector<16xi32>
        %parallel_loop3A_393 = tpu.vector_load_idx %arg11[%parallel_loop3A_392] : memref<24000xf32, #tpu.memory_space<vmem>>[vector<16xi32>], vector<16xf32>,
        %parallel_loop3A_394 = arith.mulf %parallel_loop3A_298, %parallel_loop3A_393 : vector<16xf32>
        %parallel_loop3A_395 = arith.addf %parallel_loop3A_389, %parallel_loop3A_394 : vector<16xf32>
        %parallel_loop3A_396 = arith.constant 1261 : i32
        %parallel_loop3A_397 = vector.broadcast %parallel_loop3A_396 : i32 to vector<16xi32>
        %parallel_loop3A_398 = arith.addi %parallel_loop3A_273, %parallel_loop3A_397 : vector<16xi32>
        %parallel_loop3A_399 = tpu.vector_load_idx %arg11[%parallel_loop3A_398] : memref<24000xf32, #tpu.memory_space<vmem>>[vector<16xi32>], vector<16xf32>,
        %parallel_loop3A_400 = arith.mulf %parallel_loop3A_299, %parallel_loop3A_399 : vector<16xf32>
        %parallel_loop3A_401 = arith.addf %parallel_loop3A_395, %parallel_loop3A_400 : vector<16xf32>
        %parallel_loop3A_402 = arith.constant 1264 : i32
        %parallel_loop3A_403 = vector.broadcast %parallel_loop3A_402 : i32 to vector<16xi32>
        %parallel_loop3A_404 = arith.addi %parallel_loop3A_273, %parallel_loop3A_403 : vector<16xi32>
        %parallel_loop3A_405 = tpu.vector_load_idx %arg11[%parallel_loop3A_404] : memref<24000xf32, #tpu.memory_space<vmem>>[vector<16xi32>], vector<16xf32>,
        %parallel_loop3A_406 = arith.mulf %parallel_loop3A_300, %parallel_loop3A_405 : vector<16xf32>
        %parallel_loop3A_407 = arith.addf %parallel_loop3A_401, %parallel_loop3A_406 : vector<16xf32>
        %parallel_loop3A_408 = arith.constant 128 : i32
        %parallel_loop3A_409 = vector.broadcast %parallel_loop3A_408 : i32 to vector<16xi32>
        %parallel_loop3A_410 = arith.addi %parallel_loop3A_310, %parallel_loop3A_409 : vector<16xi32>
        tpu.vector_store_idx %arg17[%parallel_loop3A_410], %parallel_loop3A_407 : memref<4096xf32, #tpu.memory_space<vmem>>[vector<16xi32>], vector<16xf32>,
        %parallel_loop3A_411 = arith.constant 2 : i32
        %parallel_loop3A_412 = vector.broadcast %parallel_loop3A_411 : i32 to vector<16xi32>
        %parallel_loop3A_413 = arith.addi %parallel_loop3A_273, %parallel_loop3A_412 : vector<16xi32>
        %parallel_loop3A_414 = tpu.vector_load_idx %arg11[%parallel_loop3A_413] : memref<24000xf32, #tpu.memory_space<vmem>>[vector<16xi32>], vector<16xf32>,
        %parallel_loop3A_415 = arith.mulf %parallel_loop3A_293, %parallel_loop3A_414 : vector<16xf32>
        %parallel_loop3A_416 = arith.constant 5 : i32
        %parallel_loop3A_417 = vector.broadcast %parallel_loop3A_416 : i32 to vector<16xi32>
        %parallel_loop3A_418 = arith.addi %parallel_loop3A_273, %parallel_loop3A_417 : vector<16xi32>
        %parallel_loop3A_419 = tpu.vector_load_idx %arg11[%parallel_loop3A_418] : memref<24000xf32, #tpu.memory_space<vmem>>[vector<16xi32>], vector<16xf32>,
        %parallel_loop3A_420 = arith.mulf %parallel_loop3A_294, %parallel_loop3A_419 : vector<16xf32>
        %parallel_loop3A_421 = arith.addf %parallel_loop3A_415, %parallel_loop3A_420 : vector<16xf32>
        %parallel_loop3A_422 = arith.constant 62 : i32
        %parallel_loop3A_423 = vector.broadcast %parallel_loop3A_422 : i32 to vector<16xi32>
        %parallel_loop3A_424 = arith.addi %parallel_loop3A_273, %parallel_loop3A_423 : vector<16xi32>
        %parallel_loop3A_425 = tpu.vector_load_idx %arg11[%parallel_loop3A_424] : memref<24000xf32, #tpu.memory_space<vmem>>[vector<16xi32>], vector<16xf32>,
        %parallel_loop3A_426 = arith.mulf %parallel_loop3A_295, %parallel_loop3A_425 : vector<16xf32>
        %parallel_loop3A_427 = arith.addf %parallel_loop3A_421, %parallel_loop3A_426 : vector<16xf32>
        %parallel_loop3A_428 = arith.constant 65 : i32
        %parallel_loop3A_429 = vector.broadcast %parallel_loop3A_428 : i32 to vector<16xi32>
        %parallel_loop3A_430 = arith.addi %parallel_loop3A_273, %parallel_loop3A_429 : vector<16xi32>
        %parallel_loop3A_431 = tpu.vector_load_idx %arg11[%parallel_loop3A_430] : memref<24000xf32, #tpu.memory_space<vmem>>[vector<16xi32>], vector<16xf32>,
        %parallel_loop3A_432 = arith.mulf %parallel_loop3A_296, %parallel_loop3A_431 : vector<16xf32>
        %parallel_loop3A_433 = arith.addf %parallel_loop3A_427, %parallel_loop3A_432 : vector<16xf32>
        %parallel_loop3A_434 = arith.constant 1202 : i32
        %parallel_loop3A_435 = vector.broadcast %parallel_loop3A_434 : i32 to vector<16xi32>
        %parallel_loop3A_436 = arith.addi %parallel_loop3A_273, %parallel_loop3A_435 : vector<16xi32>
        %parallel_loop3A_437 = tpu.vector_load_idx %arg11[%parallel_loop3A_436] : memref<24000xf32, #tpu.memory_space<vmem>>[vector<16xi32>], vector<16xf32>,
        %parallel_loop3A_438 = arith.mulf %parallel_loop3A_297, %parallel_loop3A_437 : vector<16xf32>
        %parallel_loop3A_439 = arith.addf %parallel_loop3A_433, %parallel_loop3A_438 : vector<16xf32>
        %parallel_loop3A_440 = arith.constant 1205 : i32
        %parallel_loop3A_441 = vector.broadcast %parallel_loop3A_440 : i32 to vector<16xi32>
        %parallel_loop3A_442 = arith.addi %parallel_loop3A_273, %parallel_loop3A_441 : vector<16xi32>
        %parallel_loop3A_443 = tpu.vector_load_idx %arg11[%parallel_loop3A_442] : memref<24000xf32, #tpu.memory_space<vmem>>[vector<16xi32>], vector<16xf32>,
        %parallel_loop3A_444 = arith.mulf %parallel_loop3A_298, %parallel_loop3A_443 : vector<16xf32>
        %parallel_loop3A_445 = arith.addf %parallel_loop3A_439, %parallel_loop3A_444 : vector<16xf32>
        %parallel_loop3A_446 = arith.constant 1262 : i32
        %parallel_loop3A_447 = vector.broadcast %parallel_loop3A_446 : i32 to vector<16xi32>
        %parallel_loop3A_448 = arith.addi %parallel_loop3A_273, %parallel_loop3A_447 : vector<16xi32>
        %parallel_loop3A_449 = tpu.vector_load_idx %arg11[%parallel_loop3A_448] : memref<24000xf32, #tpu.memory_space<vmem>>[vector<16xi32>], vector<16xf32>,
        %parallel_loop3A_450 = arith.mulf %parallel_loop3A_299, %parallel_loop3A_449 : vector<16xf32>
        %parallel_loop3A_451 = arith.addf %parallel_loop3A_445, %parallel_loop3A_450 : vector<16xf32>
        %parallel_loop3A_452 = arith.constant 1265 : i32
        %parallel_loop3A_453 = vector.broadcast %parallel_loop3A_452 : i32 to vector<16xi32>
        %parallel_loop3A_454 = arith.addi %parallel_loop3A_273, %parallel_loop3A_453 : vector<16xi32>
        %parallel_loop3A_455 = tpu.vector_load_idx %arg11[%parallel_loop3A_454] : memref<24000xf32, #tpu.memory_space<vmem>>[vector<16xi32>], vector<16xf32>,
        %parallel_loop3A_456 = arith.mulf %parallel_loop3A_300, %parallel_loop3A_455 : vector<16xf32>
        %parallel_loop3A_457 = arith.addf %parallel_loop3A_451, %parallel_loop3A_456 : vector<16xf32>
        %parallel_loop3A_458 = arith.constant 256 : i32
        %parallel_loop3A_459 = vector.broadcast %parallel_loop3A_458 : i32 to vector<16xi32>
        %parallel_loop3A_460 = arith.addi %parallel_loop3A_310, %parallel_loop3A_459 : vector<16xi32>
        tpu.vector_store_idx %arg17[%parallel_loop3A_460], %parallel_loop3A_457 : memref<4096xf32, #tpu.memory_space<vmem>>[vector<16xi32>], vector<16xf32>,
      } {sc.loop_unroll_factor = 2 : i64, sc.parallel_access}
      %mul3A_148 = arith.constant 4 : i32
      %mul3A_149 = arith.muli %mul3A_148, %add3A_132 : i32
      "tpu.region"() ({
        %run_scoped3A = tpu.sem_alloc : memref<!tpu.dma_semaphore, #tpu.memory_space<semaphore_mem>>
        %dma_start3A = tpu.memref_slice %arg5[%mul3A_149] : memref<16777216xf32, #tpu.memory_space<hbm>> -> memref<4096xf32, #tpu.memory_space<hbm>>
        %dma_start3A_150 = tpu.memref_slice %arg5[%mul3A_149] : memref<16777216xf32, #tpu.memory_space<hbm>> -> memref<4096xf32, #tpu.memory_space<hbm>>
        tpu.enqueue_dma source(%arg17 : memref<4096xf32, #tpu.memory_space<vmem>>) target(%dma_start3A_150 : memref<4096xf32, #tpu.memory_space<hbm>>) target_semaphore(%run_scoped3A : memref<!tpu.dma_semaphore, #tpu.memory_space<semaphore_mem>>)
        %dma_wait3A = tpu.memref_slice %arg5[%mul3A_149] : memref<16777216xf32, #tpu.memory_space<hbm>> -> memref<4096xf32, #tpu.memory_space<hbm>>
        %dma_wait3A_151 = tpu.memref_slice %arg5[%mul3A_149] : memref<16777216xf32, #tpu.memory_space<hbm>> -> memref<4096xf32, #tpu.memory_space<hbm>>
        tpu.wait_dma2 semaphore(%run_scoped3A : memref<!tpu.dma_semaphore, #tpu.memory_space<semaphore_mem>>) src(%arg17 : memref<4096xf32, #tpu.memory_space<vmem>>) dst(%dma_wait3A_151 : memref<4096xf32, #tpu.memory_space<hbm>>)
        tpu.yield
      }) : () -> ()
    }
    %scan3A_128 = arith.constant 128 : i32
    return
  }
}

</mosaic_0001>

<sc_bundles>
// kernel: kernel.3.cloned.1.call-start
scs
__scs_entry_jumppad:
0x0: {  	(pc) =	sbr.rel $0x88, $3  }
0x1: {  	(tag) =	ssettag $0x0;
	lr =	simm.s32 $0x1  }
0x2: {  	[smem:$0x3F9E] =	sst lr;
	_ =	strace $0xD0000000  }
0x3: {  	_ = 	snop  }
0x4: {  	_ = 	snop  }
0x5: {  	_ = 	snop  }
0x6: {  	_ = 	snop  }
0x7: {  	_ = 	snop  }
__scs_overlays_trampoline_lowered:
0x8: {  	[smem:$0x3FAD] =	sst s0  }
0x9: {  	[smem:$0x3FAE] =	sst s1  }
0xa: {  	[smem:$0x3FAF] =	sst s2  }
0xb: {  	[smem:$0x3FB0] =	sst s3  }
0xc: {  	[smem:$0x3FB1] =	sst s4  }
0xd: {  	[smem:$0x3FB2] =	sst s5  }
0xe: {  	[smem:$0x3FB3] =	sst s6  }
0xf: {  	[smem:$0x3FB4] =	sst s7  }
0x10: {  	[smem:$0x3FB5] =	sst s8  }
0x11: {  	[smem:$0x3FB6] =	sst s9;
	s0 =	simm.s32 @!p0 $0x0  }
0x12: {  	s1 =	sld [smem:$0x3F9C];
	s0 =	simm.s32 @p0 $0x1  }
0x13: {  	[smem:$0x3FB7] =	sst s0;
	s0 =	simm.s32 @!p1 $0x0  }
0x14: {  	s2 =	sld [smem:$0x3F9B];
	s0 =	simm.s32 @p1 $0x1  }
0x15: {  	[smem:$0x3FB8] =	sst s0;
	s0 =	simm.s32 @!p2 $0x0  }
0x16: {  	s3 =	sld [smem:$0x3FDB];
	s0 =	simm.s32 @p2 $0x1  }
0x17: {  	s4 =	simm.s32 $0x1BF5;
	[smem:$0x3FBA] =	sst s0  }
0x18: {  	s0 =	sld [smem:$0x3F9D];
	_ =	swait.ge [sflag:s4], $0x0  }
0x19: {  	s7 =	sld [smem:$0x3F9E]  }
0x1a: {  	s8 =	sadd.s32 $0xFFFFE003, lr  }
0x1b: {  	s9 =	sadd.s32 $0xFFFFFEF7, lr;
	s5 =	simm.s32 $0xFFFFFFFF;
	p2 =	slt.u32 s8, $0xFFFFF086  }
0x1c: {  	p1 =	slt.u32 s9, $0xF7A;
	s5 =	simm.s32 @!p2 $0x0  }
0x1d: {  	s5 =	simm.s32 @p1 $0x1;
	p0 =	seq.s32 s7, s2  }
0x1e: {  	s7 =	smul.u32 @!p0 $0xF7A, s2;
	p2 =	seq.s32 @!p0 s5, $0x0  }
0x1f: {  	s9 =	smul.u32 $0xF7A, s1;
	s8 =	simm.s32 @!p0 $0x1BF5;
	p2 =	por !p2, p0  }
0x20: {  	[sflag:s8] =	ssyncset.s32 @!p0 $0xFFFFF086;
	s6 =	sadd.s32 @!p0 s3, s7;
	s7 =	simm.s32 @!p0 $0x108  }
0x21: {  	s3 =	sadd.s32 s3, s9;
	s6 =	sadd.s32 @!p0 $0x88, s6;
	s7 =	simm.s32 @p2 $0x1082  }
0x22: {  	[simem:s7], [sflag:s8] =	dma.local @!p0 [hbm:s6], $0xF7A  }
0x23: {  	s9 =	sor.u32 $0xD0000000, s2;
	s6 =	simm.s32 $0x108;
	_ =	swait.ge @!p0 [sflag:s8], $0x0  }
0x24: {  	s3 =	sadd.s32 $0x88, s3;
	s6 =	simm.s32 @!p1 $0x1082;
	[sflag:s4] =	ssyncset.s32 $0xFFFFF086  }
0x25: {  	[simem:s6], [sflag:s4] =	dma.local [hbm:s3], $0xF7A  }
0x26: {  	[smem:$0x3F9E] =	sst s1;
	(tag) =	ssettag s2;
	_ =	strace s9  }
0x27: {  	s1 =	sld [smem:$0x3FAE]  }
0x28: {  	s2 =	sld [smem:$0x3FAF]  }
0x29: {  	s4 =	sld [smem:$0x3FB1]  }
0x2a: {  	p0 =	seq.s32 s5, $0x0;
	s5 =	sld [smem:$0x3FB2]  }
0x2b: {  	s6 =	sld [smem:$0x3FB3]  }
0x2c: {  	s7 =	sld [smem:$0x3FB4]  }
0x2d: {  	s3 =	simm.s32 $0x108;
	s8 =	sld [smem:$0x3FB5]  }
0x2e: {  	s3 =	simm.s32 @!p0 $0x1082;
	s9 =	sld [smem:$0x3FB6]  }
0x2f: {  	lr =	sadd.s32 s0, s3;
	s0 =	sld [smem:$0x3FAD]  }
0x30: {  	s3 =	sld [smem:$0x3FB0]  }
0x31: {  	[smem:$0x3FB9] =	sst s10  }
0x32: {  	s10 =	sld [smem:$0x3FB7];
	_ =	sdelay $0x3  }
0x33: {  	p0 =	seq.s32 s10, $0x1;
	s10 =	sld [smem:$0x3FB9];
	_ =	sdelay $0x3  }
0x34: {  	[smem:$0x3FB9] =	sst s10  }
0x35: {  	s10 =	sld [smem:$0x3FB8];
	_ =	sdelay $0x3  }
0x36: {  	p1 =	seq.s32 s10, $0x1;
	s10 =	sld [smem:$0x3FB9];
	_ =	sdelay $0x3  }
0x37: {  	[smem:$0x3FB9] =	sst s10  }
0x38: {  	s10 =	sld [smem:$0x3FBA]  }
0x39: {  	_ = 	snop;
	(pc) =	sbr.ind lr, $3  }
0x3a: {  	_ = 	snop  }
0x3b: {  	_ = 	snop  }
0x3c: {  	p2 =	seq.s32 s10, $0x1;
	s10 =	sld [smem:$0x3FB9]  }
0x3d: {  	_ =	shalt  }
0x3e: {  	_ =	shalt  }
0x3f: {  	_ =	shalt  }
0x40: {  	_ =	shalt  }
0x41: {  	_ =	shalt  }
0x42: {  	_ =	shalt  }
0x43: {  	_ =	shalt  }
0x44: {  	_ =	shalt  }
0x45: {  	_ =	shalt  }
0x46: {  	_ =	shalt  }
0x47: {  	_ =	shalt  }
0x48: {  	_ =	shalt  }
0x49: {  	_ =	shalt  }
0x4a: {  	_ =	shalt  }
0x4b: {  	_ =	shalt  }
0x4c: {  	_ =	shalt  }
0x4d: {  	_ =	shalt  }
0x4e: {  	_ =	shalt  }
0x4f: {  	_ =	shalt  }
0x50: {  	_ =	shalt  }
0x51: {  	_ =	shalt  }
0x52: {  	_ =	shalt  }
0x53: {  	_ =	shalt  }
0x54: {  	_ =	shalt  }
0x55: {  	_ =	shalt  }
0x56: {  	_ =	shalt  }
0x57: {  	_ =	shalt  }
0x58: {  	_ =	shalt  }
0x59: {  	_ =	shalt  }
0x5a: {  	_ =	shalt  }
0x5b: {  	_ =	shalt  }
0x5c: {  	_ =	shalt  }
0x5d: {  	_ =	shalt  }
0x5e: {  	_ =	shalt  }
0x5f: {  	_ =	shalt  }
0x60: {  	_ =	shalt  }
0x61: {  	_ =	shalt  }
0x62: {  	_ =	shalt  }
0x63: {  	_ =	shalt  }
0x64: {  	_ =	shalt  }
0x65: {  	_ =	shalt  }
0x66: {  	_ =	shalt  }
0x67: {  	_ =	shalt  }
0x68: {  	_ =	shalt  }
0x69: {  	_ =	shalt  }
0x6a: {  	_ =	shalt  }
0x6b: {  	_ =	shalt  }
0x6c: {  	_ =	shalt  }
0x6d: {  	_ =	shalt  }
0x6e: {  	_ =	shalt  }
0x6f: {  	_ =	shalt  }
0x70: {  	_ =	shalt  }
0x71: {  	_ =	shalt  }
0x72: {  	_ =	shalt  }
0x73: {  	_ =	shalt  }
0x74: {  	_ =	shalt  }
0x75: {  	_ =	shalt  }
0x76: {  	_ =	shalt  }
0x77: {  	_ =	shalt  }
0x78: {  	_ =	shalt  }
0x79: {  	_ =	shalt  }
0x7a: {  	_ =	shalt  }
0x7b: {  	_ =	shalt  }
0x7c: {  	_ =	shalt  }
0x7d: {  	_ =	shalt  }
0x7e: {  	_ =	shalt  }
0x7f: {  	_ =	shalt  }
0x80: {  	_ =	shalt  }
0x81: {  	_ =	shalt  }
0x82: {  	_ =	shalt  }
0x83: {  	_ =	shalt  }
0x84: {  	_ =	shalt  }
0x85: {  	_ =	shalt  }
0x86: {  	_ =	shalt  }
0x87: {  	_ =	shalt  }
.Lfunc_end0:
.L_simem_size_0:
called_computation_lowered:
.L_overlay_start_0:
0x88: {  	s2 =	sld [smem:$0x3FD9]  }
0x89: {  	s3 =	sld [smem:$0x3FFE];
	_ =	sdelay $0x1  }
0x8a: {  	s1 =	srdreg.scid  }
0x8b: {  	s0 =	sand.u32 $0x1, s1  }
0x8c: {  	s17 =	sshll.u32 s0, $0xA;
	s2 =	sadd.s32 s3, s2  }
0x8d: {  	s2 =	sadd.s32 s2, s17  }
0x8e: {  	[smem:$0x3FC5] =	sst s2  }
0x8f: {  	_ = 	snop  }
0x90: {  	s2 =	sld [smem:$0x3FC9]  }
0x91: {  	s18 =	sld [smem:$0x3FD0];
	(tm) =	ssettm $0x1  }
0x92: {  	s4 =	sld [smem:$0x3FFB];
	_ =	sdelay $0x3  }
0x93: {  	_ =	strace s4  }
0x94: {  	s4 =	sld [smem:$0x3FFC];
	_ =	sdelay $0x3  }
0x95: {  	_ =	strace s4  }
0x96: {  	s4 =	sld [smem:$0x3FFD];
	_ =	sdelay $0x3  }
0x97: {  	_ =	strace s4  }
0x98: {  	_ =	strace $0x8FFFFFFF  }
0x99: {  	s19 =	sld [smem:$0x3FDB];
	_ =	sdelay $0x1  }
0x9a: {  	s5 =	simm.s32 $_scs_section_size  }
0x9b: {  	s6 =	simm.s32 $_size__tile_overlayer_lowered;
	s7 =	simm.s32 $_tile_overlayer_lowered  }
0x9c: {  	s22 =	simm.s32 $0x1BFF;
	s21 =	sshll.u32 s7, $0x1;
	s4 =	sadd.s32 s5, s19  }
0x9d: {  	s8 =	simm.s32 $0x0;
	s20 =	sshll.u32 s6, $0x1;
	s6 =	sadd.s32 s21, s4  }
0x9e: {  	[timem:s8], [sflag:s22] =	dma.local [hbm:s6], s20  }
0x9f: {  	_ =	swait.ge [sflag:s22], s20  }
0xa0: {  	s5 =	ssub.s32 $0x0, s20;
	[sflag:s22] =	ssyncset.done $0x0  }
0xa1: {  	[sflag:s22] =	ssyncadd.s32 s5;
	_ =	sdelay $0x1  }
0xa2: {  	s23 =	simm.s32 $0x1B8B  }
0xa3: {  	_ =	swait.ge [sflag:s23], $0x1  }
0xa4: {  	[sflag:s23] =	ssyncset.done $0x0  }
0xa5: {  	s25 =	simm.s32 $0x1B8E;
	s24 =	sld [smem:$0x3FFE];
	[sflag:s23] =	ssyncadd.s32 $0xFFFFFFFF  }
0xa6: {  	s26 =	simm.s32 $execute0_lowered;
	[smem:$0x3FD2] =	sst s25  }
0xa7: {  	s6 =	sshll.u32 s26, $0x1;
	_ =	strace $0x80000046;
	[dreg:$0x1] =	wrdreg $0xFFFFFFFF  }
0xa8: {  	s28 =	simm.s32 $_size_execute0_lowered;
	s4 =	sadd.s32 s4, s6;
	[dreg:$0x0] =	wrdreg $0x0  }
0xa9: {  	s6 =	sshll.u32 s28, $0x1;
	[dreg:$0x2] =	wrdreg s4  }
0xaa: {  	[dreg:$0x3] =	wrdreg s6  }
0xab: {  	[dreg:$0x4] =	wrdreg $0xC0  }
0xac: {  	_ =	task [dreg:s8], $0x5FFFF  }
0xad: {  	[dreg:$0x1] =	wrdreg $0xFFFFFFFF  }
0xae: {  	[dreg:$0x0] =	wrdreg $0x60  }
0xaf: {  	[dreg:$0x2] =	wrdreg s2  }
0xb0: {  	[dreg:$0x3] =	wrdreg s24  }
0xb1: {  	[dreg:$0x4] =	wrdreg s18  }
0xb2: {  	[dreg:$0x5] =	wrdreg $0x9  }
0xb3: {  	_ =	task.clear_ibuf [dreg:s8], $0x6FFFF;
	_ =	strace $0x90000046  }
0xb4: {  	s29 =	simm.s32 $0x9;
	_ =	strace $0x80000048  }
0xb5: {  	_ =	swait.ge [sflag:s29], $0x1  }
0xb6: {  	[sflag:s29] =	ssyncadd.s32 $0xFFFFFFFF  }
0xb7: {  	_ =	strace $0x90000048  }
0xb8: {  	_ =	sfence  }
0xb9: {  	s30 =	sld [smem:$0x0];
	_ =	sdelay $0x2  }
0xba: {  	s31 =	sshll.u32 s1, $0xD;
	s1 =	sshrl.u32 s1, $0x2  }
0xbb: {  	s3 =	sand.u32 $0x4000, s31;
	s1 =	sadd.s32 s1, s30  }
0xbc: {  	s0 =	sor.u32 s3, s0;
	s1 =	sshll.u32 s1, $0x11  }
0xbd: {  	s0 =	sor.u32 s1, s0  }
0xbe: {  	s0 =	sadd.s32 $0x8F2B, s0  }
0xbf: {  	[sflag:s0] =	ssyncadd.remote.s32 $0x1  }
0xc0: {  	_ =	sfence.sel $0xFFFF  }
0xc1: {  	[dreg:$0x0] =	wrdreg $0xFFFFFFFF;
	(pc) =	sbr.abs _section_cstart, $3  }
0xc2: {  	[dreg:$0x1] =	wrdreg $0xFFFFFFFF  }
0xc3: {  	_ =	task.clear_ibuf [dreg:s8], $0x2FFFF;
	_ =	strace $0x9FFFFFFF  }
0xc4: {  	(tm) =	ssettm $0x7FFFFFFF  }
0xc5: {  	_ =	shalt  }
tec
execute0_lowered:
.L_overlay_start_1:
0x0: {  	(tag) =	ssettag $0x1  }
0x1: {  	s0 =	rddreg [dreg:$0x1]  }
0x2: {  	s2 =	rddreg [dreg:$0x2];
	s3 =	simm.s32 $0x0  }
0x3: {  	s1 =	srdreg.scid;
	s9 =	stileid.u32;
	v0 =	vimm.s32 $0x0;
	vm0 =	vcmask $0x704;
	s11 =	simm.s32 $0x3  }
0x4: {  	vm6 =	vcmask $0xB08;
	s30 =	simm.s32 $0xAC0;
	s14 =	simm.s32 $0x1020;
	s15 =	simm.s32 $0x2040;
	v0 =	vsel vm0, $0x560, v0  }
0x5: {  	vm7 =	vcmask $0xF0C;
	vm8 =	vcmask $0x1310;
	s16 =	simm.s32 $0x2;
	s17 =	simm.s32 $0x2;
	s18 =	simm.s32 $0xA8F0;
	v0 =	vsel vm6, $0xAC0, v0  }
0x6: {  	vm9 =	vcmask $0x1714;
	vm10 =	vcmask $0x1B18;
	s19 =	simm.s32 $0x80;
	s21 =	simm.s32 $0xBCF0;
	s10 =	simm.s32 $0xECF0;
	v0 =	vsel vm7, $0x1, v0  }
0x7: {  	vm11 =	vcmask $0x1F1C;
	v17 =	vlaneseq.u32;
	s12 =	simm.s32 $0xB470;
	s13 =	simm.s32 $0xF4F0;
	s20 =	simm.s32 $0xFCF0;
	v0 =	vsel vm8, $0x561, v0  }
0x8: {  	vm12 =	vcmask $0x2320;
	s22 =	simm.s32 $0x0;
	[smem:$0x7FF] =	sst s3;
	s7 =	sadd.s32 $0x113400, s0;
	v62 =	vor.u32 $0xFFFFFE78, v17;
	v0 =	vsel vm9, $0xAC1, v0  }
0x9: {  	s1 =	sand.u32 $0x1, s1;
	s29 =	sadd.s32 $0x1600, s0;
	v59 =	vand.u32 $0x7, v17;
	v19 =	vor.u32 $0xFFFFFF78, v17;
	_ =	strace $0x80000047;
	[tilespmem:$0x1FF90] =	vst v62;
	v0 =	vsel vm10, $0x2B0, v0  }
0xa: {  	s6 =	sadd.s32 $0x800, s0;
	s0 =	sadd.s32 $0x2CC00, s0;
	s8 =	smul.u32 $0x2B, s9;
	v18 =	vor.u32 $0xFFFFFF68, v59;
	[tilespmem:$0x1FFC0] =	vst v19;
	v0 =	vsel vm11, $0x810, v0  }
0xb: {  	vm13 =	vcmask $0x2724;
	s28 =	sshll.u32 s9, $0x12;
	s4 =	ssub.s32 $0x2, s1;
	p0 =	seq.s32 s1, $0x1;
	v16 =	vor.u32 $0xFFFFFE68, v59;
	[tilespmem:$0x1FFB0] =	vst v18;
	v0 =	vsel vm12, $0xD70, v0  }
0xc: {  	vm14 =	vcmask $0x2B28;
	s1 =	sshll.u32 s1, $0x11;
	v32 =	vor.u32 $0x100, v59;
	[dreg:$0x4] =	wrdreg s29;
	s5 =	sshrl.u32 s4, $0x1;
	[tilespmem:$0x1FFD0] =	vst v16;
	v0 =	vsel vm13, $0x2B1, v0  }
0xd: {  	vm15 =	vcmask $0x2F2C;
	v63 =	vor.u32 $0x80, v59;
	s9 =	sor.u32 s1, s28;
	s2 =	smov.u32 @p0 s0;
	[tilespmem:$0x1FFE0] =	vst v32;
	s4 =	ssub.s32 s4, s5;
	v0 =	vsel vm14, $0x811, v0  }
0xe: {  	s16 =	simm.s32 @!p0 $0x3;
	s1 =	simm.s32 $0x1;
	[tilespmem:$0x1FFF0] =	vst v63;
	s31 =	smax.u32 s4, $0x1;
	v15 =	vsel vm15, $0xD71, v0  }
0xf: {  	s5 =	simm.s32 $0x4B30;
	s4 =	simm.s32 $0x560;
	[dreg:$0x5] =	wrdreg s31;
	[tilespmem:$0x1FFA0] =	vst v15  }
.LBB2_1:
.Ltmp0:
0x10: {  	(pc) =	sbr.rel .LBB2_2-.Ltmp0, $2  }
0x11: {  	_ =	sdelay $0x2  }
0x12: {  	[dreg:$0x6] =	wrdreg s22;
	s22 =	simm.s32 $0x0  }
.LBB2_16:
0x13: {  	s22 =	sadd.s32 $0x1, s22  }
0x14: {  	p0 =	sne.s32 s22, $0x2B  }
.Ltmp1:
0x15: {  	_ = 	snop;
	(pc) =	sbr.rel @!p0 .LBB2_17-.Ltmp1, $1  }
0x16: {  	_ =	sdelay $0x3  }
.LBB2_2:
0x17: {  	s23 =	sadd.s32 s8, s22  }
0x18: {  	p0 =	sgt.u32 s23, $0x2AE  }
.Ltmp2:
0x19: {  	_ = 	snop;
	(pc) =	sbr.rel @p0 .LBB2_16-.Ltmp2, $1  }
0x1a: {  	_ =	sdelay $0x3  }
0x1b: {  	s0 =	smul.u32 $0x2B0, s23;
	_ =	sdelay $0x1  }
0x1c: {  	s0 =	sshrl.u32 s0, $0x3  }
0x1d: {  	s0 =	sadd.s32 s29, s0  }
0x1e: {  	[tilespmem:s3], [sflag:$0x3] =	stream.linear.gather [hbm4b:s0+s3], $0x560, $0x38;
	[tilespmem:$0x10CF0] =	vst v63  }
0x1f: {  	_ =	swait.ge [sflag:s11], $0x560  }
0x20: {  	[sflag:s11] =	ssyncset.done $0x0  }
0x21: {  	s24 =	sadd.s32 $0xE720, s0;
	[sflag:s11] =	ssyncadd.s32 $0xFFFFFAA0  }
0x22: {  	[tilespmem:s4], [sflag:$0x3] =	stream.linear.gather [hbm4b:s24+s3], $0x560, $0x38;
	[tilespmem:$0x10CF0] =	vst v63  }
0x23: {  	_ =	swait.ge [sflag:s11], $0x560  }
0x24: {  	[sflag:s11] =	ssyncset.done $0x0  }
0x25: {  	s0 =	sadd.s32 $0x1CE40, s0;
	[sflag:s11] =	ssyncadd.s32 $0xFFFFFAA0  }
0x26: {  	[tilespmem:s30], [sflag:$0x3] =	stream.linear.gather [hbm4b:s0+s3], $0x560, $0x38;
	[tilespmem:$0x10CF0] =	vst v63  }
0x27: {  	_ =	swait.ge [sflag:s11], $0x560  }
0x28: {  	[sflag:s11] =	ssyncset.done $0x0  }
0x29: {  	s26 =	simm.s32 $0x20;
	[sflag:s11] =	ssyncadd.s32 $0xFFFFFAA0  }
0x2a: {  	v0 =	vld [tilespmem:s26+$0x10]  }
0x2b: {  	v1 =	vld [tilespmem:s26+$0xFFFFFFF0]  }
0x2c: {  	v2 =	vld [tilespmem:s26+$0x0]  }
0x2d: {  	v3 =	vld [tilespmem:s26+$0xFFFFFFE0];
	_ =	sdelay $0x1  }
0x2e: {  	v0 =	vsub.f32 $0.0e+00, v0  }
0x2f: {  	s28 =	simm.s32 $0x60;
	v1 =	vsub.f32 $0.0e+00, v1  }
0x30: {  	v5 =	vld [tilespmem:s28+$0xFFFFFFF0];
	v2 =	vsub.f32 $0.0e+00, v2;
	v0 =	vmul.f32 $1.442695020e+00, v0  }
0x31: {  	v4 =	vld [tilespmem:s28+$0x10];
	v3 =	vsub.f32 $0.0e+00, v3;
	v1 =	vmul.f32 $1.442695020e+00, v1  }
0x32: {  	v2 =	vmul.f32 $1.442695020e+00, v2;
	(erf) = vpow2.f32 v0  }
0x33: {  	v3 =	vmul.f32 $1.442695020e+00, v3;
	v0 =	vld [tilespmem:s28+$0x0];
	(erf) = vpow2.f32 v1  }
0x34: {  	v1 =	vld [tilespmem:s28+$0xFFFFFFE0];
	(erf) = vpow2.f32 v2  }
0x35: {  	(erf) = vpow2.f32 v3;
	v3 =	vsub.f32 $0.0e+00, v5  }
0x36: {  	v2 =	vsub.f32 $0.0e+00, v4  }
0x37: {  	v3 =	vmul.f32 $1.442695020e+00, v3  }
0x38: {  	s31 =	simm.s32 $0xA0;
	v2 =	vmul.f32 $1.442695020e+00, v2;
	v0 =	vsub.f32 $0.0e+00, v0  }
0x39: {  	v4 =	vld [tilespmem:s31+$0x10];
	v1 =	vsub.f32 $0.0e+00, v1  }
0x3a: {  	v5 =	vld [tilespmem:s31+$0xFFFFFFF0];
	(erf) = vpow2.f32 v2;
	v0 =	vmul.f32 $1.442695020e+00, v0  }
0x3b: {  	v2 =	vld [tilespmem:s31+$0x0];
	(erf) = vpow2.f32 v3;
	v1 =	vmul.f32 $1.442695020e+00, v1;
	v3 =	vpop (erf)  }
0x3c: {  	v6 =	vld [tilespmem:s31+$0xFFFFFFE0];
	(erf) = vpow2.f32 v0;
	v0 =	vadd.f32 $1.000000000e+00, v3;
	v3 =	vpop (erf)  }
0x3d: {  	(erf) = vpow2.f32 v1;
	v1 =	vadd.f32 $1.000000000e+00, v3;
	v3 =	vpop (erf)  }
0x3e: {  	v4 =	vsub.f32 $0.0e+00, v4;
	v3 =	vadd.f32 $1.000000000e+00, v3;
	v7 =	vpop (erf)  }
0x3f: {  	(erf) = vrcp.f32 v0;
	v0 =	vsub.f32 $0.0e+00, v5;
	v5 =	vadd.f32 $1.000000000e+00, v7  }
0x40: {  	(erf) = vrcp.f32 v1;
	v1 =	vsub.f32 $0.0e+00, v2;
	v2 =	vmul.f32 $1.442695020e+00, v4  }
0x41: {  	v4 =	vsub.f32 $0.0e+00, v6;
	(erf) = vrcp.f32 v3;
	v0 =	vmul.f32 $1.442695020e+00, v0  }
0x42: {  	s25 =	simm.s32 $0xE0;
	(erf) = vrcp.f32 v5;
	v1 =	vmul.f32 $1.442695020e+00, v1  }
0x43: {  	v3 =	vld [tilespmem:s25+$0x10];
	(erf) = vpow2.f32 v2;
	v2 =	vmul.f32 $1.442695020e+00, v4;
	_ =	sdelay $0x1  }
0x44: {  	(erf) = vpow2.f32 v0;
	v0 =	vpop (erf)  }
0x45: {  	(erf) = vpow2.f32 v1;
	v0 =	vadd.f32 $1.000000000e+00, v0;
	v1 =	vpop (erf)  }
0x46: {  	v5 =	vld [tilespmem:s25+$0xFFFFFFF0];
	(erf) = vpow2.f32 v2;
	v1 =	vadd.f32 $1.000000000e+00, v1;
	v2 =	vpop (erf)  }
0x47: {  	v6 =	vld [tilespmem:s25+$0x0];
	v7 =	vsub.f32 $0.0e+00, v3;
	v3 =	vpop (erf);
	(erf) = vrcp.f32 v0  }
0x48: {  	(erf) = vrcp.f32 v1;
	v1 =	vld [tilespmem:s25+$0xFFFFFFE0]  }
0x49: {  	v8 =	vadd.f32 $1.000000000e+00, v2;
	_ =	sdelay $0x1  }
0x4a: {  	s24 =	simm.s32 $0x1040;
	v2 =	vsub.f32 $0.0e+00, v5;
	v3 =	vadd.f32 $1.000000000e+00, v3;
	v0 =	vpop (erf);
	(erf) = vrcp.f32 v8  }
0x4b: {  	s0 =	simm.s32 $0xC;
	v4 =	vsub.f32 $0.0e+00, v6;
	v5 =	vmul.f32 $1.442695020e+00, v7;
	s25 =	simm.s32 $0x120;
	[tilespmem:s24+$0x10] =	vst v0;
	v0 =	vpop (erf)  }
.LBB2_4:
0x4c: {  	v6 =	vld [tilespmem:s25+$0x10];
	s0 =	sadd.s32 $0x4, s0;
	v1 =	vsub.f32 $0.0e+00, v1;
	v8 =	vmul.f32 $1.442695020e+00, v2;
	(erf) = vrcp.f32 v3;
	[tilespmem:s24+$0xFFFFFFF0] =	vst v0;
	v0 =	vpop (erf)  }
0x4d: {  	v3 =	vld [tilespmem:s25+$0xFFFFFFF0];
	p0 =	slt.u32 s0, $0xFC;
	v4 =	vmul.f32 $1.442695020e+00, v4;
	(erf) = vpow2.f32 v5;
	[tilespmem:s24+$0x0] =	vst v0;
	v0 =	vpop (erf)  }
0x4e: {  	v5 =	vld [tilespmem:s25+$0x0];
	v7 =	vmul.f32 $1.442695020e+00, v1;
	(erf) = vpow2.f32 v8;
	v2 =	vpop (erf);
	[tilespmem:s24+$0xFFFFFFE0] =	vst v0  }
.Ltmp3:
0x4f: {  	v1 =	vld [tilespmem:s25+$0xFFFFFFE0];
	(erf) = vpow2.f32 v4;
	v9 =	vadd.f32 $1.000000000e+00, v2;
	v2 =	vpop (erf);
	(pc) =	sbr.rel @p0 .LBB2_4-.Ltmp3, $4  }
0x50: {  	(erf) = vpow2.f32 v7;
	v4 =	vadd.f32 $1.000000000e+00, v2;
	v2 =	vpop (erf)  }
0x51: {  	v6 =	vsub.f32 $0.0e+00, v6;
	v7 =	vadd.f32 $1.000000000e+00, v2;
	v8 =	vpop (erf);
	(erf) = vrcp.f32 v9  }
0x52: {  	s24 =	sadd.s32 $0x40, s24;
	v2 =	vsub.f32 $0.0e+00, v3;
	v3 =	vadd.f32 $1.000000000e+00, v8;
	(erf) = vrcp.f32 v4;
	v0 =	vpop (erf)  }
0x53: {  	s25 =	sadd.s32 $0x40, s25;
	v4 =	vsub.f32 $0.0e+00, v5;
	v5 =	vmul.f32 $1.442695020e+00, v6;
	(erf) = vrcp.f32 v7;
	[tilespmem:s24+$0x10] =	vst v0;
	v0 =	vpop (erf)  }
0x54: {  	v1 =	vsub.f32 $0.0e+00, v1;
	v2 =	vmul.f32 $1.442695020e+00, v2;
	(erf) = vrcp.f32 v3;
	v41 =	vpop (erf)  }
0x55: {  	v4 =	vmul.f32 $1.442695020e+00, v4;
	(erf) = vpow2.f32 v5;
	v42 =	vpop (erf)  }
0x56: {  	v1 =	vmul.f32 $1.442695020e+00, v1;
	(erf) = vpow2.f32 v2;
	v43 =	vpop (erf)  }
0x57: {  	(erf) = vpow2.f32 v4;
	v44 =	vpop (erf)  }
0x58: {  	(erf) = vpow2.f32 v1;
	v45 =	vpop (erf)  }
0x59: {  	v6 =	vpop (erf)  }
0x5a: {  	v7 =	vpop (erf)  }
0x5b: {  	v2 =	vadd.f32 $1.000000000e+00, v43;
	v8 =	vpop (erf)  }
0x5c: {  	v4 =	vadd.f32 $1.000000000e+00, v44;
	v9 =	vpop (erf)  }
0x5d: {  	v1 =	vadd.f32 $1.000000000e+00, v45;
	(erf) = vrcp.f32 v2;
	v46 =	vpop (erf)  }
0x5e: {  	v6 =	vadd.f32 $1.000000000e+00, v6;
	(erf) = vrcp.f32 v4;
	v47 =	vpop (erf)  }
0x5f: {  	(erf) = vrcp.f32 v1;
	v48 =	vadd.f32 $1.000000000e+00, v47;
	v49 =	vpop (erf)  }
0x60: {  	[tilespmem:s24+$0xFFFFFFF0] =	vst v0;
	(erf) = vrcp.f32 v6;
	v50 =	vadd.f32 $1.000000000e+00, v49;
	v51 =	vpop (erf)  }
0x61: {  	[tilespmem:s24+$0x0] =	vst v41;
	v52 =	vadd.f32 $1.000000000e+00, v51;
	(erf) = vrcp.f32 v48;
	v53 =	vpop (erf)  }
0x62: {  	s0 =	sadd.s32 $0x40, s24;
	[tilespmem:s24+$0xFFFFFFE0] =	vst v42;
	(erf) = vrcp.f32 v50;
	v54 =	vadd.f32 $1.000000000e+00, v53  }
0x63: {  	[tilespmem:s0+$0x10] =	vst v7;
	(erf) = vrcp.f32 v52  }
0x64: {  	[tilespmem:s0+$0xFFFFFFF0] =	vst v8;
	(erf) = vrcp.f32 v54  }
0x65: {  	[tilespmem:s0+$0x0] =	vst v9  }
0x66: {  	[tilespmem:s0+$0xFFFFFFE0] =	vst v46;
	s0 =	sadd.s32 $0x40, s0;
	v55 =	vpop (erf)  }
0x67: {  	[tilespmem:s0+$0x10] =	vst v55;
	v56 =	vpop (erf)  }
0x68: {  	[tilespmem:s0+$0xFFFFFFF0] =	vst v56;
	v57 =	vpop (erf)  }
0x69: {  	[tilespmem:s0+$0x0] =	vst v57;
	v58 =	vpop (erf)  }
0x6a: {  	[tilespmem:s0+$0xFFFFFFE0] =	vst v58;
	s0 =	sadd.s32 $0x40, s0;
	v59 =	vpop (erf)  }
0x6b: {  	[tilespmem:s0+$0x10] =	vst v59;
	v60 =	vpop (erf)  }
0x6c: {  	[tilespmem:s0+$0xFFFFFFF0] =	vst v60;
	v61 =	vpop (erf)  }
0x6d: {  	[tilespmem:s0+$0x0] =	vst v61;
	v62 =	vpop (erf)  }
0x6e: {  	s25 =	simm.s32 $0x0;
	[tilespmem:s0+$0xFFFFFFE0] =	vst v62;
	s0 =	simm.s32 $0x0  }
.LBB2_6:
0x6f: {  	s24 =	sshra.s32 s0, $0x2  }
0x70: {  	v0 =	vld [tilespmem:s24+$0x1000];
	_ =	sdelay $0x4  }
0x71: {  	v0 =	vsub.f32 $0.0e+00, v0;
	_ =	sdelay $0x1  }
0x72: {  	v0 =	vmul.f32 $1.442695020e+00, v0;
	_ =	sdelay $0x1  }
0x73: {  	(erf) = vpow2.f32 v0;
	_ =	sdelay $0x8  }
0x74: {  	v0 =	vpop (erf)  }
0x75: {  	v0 =	vadd.f32 $1.000000000e+00, v0;
	_ =	sdelay $0x1  }
0x76: {  	(erf) = vrcp.f32 v0;
	_ =	sdelay $0x4  }
0x77: {  	p0 =	sne.s32 s0, $0x40  }
.Ltmp4:
0x78: {  	_ = 	snop;
	(pc) =	sbr.rel @p0 .LBB2_6-.Ltmp4, $3  }
0x79: {  	_ =	sdelay $0x1  }
0x7a: {  	v0 =	vpop (erf)  }
0x7b: {  	s0 =	sadd.s32 $0x40, s0;
	[tilespmem:s24+$0x2020] =	vst v0  }
0x7c: {  	p1 =	por $0x1, $0x1  }
.Ltmp5:
0x7d: {  	_ = 	snop;
	(pc) =	sbr.rel @!p1 .LBB2_8-.Ltmp5, $4  }
0x7e: {  	_ = 	snop  }
0x7f: {  	s26 =	simm.s32 $0x3  }
0x80: {  	v13 =	vadd.s32 s25, v15;
	s0 =	simm.s32 $0x2;
	s24 =	simm.s32 $0x1;
	v2 =	vmov s25;
	v12 =	vadd.s32 s26, v15  }
0x81: {  	s28 =	simm.s32 $0x4;
	p0 =	por $0x0, $0x0;
	v0 =	vadd.s32 s0, v15;
	v1 =	vadd.s32 s24, v15;
	v14 =	vshll.u32 v2, $0x4  }
0x82: {  	_ =	sdelay $0x1  }
0x83: {  	v9 =	vadd.s32 s28, v15  }
0x84: {  	s25 =	simm.s32 $0x7;
	v3 =	vor.u32 v17, v14;
	v2 =	vmov s26;
	v5 =	vmov s0;
	p1 =	por $0x1, $0x1  }
.Ltmp6:
0x85: {  	v7 =	vmov s24;
	v4 =	vld.idx.msk [tilespmem:v13+s14+$0x0], $0xffff;
	v11 =	vadd.s32 s25, v15;
	v6 =	vshll.u32 v2, $0x4;
	(pc) =	sbr.rel @!p1 .LBB2_10-.Ltmp6, $4  }
0x86: {  	s0 =	simm.s32 $0x6;
	v8 =	vshll.u32 v5, $0x4;
	v10 =	vshll.u32 v7, $0x4;
	v7 =	vld.idx.msk [tilespmem:v12+s14+$0x0], $0xffff;
	v6 =	vor.u32 v17, v6  }
0x87: {  	s24 =	simm.s32 $0x5;
	v2 =	vld.idx.msk [tilespmem:v0+s14+$0x0], $0xffff;
	v0 =	vadd.s32 s0, v15;
	v8 =	vor.u32 v17, v8  }
0x88: {  	v13 =	vmov s28;
	v5 =	vld.idx.msk [tilespmem:v1+s14+$0x0], $0xffff;
	v1 =	vadd.s32 s24, v15;
	v10 =	vor.u32 v17, v10  }
0x89: {  	s26 =	simm.s32 $0x8;
	p0 =	por $0x1, $0x1;
	v14 =	vshll.u32 v13, $0x4  }
.LBB2_11:
0x8a: {  	v12 =	vmov s25;
	s25 =	sadd.s32 $0x3, s26;
	[tilespmem:v3+s15+$0x0] =	vst.idx.msk $0xffff, v4;
	v4 =	vld.idx.msk [tilespmem:v9+s14+$0x0], $0xffff;
	v9 =	vadd.s32 s26, v15;
	v3 =	vor.u32 v17, v14;
	s28 =	smov.u32 s26;
	p1 =	slt.u32 s26, $0x2A8  }
.Ltmp7:
0x8b: {  	v13 =	vmov s0;
	v12 =	vshll.u32 v12, $0x4;
	[tilespmem:v6+s15+$0x0] =	vst.idx.msk $0xffff, v7;
	v7 =	vld.idx.msk [tilespmem:v11+s14+$0x0], $0xffff;
	v11 =	vadd.s32 s25, v15;
	(pc) =	sbr.rel @p1 .LBB2_11-.Ltmp7, $4  }
0x8c: {  	s0 =	sadd.s32 $0x2, s26;
	v14 =	vmov s24;
	v13 =	vshll.u32 v13, $0x4;
	v6 =	vor.u32 v17, v12;
	[tilespmem:v8+s15+$0x0] =	vst.idx.msk $0xffff, v2;
	v2 =	vld.idx.msk [tilespmem:v0+s14+$0x0], $0xffff  }
0x8d: {  	s26 =	sadd.s32 $0x4, s26;
	s24 =	sadd.s32 $0x1, s28;
	v0 =	vadd.s32 s0, v15;
	v12 =	vshll.u32 v14, $0x4;
	v8 =	vor.u32 v17, v13;
	[tilespmem:v10+s15+$0x0] =	vst.idx.msk $0xffff, v5;
	v5 =	vld.idx.msk [tilespmem:v1+s14+$0x0], $0xffff  }
0x8e: {  	v13 =	vmov s28;
	v1 =	vadd.s32 s24, v15;
	v10 =	vor.u32 v17, v12  }
0x8f: {  	v14 =	vshll.u32 v13, $0x4  }
0x90: {  	v13 =	vmov v9;
	s26 =	smov.u32 s25;
	v12 =	vmov v11  }
.LBB2_13:
0x91: {  	_ =	sdelay $0x2  }
0x92: {  	v9 =	vmov s26  }
0x93: {  	v11 =	vld.idx.msk [tilespmem:v13+s14+$0x0], $0xffff;
	v13 =	vor.u32 v17, v14;
	v14 =	vmov s0;
	v9 =	vshll.u32 v9, $0x4  }
0x94: {  	[tilespmem:v3+s15+$0x0] =	vst.idx.msk @p0 $0xffff, v4;
	v59 =	vld.idx.msk [tilespmem:v12+s14+$0x0], $0xffff;
	v60 =	vmov s24;
	v12 =	vshll.u32 v14, $0x4;
	v9 =	vor.u32 v17, v9  }
0x95: {  	[tilespmem:v6+s15+$0x0] =	vst.idx.msk @p0 $0xffff, v7;
	v0 =	vld.idx.msk [tilespmem:v0+s14+$0x0], $0xffff;
	v4 =	vshll.u32 v60, $0x4;
	v61 =	vor.u32 v17, v12  }
0x96: {  	[tilespmem:v8+s15+$0x0] =	vst.idx.msk @p0 $0xffff, v2;
	v1 =	vld.idx.msk [tilespmem:v1+s14+$0x0], $0xffff;
	v62 =	vor.u32 v17, v4  }
0x97: {  	[tilespmem:v10+s15+$0x0] =	vst.idx.msk @p0 $0xffff, v5  }
0x98: {  	[tilespmem:v13+s15+$0x0] =	vst.idx.msk $0xffff, v11  }
0x99: {  	[tilespmem:v9+s15+$0x0] =	vst.idx.msk $0xffff, v59  }
0x9a: {  	[tilespmem:v61+s15+$0x0] =	vst.idx.msk $0xffff, v0  }
0x9b: {  	s0 =	simm.s32 $0x2AC;
	[tilespmem:v62+s15+$0x0] =	vst.idx.msk $0xffff, v1  }
.LBB2_14:
0x9c: {  	v0 =	vadd.s32 s0, v15;
	_ =	sdelay $0x2  }
0x9d: {  	v1 =	vmov s0  }
0x9e: {  	v1 =	vshll.u32 v1, $0x4  }
0x9f: {  	p0 =	sne.s32 s0, $0x2AE;
	v1 =	vor.u32 v17, v1;
	v0 =	vld.idx.msk [tilespmem:v0+s14+$0x0], $0xffff  }
.Ltmp8:
0xa0: {  	_ = 	snop;
	(pc) =	sbr.rel @p0 .LBB2_14-.Ltmp8, $2  }
0xa1: {  	_ =	sdelay $0x2  }
0xa2: {  	s0 =	sadd.s32 $0x1, s0;
	[tilespmem:v1+s15+$0x0] =	vst.idx.msk $0xffff, v0  }
0xa3: {  	s0 =	smul.u32 $0x55E, s23;
	_ =	sdelay $0x1  }
.Ltmp9:
0xa4: {  	s0 =	sadd.s32 s2, s0;
	(pc) =	sbr.rel .LBB2_16-.Ltmp9, $4  }
0xa5: {  	[hbm4b:s0+s3] =	stream.linear.scatter [tilespmem:s15], [sflag:s16], $0x2AF0, $0x38;
	[tilespmem:$0x10CF0] =	vst v63  }
0xa6: {  	_ =	swait.ge [sflag:s16], $0x2AF0  }
0xa7: {  	[sflag:s16] =	ssyncset.done $0x0  }
0xa8: {  	[sflag:s16] =	ssyncadd.s32 $0xFFFFD510  }
.LBB2_8:
.Ltmp10:
0xa9: {  	(pc) =	sbr.rel .LBB2_13-.Ltmp10, $2  }
0xaa: {  	_ =	sdelay $0x2  }
0xab: {  	_ = 	snop  }
.LBB2_10:
.Ltmp11:
0xac: {  	(pc) =	sbr.rel .LBB2_13-.Ltmp11, $2  }
0xad: {  	_ =	sdelay $0x2  }
0xae: {  	v13 =	vmov v9;
	s26 =	simm.s32 $0x7;
	v12 =	vmov v11  }
.LBB2_17:
0xaf: {  	s22 =	simm.s32 $0x0;
	s23 =	simm.s32 $0x4B50  }
.LBB2_18:
0xb0: {  	s24 =	smul.u32 $0x7D0, s22;
	_ =	sdelay $0x1  }
0xb1: {  	s0 =	sshrl.u32 s24, $0x3  }
0xb2: {  	s0 =	sadd.s32 s6, s0  }
0xb3: {  	[tilespmem:s3], [sflag:$0x2] =	stream.linear.gather [hbm4b:s0+s3], $0x7D0, $0x38;
	[tilespmem:$0x10CF0] =	vst v63  }
0xb4: {  	_ =	swait.ge [sflag:s17], $0x7D0  }
0xb5: {  	[sflag:s17] =	ssyncset.done $0x0  }
0xb6: {  	s28 =	simm.s32 $0x20;
	[sflag:s17] =	ssyncadd.s32 $0xFFFFF830  }
0xb7: {  	v0 =	vld [tilespmem:s28+$0x10]  }
0xb8: {  	v1 =	vld [tilespmem:s28+$0xFFFFFFF0]  }
0xb9: {  	v2 =	vld [tilespmem:s28+$0x0]  }
0xba: {  	v3 =	vld [tilespmem:s28+$0xFFFFFFE0];
	_ =	sdelay $0x1  }
0xbb: {  	v0 =	vsub.f32 $0.0e+00, v0  }
0xbc: {  	s29 =	simm.s32 $0x60;
	v1 =	vsub.f32 $0.0e+00, v1  }
0xbd: {  	v5 =	vld [tilespmem:s29+$0xFFFFFFF0];
	v2 =	vsub.f32 $0.0e+00, v2;
	v0 =	vmul.f32 $1.442695020e+00, v0  }
0xbe: {  	v4 =	vld [tilespmem:s29+$0x10];
	v3 =	vsub.f32 $0.0e+00, v3;
	v1 =	vmul.f32 $1.442695020e+00, v1  }
0xbf: {  	v2 =	vmul.f32 $1.442695020e+00, v2;
	(erf) = vpow2.f32 v0  }
0xc0: {  	v3 =	vmul.f32 $1.442695020e+00, v3;
	v0 =	vld [tilespmem:s29+$0x0];
	(erf) = vpow2.f32 v1  }
0xc1: {  	v1 =	vld [tilespmem:s29+$0xFFFFFFE0];
	(erf) = vpow2.f32 v2  }
0xc2: {  	(erf) = vpow2.f32 v3;
	v3 =	vsub.f32 $0.0e+00, v5  }
0xc3: {  	v2 =	vsub.f32 $0.0e+00, v4  }
0xc4: {  	v3 =	vmul.f32 $1.442695020e+00, v3  }
0xc5: {  	s30 =	simm.s32 $0xA0;
	v2 =	vmul.f32 $1.442695020e+00, v2;
	v0 =	vsub.f32 $0.0e+00, v0  }
0xc6: {  	v4 =	vld [tilespmem:s30+$0x10];
	v1 =	vsub.f32 $0.0e+00, v1  }
0xc7: {  	v5 =	vld [tilespmem:s30+$0xFFFFFFF0];
	(erf) = vpow2.f32 v2;
	v0 =	vmul.f32 $1.442695020e+00, v0  }
0xc8: {  	v2 =	vld [tilespmem:s30+$0x0];
	(erf) = vpow2.f32 v3;
	v1 =	vmul.f32 $1.442695020e+00, v1;
	v3 =	vpop (erf)  }
0xc9: {  	v6 =	vld [tilespmem:s30+$0xFFFFFFE0];
	(erf) = vpow2.f32 v0;
	v0 =	vadd.f32 $1.000000000e+00, v3;
	v3 =	vpop (erf)  }
0xca: {  	(erf) = vpow2.f32 v1;
	v1 =	vadd.f32 $1.000000000e+00, v3;
	v3 =	vpop (erf)  }
0xcb: {  	v4 =	vsub.f32 $0.0e+00, v4;
	v3 =	vadd.f32 $1.000000000e+00, v3;
	v7 =	vpop (erf)  }
0xcc: {  	(erf) = vrcp.f32 v0;
	v0 =	vsub.f32 $0.0e+00, v5;
	v5 =	vadd.f32 $1.000000000e+00, v7  }
0xcd: {  	(erf) = vrcp.f32 v1;
	v1 =	vsub.f32 $0.0e+00, v2;
	v2 =	vmul.f32 $1.442695020e+00, v4  }
0xce: {  	v4 =	vsub.f32 $0.0e+00, v6;
	(erf) = vrcp.f32 v3;
	v0 =	vmul.f32 $1.442695020e+00, v0  }
0xcf: {  	s31 =	simm.s32 $0xE0;
	(erf) = vrcp.f32 v5;
	v1 =	vmul.f32 $1.442695020e+00, v1  }
0xd0: {  	v3 =	vld [tilespmem:s31+$0x10];
	(erf) = vpow2.f32 v2;
	v2 =	vmul.f32 $1.442695020e+00, v4;
	_ =	sdelay $0x1  }
0xd1: {  	(erf) = vpow2.f32 v0;
	v0 =	vpop (erf)  }
0xd2: {  	(erf) = vpow2.f32 v1;
	v0 =	vadd.f32 $1.000000000e+00, v0;
	v1 =	vpop (erf)  }
0xd3: {  	v5 =	vld [tilespmem:s31+$0xFFFFFFF0];
	(erf) = vpow2.f32 v2;
	v1 =	vadd.f32 $1.000000000e+00, v1;
	v2 =	vpop (erf)  }
0xd4: {  	v6 =	vld [tilespmem:s31+$0x0];
	v7 =	vsub.f32 $0.0e+00, v3;
	v3 =	vpop (erf);
	(erf) = vrcp.f32 v0  }
0xd5: {  	(erf) = vrcp.f32 v1;
	v1 =	vld [tilespmem:s31+$0xFFFFFFE0]  }
0xd6: {  	v8 =	vadd.f32 $1.000000000e+00, v2;
	_ =	sdelay $0x1  }
0xd7: {  	v2 =	vsub.f32 $0.0e+00, v5;
	v3 =	vadd.f32 $1.000000000e+00, v3;
	v0 =	vpop (erf);
	(erf) = vrcp.f32 v8  }
0xd8: {  	s25 =	simm.s32 $0xC;
	s26 =	simm.s32 $0x120;
	s0 =	smov.u32 s23;
	v4 =	vsub.f32 $0.0e+00, v6;
	v5 =	vmul.f32 $1.442695020e+00, v7;
	[tilespmem:s23+$0x10] =	vst v0;
	v0 =	vpop (erf)  }
.LBB2_19:
0xd9: {  	v6 =	vld [tilespmem:s26+$0x10];
	s25 =	sadd.s32 $0x4, s25;
	v1 =	vsub.f32 $0.0e+00, v1;
	v8 =	vmul.f32 $1.442695020e+00, v2;
	(erf) = vrcp.f32 v3;
	[tilespmem:s0+$0xFFFFFFF0] =	vst v0;
	v0 =	vpop (erf)  }
0xda: {  	v3 =	vld [tilespmem:s26+$0xFFFFFFF0];
	p0 =	slt.u32 s25, $0x78;
	v4 =	vmul.f32 $1.442695020e+00, v4;
	(erf) = vpow2.f32 v5;
	[tilespmem:s0+$0x0] =	vst v0;
	v0 =	vpop (erf)  }
0xdb: {  	v5 =	vld [tilespmem:s26+$0x0];
	v7 =	vmul.f32 $1.442695020e+00, v1;
	(erf) = vpow2.f32 v8;
	v2 =	vpop (erf);
	[tilespmem:s0+$0xFFFFFFE0] =	vst v0  }
.Ltmp12:
0xdc: {  	v1 =	vld [tilespmem:s26+$0xFFFFFFE0];
	(erf) = vpow2.f32 v4;
	v9 =	vadd.f32 $1.000000000e+00, v2;
	v2 =	vpop (erf);
	(pc) =	sbr.rel @p0 .LBB2_19-.Ltmp12, $4  }
0xdd: {  	(erf) = vpow2.f32 v7;
	v4 =	vadd.f32 $1.000000000e+00, v2;
	v2 =	vpop (erf)  }
0xde: {  	v6 =	vsub.f32 $0.0e+00, v6;
	v7 =	vadd.f32 $1.000000000e+00, v2;
	v8 =	vpop (erf);
	(erf) = vrcp.f32 v9  }
0xdf: {  	s0 =	sadd.s32 $0x40, s0;
	v2 =	vsub.f32 $0.0e+00, v3;
	v3 =	vadd.f32 $1.000000000e+00, v8;
	(erf) = vrcp.f32 v4;
	v0 =	vpop (erf)  }
0xe0: {  	s26 =	sadd.s32 $0x40, s26;
	v4 =	vsub.f32 $0.0e+00, v5;
	v5 =	vmul.f32 $1.442695020e+00, v6;
	(erf) = vrcp.f32 v7;
	[tilespmem:s0+$0x10] =	vst v0;
	v0 =	vpop (erf)  }
0xe1: {  	v1 =	vsub.f32 $0.0e+00, v1;
	v2 =	vmul.f32 $1.442695020e+00, v2;
	(erf) = vrcp.f32 v3;
	v41 =	vpop (erf)  }
0xe2: {  	v4 =	vmul.f32 $1.442695020e+00, v4;
	(erf) = vpow2.f32 v5;
	v42 =	vpop (erf)  }
0xe3: {  	v1 =	vmul.f32 $1.442695020e+00, v1;
	(erf) = vpow2.f32 v2;
	v43 =	vpop (erf)  }
0xe4: {  	(erf) = vpow2.f32 v4;
	v44 =	vpop (erf)  }
0xe5: {  	(erf) = vpow2.f32 v1;
	v45 =	vpop (erf)  }
0xe6: {  	v6 =	vpop (erf)  }
0xe7: {  	v7 =	vpop (erf)  }
0xe8: {  	v2 =	vadd.f32 $1.000000000e+00, v43;
	v8 =	vpop (erf)  }
0xe9: {  	v4 =	vadd.f32 $1.000000000e+00, v44;
	v9 =	vpop (erf)  }
0xea: {  	v1 =	vadd.f32 $1.000000000e+00, v45;
	(erf) = vrcp.f32 v2;
	v46 =	vpop (erf)  }
0xeb: {  	v6 =	vadd.f32 $1.000000000e+00, v6;
	(erf) = vrcp.f32 v4;
	v47 =	vpop (erf)  }
0xec: {  	(erf) = vrcp.f32 v1;
	v48 =	vadd.f32 $1.000000000e+00, v47;
	v49 =	vpop (erf)  }
0xed: {  	[tilespmem:s0+$0xFFFFFFF0] =	vst v0;
	(erf) = vrcp.f32 v6;
	v50 =	vadd.f32 $1.000000000e+00, v49;
	v51 =	vpop (erf)  }
0xee: {  	[tilespmem:s0+$0x0] =	vst v41;
	v52 =	vadd.f32 $1.000000000e+00, v51;
	(erf) = vrcp.f32 v48;
	v53 =	vpop (erf)  }
0xef: {  	s31 =	sadd.s32 $0x40, s0;
	[tilespmem:s0+$0xFFFFFFE0] =	vst v42;
	(erf) = vrcp.f32 v50;
	v54 =	vadd.f32 $1.000000000e+00, v53  }
0xf0: {  	[tilespmem:s31+$0x10] =	vst v7;
	(erf) = vrcp.f32 v52  }
0xf1: {  	[tilespmem:s31+$0xFFFFFFF0] =	vst v8;
	(erf) = vrcp.f32 v54  }
0xf2: {  	[tilespmem:s31+$0x0] =	vst v9  }
0xf3: {  	s0 =	sadd.s32 $0x40, s31;
	[tilespmem:s31+$0xFFFFFFE0] =	vst v46;
	v55 =	vpop (erf)  }
0xf4: {  	[tilespmem:s0+$0x10] =	vst v55;
	v56 =	vpop (erf)  }
0xf5: {  	[tilespmem:s0+$0xFFFFFFF0] =	vst v56;
	v57 =	vpop (erf)  }
0xf6: {  	[tilespmem:s0+$0x0] =	vst v57;
	v58 =	vpop (erf)  }
0xf7: {  	[tilespmem:s0+$0xFFFFFFE0] =	vst v58;
	s0 =	sadd.s32 $0x40, s0;
	v59 =	vpop (erf)  }
0xf8: {  	[tilespmem:s0+$0x10] =	vst v59;
	v60 =	vpop (erf)  }
0xf9: {  	[tilespmem:s0+$0xFFFFFFF0] =	vst v60;
	v61 =	vpop (erf)  }
0xfa: {  	[tilespmem:s0+$0x0] =	vst v61;
	v62 =	vpop (erf)  }
0xfb: {  	[tilespmem:s0+$0xFFFFFFE0] =	vst v62  }
0xfc: {  	v0 =	vld [tilespmem:$0x7C0];
	_ =	sdelay $0x4  }
0xfd: {  	v0 =	vsub.f32 $0.0e+00, v0;
	_ =	sdelay $0x1  }
0xfe: {  	v0 =	vmul.f32 $1.442695020e+00, v0;
	_ =	sdelay $0x1  }
0xff: {  	(erf) = vpow2.f32 v0;
	_ =	sdelay $0x8  }
0x100: {  	v0 =	vpop (erf)  }
0x101: {  	v0 =	vadd.f32 $1.000000000e+00, v0;
	_ =	sdelay $0x1  }
0x102: {  	(erf) = vrcp.f32 v0;
	_ =	sdelay $0x3  }
0x103: {  	s22 =	sadd.s32 $0x1, s22  }
0x104: {  	p0 =	sne.s32 s22, $0xC  }
.Ltmp13:
0x105: {  	_ = 	snop;
	(pc) =	sbr.rel @p0 .LBB2_18-.Ltmp13, $3  }
0x106: {  	_ =	sdelay $0x1  }
0x107: {  	v0 =	vpop (erf)  }
0x108: {  	s23 =	sadd.s32 $0x7D0, s23;
	[tilespmem:s24+$0x52F0] =	vst v0  }
0x109: {  	[bflag:$0x0] =	sbarrier.arrive $0xFFFF;
	s22 =	simm.s32 $0x0  }
.LBB2_22:
0x10a: {  	s0 =	simm.s32 $0x0  }
0x10b: {  	v0 =	vmov s0  }
0x10c: {  	s23 =	sshll.u32 s22, $0xA;
	v1 =	vor.u32 s0, v17;
	v0 =	vshll.u32 v0, $0x1  }
0x10d: {  	s23 =	sadd.s32 s9, s23;
	v1 =	vand.u32 $0x6F, v1;
	v0 =	vand.u32 $0x700, v0  }
0x10e: {  	s4 =	rddreg [dreg:$0x0];
	s26 =	sshrl.u32 s23, $0x2;
	v0 =	vor.u32 v1, v0  }
0x10f: {  	s0 =	sadd.s32 s4, s26;
	v1 =	vand.u32 v18, v0;
	v0 =	vand.u32 $0x768, v0  }
0x110: {  	[tilespmem:s18], [sflag:$0x2] =	stream.linear.gather [hbm4b:s0+s3], $0x800, $0x38;
	v0 =	vor.u32 v63, v0;
	[tilespmem:$0x10CF0] =	vst v63  }
0x111: {  	_ =	swait.ge [sflag:s17], $0x800  }
0x112: {  	[sflag:s17] =	ssyncset.done $0x0  }
0x113: {  	s24 =	simm.s32 $0x20;
	[sflag:s17] =	ssyncadd.s32 $0xFFFFF800  }
0x114: {  	v4 =	vmov s24;
	v5 =	vor.u32 s24, v17;
	s4 =	simm.s32 $0x10;
	v1 =	vld.idx.msk [tilespmem:v1+s18+$0x0], $0xffff  }
0x115: {  	v4 =	vshll.u32 v4, $0x1;
	v5 =	vand.u32 $0x6F, v5;
	v2 =	vmov s4;
	v0 =	vld.idx.msk [tilespmem:v0+s18+$0x0], $0xffff  }
0x116: {  	v4 =	vand.u32 $0x700, v4;
	v3 =	vor.u32 s4, v17;
	v2 =	vshll.u32 v2, $0x1  }
0x117: {  	v4 =	vor.u32 v5, v4;
	v3 =	vand.u32 $0x7F, v3;
	v2 =	vand.u32 $0x700, v2  }
0x118: {  	v6 =	vand.u32 v18, v4;
	v2 =	vor.u32 v3, v2  }
0x119: {  	v4 =	vand.u32 $0x768, v4;
	v3 =	vand.u32 v19, v2;
	v1 =	vmax.f32 v1, $0.0e+00  }
0x11a: {  	v2 =	vand.u32 $0x778, v2;
	v1 =	vmin.f32 v1, $1.000000000e+00;
	v0 =	vmax.f32 v0, $0.0e+00  }
0x11b: {  	s25 =	simm.s32 $0x30;
	v2 =	vor.u32 v63, v2;
	v1 =	vmul.f32 $6.870000000e+02, v1;
	v0 =	vmin.f32 v0, $1.000000000e+00  }
0x11c: {  	v8 =	vmov s25;
	v4 =	vor.u32 v63, v4;
	v0 =	vmul.f32 $6.870000000e+02, v0  }
0x11d: {  	v10 =	vor.u32 s25, v17;
	v8 =	vshll.u32 v8, $0x1;
	v5 =	vtrunc.f32 v1  }
0x11e: {  	s24 =	simm.s32 $0x40;
	v10 =	vand.u32 $0x7F, v10;
	v5 =	vcvt.f32.s32 v5;
	v7 =	vtrunc.f32 v0  }
0x11f: {  	v13 =	vmov s24;
	v14 =	vor.u32 s24, v17;
	v6 =	vld.idx.msk [tilespmem:v6+s18+$0x0], $0xffff;
	v7 =	vcvt.f32.s32 v7  }
0x120: {  	v8 =	vand.u32 $0x700, v8;
	v13 =	vshll.u32 v13, $0x1;
	v2 =	vld.idx.msk [tilespmem:v2+s18+$0x0], $0xffff;
	vm0 =	vlt.s32 v5, $0x2AE  }
0x121: {  	v14 =	vand.u32 $0x6F, v14;
	v4 =	vld.idx.msk [tilespmem:v4+s18+$0x0], $0xffff;
	v5 =	vnsel vm0, $0x2AE, v5;
	vm0 =	vlt.s32 v7, $0x2AE  }
0x122: {  	s26 =	simm.s32 $0x50;
	v7 =	vnsel vm0, $0x2AE, v7;
	v9 =	vmul.u32 $0x2AF, v5;
	v5 =	vcvt.s32.f32 v5  }
0x123: {  	v12 =	vmov s26;
	v13 =	vand.u32 $0x700, v13;
	v11 =	vcvt.s32.f32 v7  }
0x124: {  	v13 =	vor.u32 v14, v13;
	v12 =	vshll.u32 v12, $0x1;
	v1 =	vsub.f32 v1, v5  }
0x125: {  	v3 =	vld.idx.msk [tilespmem:v3+s18+$0x0], $0xffff;
	v5 =	vor.u32 v10, v8;
	v8 =	vsub.f32 v0, v11;
	v0 =	vmax.f32 v2, $0.0e+00  }
0x126: {  	v6 =	vmax.f32 v6, $0.0e+00;
	v4 =	vmax.f32 v4, $0.0e+00;
	v0 =	vmin.f32 v0, $1.000000000e+00  }
0x127: {  	v7 =	vadd.s32 v7, v9;
	v9 =	vmul.f32 $6.870000000e+02, v0;
	v0 =	vmin.f32 v6, $1.000000000e+00  }
0x128: {  	v2 =	vand.u32 v19, v5;
	v5 =	vand.u32 $0x778, v5;
	v0 =	vmul.f32 $6.870000000e+02, v0  }
0x129: {  	v16 =	vand.u32 v18, v13;
	v4 =	vmin.f32 v4, $1.000000000e+00;
	v5 =	vor.u32 v63, v5  }
0x12a: {  	v3 =	vmax.f32 v3, $0.0e+00;
	v4 =	vmul.f32 $6.870000000e+02, v4;
	v11 =	vtrunc.f32 v0  }
0x12b: {  	v13 =	vand.u32 $0x768, v13;
	v3 =	vmin.f32 v3, $1.000000000e+00;
	v11 =	vcvt.f32.s32 v11  }
0x12c: {  	v12 =	vand.u32 $0x700, v12;
	v3 =	vmul.f32 $6.870000000e+02, v3;
	v15 =	vtrunc.f32 v4  }
0x12d: {  	v59 =	vor.u32 v63, v13;
	v15 =	vcvt.f32.s32 v15;
	v2 =	vld.idx.msk [tilespmem:v2+s18+$0x0], $0xffff;
	vm0 =	vlt.s32 v11, $0x2AE  }
0x12e: {  	v6 =	vtrunc.f32 v3;
	v10 =	vtrunc.f32 v9;
	v5 =	vld.idx.msk [tilespmem:v5+s18+$0x0], $0xffff;
	v11 =	vnsel vm0, $0x2AE, v11  }
0x12f: {  	v10 =	vcvt.f32.s32 v10;
	vm0 =	vlt.s32 v15, $0x2AE;
	v58 =	vcvt.s32.f32 v11  }
0x130: {  	v6 =	vcvt.f32.s32 v6;
	v15 =	vnsel vm0, $0x2AE, v15;
	v11 =	vmul.u32 $0x2AF, v11  }
0x131: {  	vm0 =	vlt.s32 v10, $0x2AE;
	v14 =	vsub.f32 v0, v58;
	v0 =	vor.u32 s26, v17  }
0x132: {  	s4 =	simm.s32 $0xB100;
	v2 =	vmax.f32 v2, $0.0e+00;
	v10 =	vnsel vm0, $0x2AE, v10;
	v0 =	vand.u32 $0x7F, v0  }
0x133: {  	s29 =	simm.s32 $0xB500;
	[tilespmem:s4+$0xFFFFFFF0] =	vst v7;
	vm0 =	vlt.s32 v6, $0x2AE;
	v5 =	vmax.f32 v5, $0.0e+00;
	v0 =	vor.u32 v0, v12  }
0x134: {  	s25 =	simm.s32 $0xB900;
	[tilespmem:s29+$0xFFFFFFF0] =	vst v1;
	v11 =	vadd.s32 v15, v11;
	v15 =	vcvt.s32.f32 v15;
	v60 =	vand.u32 v19, v0  }
0x135: {  	[tilespmem:s25+$0xFFFFFFF0] =	vst v8;
	v8 =	vld.idx.msk [tilespmem:v59+s18+$0x0], $0xffff;
	v7 =	vand.u32 $0x778, v0;
	v0 =	vmin.f32 v2, $1.000000000e+00;
	v2 =	vmin.f32 v5, $1.000000000e+00  }
0x136: {  	v4 =	vsub.f32 v4, v15;
	v5 =	vld.idx.msk [tilespmem:v16+s18+$0x0], $0xffff;
	v0 =	vmul.f32 $6.870000000e+02, v0;
	v1 =	vmul.f32 $6.870000000e+02, v2  }
0x137: {  	s26 =	simm.s32 $0xB120;
	v2 =	vnsel vm0, $0x2AE, v6;
	v7 =	vor.u32 v63, v7;
	v6 =	vcvt.s32.f32 v10  }
0x138: {  	s28 =	simm.s32 $0xB520;
	[tilespmem:s26+$0xFFFFFFF0] =	vst v11;
	v61 =	vcvt.s32.f32 v2;
	v11 =	vmul.u32 $0x2AF, v2;
	v15 =	vtrunc.f32 v1  }
0x139: {  	s24 =	simm.s32 $0xB920;
	[tilespmem:s28+$0xFFFFFFF0] =	vst v14;
	v2 =	vtrunc.f32 v0;
	v6 =	vsub.f32 v9, v6;
	v62 =	vcvt.f32.s32 v15  }
0x13a: {  	[tilespmem:s24+$0xFFFFFFF0] =	vst v4;
	v2 =	vcvt.f32.s32 v2;
	v9 =	vadd.s32 v10, v11;
	v10 =	vsub.f32 v3, v61  }
0x13b: {  	s31 =	simm.s32 $0x4;
	v8 =	vmax.f32 v8, $0.0e+00;
	v4 =	vld.idx.msk [tilespmem:v60+s18+$0x0], $0xffff;
	v3 =	vmax.f32 v5, $0.0e+00;
	[tilespmem:s4+$0x0] =	vst v9;
	vm1 =	vlt.s32 v62, $0x2AE  }
0x13c: {  	s30 =	simm.s32 $0xB120;
	s0 =	simm.s32 $0x70;
	vm0 =	vlt.s32 v2, $0x2AE;
	v5 =	vld.idx.msk [tilespmem:v7+s18+$0x0], $0xffff;
	v7 =	vmin.f32 v3, $1.000000000e+00;
	[tilespmem:s29+$0x0] =	vst v10;
	s29 =	simm.s32 $0xB520;
	v3 =	vnsel vm1, $0x2AE, v62  }
.LBB2_23:
0x13d: {  	s4 =	sadd.s32 $0xFFFFFFF0, s0;
	v9 =	vmov s0;
	v7 =	vmul.f32 $6.870000000e+02, v7;
	v8 =	vmin.f32 v8, $1.000000000e+00;
	[tilespmem:s25+$0x0] =	vst v6;
	s25 =	smov.u32 s24  }
0x13e: {  	v6 =	vmov s4;
	v10 =	vor.u32 s4, v17;
	v8 =	vmul.f32 $6.870000000e+02, v8  }
0x13f: {  	s31 =	sadd.s32 $0x2, s31;
	v6 =	vshll.u32 v6, $0x1;
	v10 =	vand.u32 $0x6F, v10;
	v11 =	vtrunc.f32 v7  }
0x140: {  	p0 =	slt.u32 s31, $0x3E;
	v6 =	vand.u32 $0x700, v6;
	v11 =	vcvt.f32.s32 v11;
	v12 =	vtrunc.f32 v8  }
0x141: {  	v9 =	vshll.u32 v9, $0x1;
	v6 =	vor.u32 v10, v6;
	v10 =	vcvt.f32.s32 v12  }
0x142: {  	v13 =	vor.u32 s0, v17;
	v12 =	vand.u32 v18, v6;
	vm1 =	vlt.s32 v11, $0x2AE  }
0x143: {  	v6 =	vand.u32 $0x768, v6;
	v11 =	vnsel vm1, $0x2AE, v11;
	vm1 =	vlt.s32 v10, $0x2AE  }
0x144: {  	v10 =	vnsel vm1, $0x2AE, v10;
	v14 =	vmul.u32 $0x2AF, v11;
	v11 =	vcvt.s32.f32 v11  }
0x145: {  	v9 =	vand.u32 $0x700, v9;
	v6 =	vor.u32 v63, v6;
	v15 =	vcvt.s32.f32 v10  }
0x146: {  	s26 =	sadd.s32 $0x20, s26;
	v13 =	vand.u32 $0x7F, v13;
	v10 =	vadd.s32 v10, v14;
	v7 =	vsub.f32 v7, v11  }
0x147: {  	s28 =	sadd.s32 $0x20, s28;
	v5 =	vmax.f32 v5, $0.0e+00;
	v9 =	vor.u32 v13, v9;
	[tilespmem:s26+$0xFFFFFFF0] =	vst v10;
	v8 =	vsub.f32 v8, v15  }
0x148: {  	s24 =	sadd.s32 $0x20, s24;
	v4 =	vmax.f32 v4, $0.0e+00;
	v10 =	vand.u32 v19, v9;
	v9 =	vand.u32 $0x778, v9;
	[tilespmem:s28+$0xFFFFFFF0] =	vst v7  }
0x149: {  	v4 =	vmin.f32 v4, $1.000000000e+00;
	v5 =	vmin.f32 v5, $1.000000000e+00;
	v9 =	vor.u32 v63, v9;
	v7 =	vld.idx.msk [tilespmem:v12+s18+$0x0], $0xffff;
	[tilespmem:s24+$0xFFFFFFF0] =	vst v8  }
0x14a: {  	v2 =	vnsel vm0, $0x2AE, v2;
	v5 =	vmul.f32 $6.870000000e+02, v5;
	v11 =	vmul.f32 $6.870000000e+02, v4;
	v8 =	vld.idx.msk [tilespmem:v6+s18+$0x0], $0xffff  }
0x14b: {  	v13 =	vcvt.s32.f32 v2;
	v12 =	vmul.u32 $0x2AF, v2;
	v6 =	vcvt.s32.f32 v3  }
.Ltmp14:
0x14c: {  	v14 =	vtrunc.f32 v5;
	v2 =	vtrunc.f32 v11;
	(pc) =	sbr.rel @p0 .LBB2_23-.Ltmp14, $4  }
0x14d: {  	v2 =	vcvt.f32.s32 v2;
	v6 =	vsub.f32 v1, v6;
	v1 =	vmovc v5;
	v4 =	vld.idx.msk [tilespmem:v10+s18+$0x0], $0xffff;
	v10 =	vcvt.f32.s32 v14  }
0x14e: {  	v3 =	vadd.s32 v3, v12;
	v5 =	vld.idx.msk [tilespmem:v9+s18+$0x0], $0xffff;
	v9 =	vsub.f32 v0, v13;
	v0 =	vmov v11  }
0x14f: {  	vm0 =	vlt.s32 v2, $0x2AE;
	v7 =	vmax.f32 v7, $0.0e+00;
	vm1 =	vlt.s32 v10, $0x2AE;
	[tilespmem:s30+$0x0] =	vst v3;
	s30 =	smov.u32 s26  }
0x150: {  	s0 =	sadd.s32 $0x20, s0;
	v7 =	vmin.f32 v7, $1.000000000e+00;
	v8 =	vmax.f32 v8, $0.0e+00;
	v3 =	vnsel vm1, $0x2AE, v10;
	[tilespmem:s29+$0x0] =	vst v9;
	s29 =	smov.u32 s28  }
0x151: {  	v7 =	vmul.f32 $6.870000000e+02, v7  }
0x152: {  	v8 =	vmin.f32 v8, $1.000000000e+00;
	v2 =	vnsel vm0, $0x2AE, v2  }
0x153: {  	v8 =	vmul.f32 $6.870000000e+02, v8;
	v4 =	vmax.f32 v4, $0.0e+00;
	v9 =	vtrunc.f32 v7  }
0x154: {  	v13 =	vmul.u32 $0x2AF, v2;
	v2 =	vcvt.s32.f32 v2;
	v9 =	vcvt.f32.s32 v9  }
0x155: {  	v5 =	vmax.f32 v5, $0.0e+00;
	v4 =	vmin.f32 v4, $1.000000000e+00;
	v10 =	vtrunc.f32 v8  }
0x156: {  	v5 =	vmin.f32 v5, $1.000000000e+00;
	v10 =	vcvt.f32.s32 v10;
	vm1 =	vlt.s32 v9, $0x2AE  }
0x157: {  	v4 =	vmul.f32 $6.870000000e+02, v4;
	v5 =	vmul.f32 $6.870000000e+02, v5;
	v9 =	vnsel vm1, $0x2AE, v9  }
0x158: {  	v13 =	vadd.s32 v3, v13;
	vm7 =	vlt.s32 v10, $0x2AE;
	v11 =	vmul.u32 $0x2AF, v9  }
0x159: {  	[tilespmem:s25+$0x0] =	vst v6;
	v3 =	vcvt.s32.f32 v3;
	v6 =	vtrunc.f32 v5;
	v10 =	vnsel vm7, $0x2AE, v10  }
0x15a: {  	v12 =	vcvt.s32.f32 v10;
	v10 =	vadd.s32 v10, v11;
	v11 =	vtrunc.f32 v4  }
0x15b: {  	v0 =	vsub.f32 v0, v2;
	v9 =	vcvt.s32.f32 v9;
	v11 =	vcvt.f32.s32 v11  }
0x15c: {  	[tilespmem:s30+$0x0] =	vst v13;
	v1 =	vsub.f32 v1, v3;
	v6 =	vcvt.f32.s32 v6  }
0x15d: {  	[tilespmem:s29+$0x0] =	vst v0;
	v7 =	vsub.f32 v7, v9;
	vm8 =	vlt.s32 v11, $0x2AE  }
0x15e: {  	s0 =	sadd.s32 $0x20, s26;
	[tilespmem:s24+$0x0] =	vst v1;
	vm9 =	vlt.s32 v6, $0x2AE;
	v8 =	vsub.f32 v8, v12;
	v2 =	vnsel vm8, $0x2AE, v11  }
0x15f: {  	s4 =	sadd.s32 $0x20, s28;
	[tilespmem:s0+$0xFFFFFFF0] =	vst v10;
	v0 =	vnsel vm9, $0x2AE, v6;
	v3 =	vmul.u32 $0x2AF, v2;
	v2 =	vcvt.s32.f32 v2  }
0x160: {  	s31 =	sadd.s32 $0x20, s24;
	[tilespmem:s4+$0xFFFFFFF0] =	vst v7;
	v6 =	vcvt.s32.f32 v0  }
0x161: {  	[tilespmem:s31+$0xFFFFFFF0] =	vst v8;
	v0 =	vadd.s32 v0, v3;
	v1 =	vsub.f32 v4, v2  }
0x162: {  	v2 =	vsub.f32 v5, v6;
	[tilespmem:s0+$0x0] =	vst v0  }
0x163: {  	[tilespmem:s4+$0x0] =	vst v1  }
0x164: {  	s4 =	simm.s32 $0xB0F0;
	[tilespmem:s31+$0x0] =	vst v2  }
0x165: {  	[tilespmem:s21], [sflag:$0x1] =	stream.indirect.gather [hbm4b:s2+s19], $0x10, s4, s19, $0xb8;
	[tilespmem:$0x10CF0] =	vst v63  }
0x166: {  	s25 =	simm.s32 $0xC4F0;
	s24 =	simm.s32 $0xB170  }
0x167: {  	[tilespmem:s25], [sflag:$0x1] =	stream.indirect.gather [hbm4b:s2+s19], $0x10, s24, s19, $0xb8;
	[tilespmem:$0x10CF0] =	vst v63  }
0x168: {  	s26 =	simm.s32 $0xB1F0;
	s29 =	simm.s32 $0xCCF0  }
0x169: {  	[tilespmem:s29], [sflag:$0x1] =	stream.indirect.gather [hbm4b:s2+s19], $0x10, s26, s19, $0xb8;
	[tilespmem:$0x10CF0] =	vst v63  }
0x16a: {  	s30 =	simm.s32 $0xB270;
	s31 =	simm.s32 $0xD4F0  }
0x16b: {  	[tilespmem:s31], [sflag:$0x1] =	stream.indirect.gather [hbm4b:s2+s19], $0x10, s30, s19, $0xb8;
	[tilespmem:$0x10CF0] =	vst v63  }
0x16c: {  	s24 =	simm.s32 $0xB2F0;
	s25 =	simm.s32 $0xDCF0  }
0x16d: {  	[tilespmem:s25], [sflag:$0x1] =	stream.indirect.gather [hbm4b:s2+s19], $0x10, s24, s19, $0xb8;
	[tilespmem:$0x10CF0] =	vst v63  }
0x16e: {  	s26 =	simm.s32 $0xB370;
	s29 =	simm.s32 $0xE4F0  }
0x16f: {  	[tilespmem:s29], [sflag:$0x1] =	stream.indirect.gather [hbm4b:s2+s19], $0x10, s26, s19, $0xb8;
	[tilespmem:$0x10CF0] =	vst v63  }
0x170: {  	s30 =	simm.s32 $0xB3F0  }
0x171: {  	[tilespmem:s10], [sflag:$0x1] =	stream.indirect.gather [hbm4b:s2+s19], $0x10, s30, s19, $0xb8;
	[tilespmem:$0x10CF0] =	vst v63  }
0x172: {  	_ = 	snop  }
0x173: {  	[tilespmem:s13], [sflag:$0x1] =	stream.indirect.gather [hbm4b:s2+s19], $0x10, s12, s19, $0xb8;
	[tilespmem:$0x10CF0] =	vst v63  }
0x174: {  	_ =	swait.ge [sflag:s1], $0x800  }
0x175: {  	[sflag:s1] =	ssyncset.done $0x0  }
0x176: {  	[sflag:s1] =	ssyncadd.s32 $0xFFFFF800  }
0x177: {  	_ =	swait.ge [sflag:s1], $0x800  }
0x178: {  	[sflag:s1] =	ssyncset.done $0x0  }
0x179: {  	[sflag:s1] =	ssyncadd.s32 $0xFFFFF800  }
0x17a: {  	_ =	swait.ge [sflag:s1], $0x800  }
0x17b: {  	[sflag:s1] =	ssyncset.done $0x0  }
0x17c: {  	[sflag:s1] =	ssyncadd.s32 $0xFFFFF800  }
0x17d: {  	_ =	swait.ge [sflag:s1], $0x800  }
0x17e: {  	[sflag:s1] =	ssyncset.done $0x0  }
0x17f: {  	[sflag:s1] =	ssyncadd.s32 $0xFFFFF800  }
0x180: {  	_ =	swait.ge [sflag:s1], $0x800  }
0x181: {  	[sflag:s1] =	ssyncset.done $0x0  }
0x182: {  	[sflag:s1] =	ssyncadd.s32 $0xFFFFF800  }
0x183: {  	_ =	swait.ge [sflag:s1], $0x800  }
0x184: {  	[sflag:s1] =	ssyncset.done $0x0  }
0x185: {  	[sflag:s1] =	ssyncadd.s32 $0xFFFFF800  }
0x186: {  	_ =	swait.ge [sflag:s1], $0x800  }
0x187: {  	s31 =	simm.s32 $0x0;
	[sflag:s1] =	ssyncset.done $0x0  }
0x188: {  	v1 =	vor.u32 s31, v17;
	[sflag:s1] =	ssyncadd.s32 $0xFFFFF800  }
0x189: {  	v0 =	vshll.u32 v1, $0x4;
	_ =	swait.ge [sflag:s1], $0x800  }
0x18a: {  	v2 =	vor.u32 $0x2, v0;
	[sflag:s1] =	ssyncset.done $0x0  }
0x18b: {  	v3 =	vor.u32 $0x6, v0;
	s26 =	simm.s32 $0xB500;
	[sflag:s1] =	ssyncadd.s32 $0xFFFFF800  }
0x18c: {  	v5 =	vor.u32 $0x3, v0;
	s29 =	simm.s32 $0xB900;
	v4 =	vld [tilespmem:s26+$0xFFFFFFF0]  }
0x18d: {  	v7 =	vor.u32 $0x1, v0;
	v6 =	vld [tilespmem:s29+$0xFFFFFFF0]  }
0x18e: {  	v9 =	vor.u32 $0x4, v0;
	v8 =	vld.idx.msk [tilespmem:v0+s21+$0x0], $0xffff  }
0x18f: {  	v10 =	vor.u32 $0x9, v0;
	v2 =	vld.idx.msk [tilespmem:v2+s21+$0x0], $0xffff  }
0x190: {  	v11 =	vor.u32 $0x7, v0;
	v3 =	vld.idx.msk [tilespmem:v3+s21+$0x0], $0xffff  }
0x191: {  	v34 =	vor.u32 $0x5, v0;
	v5 =	vld.idx.msk [tilespmem:v5+s21+$0x0], $0xffff  }
0x192: {  	v35 =	vor.u32 $0xA, v0;
	v7 =	vld.idx.msk [tilespmem:v7+s21+$0x0], $0xffff;
	v14 =	vsub.f32 $1.000000000e+00, v4;
	v15 =	vsub.f32 $1.000000000e+00, v6  }
0x193: {  	v16 =	vor.u32 $0x8, v0;
	v9 =	vld.idx.msk [tilespmem:v9+s21+$0x0], $0xffff  }
0x194: {  	v18 =	vlaneseq.u32;
	s30 =	simm.s32 $0x10;
	v10 =	vld.idx.msk [tilespmem:v10+s21+$0x0], $0xffff;
	v17 =	vmul.f32 v15, v14;
	v14 =	vmul.f32 v6, v14  }
0x195: {  	v18 =	vor.u32 s30, v18;
	v11 =	vld.idx.msk [tilespmem:v11+s21+$0x0], $0xffff;
	v0 =	vor.u32 $0xB, v0;
	v15 =	vmul.f32 v15, v4  }
0x196: {  	v19 =	vmov s30;
	v12 =	vld.idx.msk [tilespmem:v34+s21+$0x0], $0xffff;
	v8 =	vmul.f32 v17, v8;
	v5 =	vmul.f32 v5, v14  }
0x197: {  	v20 =	vshll.u32 v18, $0x4;
	v13 =	vld.idx.msk [tilespmem:v35+s21+$0x0], $0xffff;
	v4 =	vmul.f32 v6, v4;
	v3 =	vmul.f32 v3, v15  }
0x198: {  	v6 =	vld.idx.msk [tilespmem:v16+s21+$0x0], $0xffff;
	v7 =	vmul.f32 v7, v17;
	v5 =	vadd.f32 v5, v8;
	v8 =	vmul.f32 v9, v14  }
0x199: {  	v19 =	vshll.u32 v19, $0x2;
	v18 =	vand.u32 $0x7F, v18;
	v36 =	vld [tilespmem:s26+$0x0];
	v10 =	vmul.f32 v10, v4  }
0x19a: {  	v0 =	vld.idx.msk [tilespmem:v0+s21+$0x0], $0xffff;
	v3 =	vadd.f32 v3, v5;
	v5 =	vadd.f32 v8, v7;
	v7 =	vmul.f32 v11, v15  }
0x19b: {  	v37 =	vor.u32 $0x5, v20;
	v38 =	vld [tilespmem:s29+$0x0];
	v2 =	vmul.f32 v2, v17;
	v11 =	vmul.f32 v12, v14  }
0x19c: {  	v3 =	vadd.f32 v10, v3;
	v5 =	vadd.f32 v7, v5;
	v7 =	vmul.f32 v13, v4  }
0x19d: {  	v19 =	vand.u32 $0xE00, v19;
	v6 =	vmul.f32 v6, v15;
	v2 =	vadd.f32 v11, v2  }
0x19e: {  	v18 =	vor.u32 v18, v19;
	v5 =	vadd.f32 v7, v5;
	v3 =	vmul.f32 $1.900000000e+01, v3  }
0x19f: {  	v21 =	vsub.f32 $1.000000000e+00, v36;
	v0 =	vmul.f32 v0, v4;
	v2 =	vadd.f32 v6, v2  }
0x1a0: {  	v25 =	vsub.f32 $1.000000000e+00, v38;
	v6 =	vtrunc.f32 v3;
	v5 =	vmul.f32 $1.900000000e+01, v5  }
0x1a1: {  	v11 =	vor.u32 $0x9, v20;
	v0 =	vadd.f32 v0, v2;
	v2 =	vcvt.f32.s32 v6  }
0x1a2: {  	v16 =	vor.u32 $0x6, v20;
	v9 =	vor.u32 $0x3, v20;
	v6 =	vtrunc.f32 v5  }
0x1a3: {  	v0 =	vmul.f32 $1.900000000e+01, v0;
	vm10 =	vlt.s32 v2, $0x12;
	v6 =	vcvt.f32.s32 v6  }
0x1a4: {  	v17 =	vor.u32 $0xA, v20;
	v8 =	vor.u32 $0x1, v20;
	v2 =	vnsel vm10, $0x12, v2  }
0x1a5: {  	v22 =	vld.idx.msk [tilespmem:v20+s21+$0x0], $0xffff;
	v23 =	vtrunc.f32 v0;
	vm11 =	vlt.s32 v6, $0x12;
	v24 =	vmul.u32 $0x14, v2  }
0x1a6: {  	v10 =	vor.u32 $0x4, v20;
	v11 =	vld.idx.msk [tilespmem:v11+s21+$0x0], $0xffff;
	v26 =	vnsel vm11, $0x12, v6;
	v6 =	vcvt.f32.s32 v23  }
0x1a7: {  	v15 =	vor.u32 $0x8, v20;
	v4 =	vor.u32 $0x2, v20;
	v9 =	vld.idx.msk [tilespmem:v9+s21+$0x0], $0xffff;
	v23 =	vadd.s32 v24, v26  }
0x1a8: {  	v7 =	vor.u32 $0x7, v20;
	vm12 =	vlt.s32 v6, $0x12;
	v23 =	vmul.u32 $0x14, v23  }
0x1a9: {  	v16 =	vld.idx.msk [tilespmem:v16+s21+$0x0], $0xffff;
	v12 =	vmul.f32 v38, v36;
	v2 =	vcvt.s32.f32 v2;
	v27 =	vnsel vm12, $0x12, v6  }
0x1aa: {  	v8 =	vld.idx.msk [tilespmem:v8+s21+$0x0], $0xffff;
	v24 =	vmul.f32 v25, v21;
	v21 =	vmul.f32 v38, v21;
	v6 =	vadd.s32 v23, v27  }
0x1ab: {  	v10 =	vld.idx.msk [tilespmem:v10+s21+$0x0], $0xffff;
	v11 =	vmul.f32 v11, v12;
	v25 =	vmul.f32 v25, v36;
	v6 =	vmul.u32 $0x3, v6  }
0x1ac: {  	v20 =	vor.u32 $0xB, v20;
	v4 =	vld.idx.msk [tilespmem:v4+s21+$0x0], $0xffff;
	v22 =	vmul.f32 v24, v22;
	v9 =	vmul.f32 v9, v21  }
0x1ad: {  	v7 =	vld.idx.msk [tilespmem:v7+s21+$0x0], $0xffff;
	v19 =	vcvt.s32.f32 v26;
	v2 =	vsub.f32 v3, v2;
	v39 =	vadd.s32 $0x3, v6  }
0x1ae: {  	v16 =	vmul.f32 v16, v25;
	v9 =	vadd.f32 v9, v22;
	v22 =	vcvt.s32.f32 v27  }
0x1af: {  	v13 =	vld.idx.msk [tilespmem:v37+s21+$0x0], $0xffff;
	v8 =	vmul.f32 v8, v24;
	v5 =	vsub.f32 v5, v19;
	v23 =	vadd.s32 $0x3C, v6  }
0x1b0: {  	v10 =	vmul.f32 v10, v21;
	v3 =	vadd.f32 v16, v9;
	v19 =	vsub.f32 v0, v22  }
0x1b1: {  	v0 =	vadd.s32 $0x3F, v6;
	v9 =	vsub.f32 $1.000000000e+00, v2;
	v22 =	vsub.f32 $1.000000000e+00, v5;
	v16 =	vld.idx.msk [tilespmem:v6+s5+$0x0], $0xffff  }
0x1b2: {  	v7 =	vmul.f32 v7, v25;
	v4 =	vmul.f32 v4, v24;
	v8 =	vadd.f32 v10, v8;
	v10 =	vld.idx.msk [tilespmem:v39+s5+$0x0], $0xffff  }
0x1b3: {  	v40 =	vld.idx.msk [tilespmem:v17+s21+$0x0], $0xffff;
	v17 =	vadd.s32 $0x4B0, v6;
	v24 =	vmul.f32 v22, v9;
	v26 =	vsub.f32 $1.000000000e+00, v19  }
0x1b4: {  	v13 =	vmul.f32 v13, v21;
	v27 =	vadd.s32 $0x4B3, v6;
	v21 =	vld.idx.msk [tilespmem:v23+s5+$0x0], $0xffff;
	v23 =	vmul.f32 v5, v9  }
0x1b5: {  	v15 =	vld.idx.msk [tilespmem:v15+s21+$0x0], $0xffff;
	v11 =	vadd.f32 v11, v3;
	v3 =	vmul.f32 v26, v24;
	v9 =	vmul.f32 v19, v24  }
0x1b6: {  	v1 =	vand.u32 $0x6F, v1;
	v7 =	vadd.f32 v7, v8;
	v8 =	vld.idx.msk [tilespmem:v0+s5+$0x0], $0xffff;
	v0 =	vmul.f32 v26, v23  }
0x1b7: {  	v41 =	vld.idx.msk [tilespmem:v20+s21+$0x0], $0xffff;
	v20 =	vadd.s32 $0x4EC, v6;
	v24 =	vmul.f32 v3, v16;
	v10 =	vmul.f32 v9, v10  }
0x1b8: {  	v28 =	vmul.f32 v40, v12;
	v42 =	vmul.f32 v22, v2;
	v22 =	vadd.s32 $0x4EF, v6;
	v17 =	vld.idx.msk [tilespmem:v17+s5+$0x0], $0xffff  }
0x1b9: {  	v16 =	vmul.f32 v19, v23;
	v21 =	vmul.f32 v0, v21;
	v10 =	vadd.f32 v24, v10  }
0x1ba: {  	v4 =	vadd.f32 v13, v4;
	v2 =	vmul.f32 v5, v2;
	v23 =	vmul.f32 v15, v25;
	v24 =	vld.idx.msk [tilespmem:v27+s5+$0x0], $0xffff  }
0x1bb: {  	v15 =	vmul.f32 v26, v42;
	v8 =	vmul.f32 v16, v8;
	v10 =	vadd.f32 v10, v21  }
0x1bc: {  	v7 =	vadd.f32 v28, v7;
	v11 =	vmul.f32 $1.900000000e+01, v11;
	v14 =	vmul.f32 v19, v42;
	v20 =	vld.idx.msk [tilespmem:v20+s5+$0x0], $0xffff  }
0x1bd: {  	v62 =	vld [tilespmem:$0x1FFD0];
	v25 =	vmov s31;
	v8 =	vadd.f32 v10, v8;
	v10 =	vmul.f32 v15, v17  }
0x1be: {  	v13 =	vmul.f32 v26, v2;
	v7 =	vmul.f32 $1.900000000e+01, v7;
	v5 =	vshll.u32 v25, $0x2;
	v17 =	vld.idx.msk [tilespmem:v22+s5+$0x0], $0xffff  }
0x1bf: {  	v5 =	vand.u32 $0xE00, v5;
	v8 =	vadd.f32 v8, v10;
	v10 =	vmul.f32 v14, v24  }
0x1c0: {  	v5 =	vor.u32 v1, v5;
	v21 =	vmul.f32 v41, v12;
	v12 =	vmul.f32 v19, v2  }
0x1c1: {  	v2 =	vmul.f32 v13, v20;
	v20 =	vtrunc.f32 v7;
	v1 =	vadd.f32 v8, v10  }
0x1c2: {  	v4 =	vadd.f32 v23, v4;
	v20 =	vcvt.f32.s32 v20;
	v8 =	vand.u32 v62, v5  }
0x1c3: {  	v24 =	vld [tilespmem:$0x1FF90];
	v10 =	vmul.f32 v17, v12;
	v17 =	vadd.s32 $0x1, v6;
	v2 =	vadd.f32 v1, v2  }
0x1c4: {  	v22 =	vtrunc.f32 v11;
	v4 =	vadd.f32 v21, v4;
	v21 =	vadd.s32 $0x4, v6  }
0x1c5: {  	v23 =	vadd.s32 $0x4B1, v6;
	v19 =	vcvt.f32.s32 v22;
	v2 =	vadd.f32 v2, v10  }
0x1c6: {  	vm14 =	vlt.s32 v20, $0x12;
	v22 =	vadd.s32 $0x40, v6;
	v10 =	vadd.s32 $0x3D, v6  }
0x1c7: {  	v4 =	vmul.f32 $1.900000000e+01, v4;
	v20 =	vnsel vm14, $0x12, v20;
	vm13 =	vlt.s32 v19, $0x12;
	[tilespmem:v8+s20+$0x0] =	vst.idx.msk $0xffff, v2  }
0x1c8: {  	v19 =	vnsel vm13, $0x12, v19;
	v1 =	vand.u32 v24, v18;
	v18 =	vand.u32 $0xE78, v18;
	v17 =	vld.idx.msk [tilespmem:v17+s5+$0x0], $0xffff  }
0x1c9: {  	v2 =	vmul.u32 $0x14, v19;
	v8 =	vtrunc.f32 v4;
	v19 =	vcvt.s32.f32 v19;
	v21 =	vld.idx.msk [tilespmem:v21+s5+$0x0], $0xffff  }
0x1ca: {  	v25 =	vor.u32 v63, v18;
	v18 =	vor.u32 v32, v18;
	v8 =	vcvt.f32.s32 v8  }
0x1cb: {  	v2 =	vadd.s32 v2, v20;
	v20 =	vcvt.s32.f32 v20;
	v11 =	vsub.f32 v11, v19;
	v10 =	vld.idx.msk [tilespmem:v10+s5+$0x0], $0xffff  }
0x1cc: {  	v2 =	vmul.u32 $0x14, v2;
	vm15 =	vlt.s32 v8, $0x12;
	[tilespmem:$0x1FE90] =	vst v18;
	v18 =	vadd.s32 $0x4B4, v6  }
0x1cd: {  	v8 =	vnsel vm15, $0x12, v8;
	v7 =	vsub.f32 v7, v20;
	v19 =	vld.idx.msk [tilespmem:v22+s5+$0x0], $0xffff;
	v20 =	vadd.s32 $0x4ED, v6  }
0x1ce: {  	v2 =	vadd.s32 v2, v8;
	v17 =	vmul.f32 v17, v3;
	v21 =	vmul.f32 v21, v9  }
0x1cf: {  	v22 =	vld.idx.msk [tilespmem:v23+s5+$0x0], $0xffff;
	v23 =	vadd.s32 $0x4F0, v6;
	v8 =	vcvt.s32.f32 v8;
	v26 =	vmul.u32 $0x3, v2  }
0x1d0: {  	v2 =	vsub.f32 $1.000000000e+00, v11;
	v17 =	vadd.f32 v21, v17;
	v10 =	vmul.f32 v10, v0  }
0x1d1: {  	v38 =	vadd.s32 $0x5, v6;
	v4 =	vsub.f32 v4, v8;
	v21 =	vsub.f32 $1.000000000e+00, v7;
	v8 =	vld.idx.msk [tilespmem:v18+s5+$0x0], $0xffff  }
0x1d2: {  	v27 =	vand.u32 $0xE68, v5;
	v10 =	vadd.f32 v10, v17;
	v17 =	vmul.f32 v19, v16  }
0x1d3: {  	v28 =	vmul.f32 v7, v11;
	v18 =	vadd.s32 $0x3, v26;
	v20 =	vld.idx.msk [tilespmem:v20+s5+$0x0], $0xffff;
	v19 =	vmul.f32 v21, v2  }
0x1d4: {  	v2 =	vmul.f32 v7, v2;
	v7 =	vadd.f32 v17, v10;
	v10 =	vmul.f32 v22, v15  }
0x1d5: {  	v5 =	vor.u32 v63, v27;
	v29 =	vadd.s32 $0x3C, v26;
	v31 =	vsub.f32 $1.000000000e+00, v4;
	v17 =	vld.idx.msk [tilespmem:v23+s5+$0x0], $0xffff  }
0x1d6: {  	v30 =	vadd.s32 $0x3F, v26;
	v8 =	vmul.f32 v8, v14;
	v7 =	vadd.f32 v10, v7  }
0x1d7: {  	v43 =	vadd.s32 $0x4B0, v26;
	v33 =	vadd.s32 $0x4B3, v26;
	v24 =	vmul.f32 v31, v19;
	v35 =	vld.idx.msk [tilespmem:v26+s5+$0x0], $0xffff  }
0x1d8: {  	v23 =	vmul.f32 v31, v2;
	v34 =	vld.idx.msk [tilespmem:v18+s5+$0x0], $0xffff;
	v7 =	vadd.f32 v8, v7;
	v8 =	vmul.f32 v20, v13  }
0x1d9: {  	v10 =	vadd.s32 $0x4EC, v26;
	v20 =	vmul.f32 v4, v2;
	v2 =	vmul.f32 v21, v11  }
0x1da: {  	v11 =	vld.idx.msk [tilespmem:v29+s5+$0x0], $0xffff;
	v29 =	vadd.s32 $0x2, v6;
	v7 =	vadd.f32 v8, v7;
	v8 =	vmul.f32 v17, v12  }
0x1db: {  	v36 =	vadd.s32 $0x4EF, v26;
	v54 =	vmul.f32 v4, v28;
	v22 =	vmul.f32 v4, v19;
	v37 =	vld.idx.msk [tilespmem:v30+s5+$0x0], $0xffff  }
0x1dc: {  	v55 =	vmul.f32 v31, v28;
	v28 =	vld.idx.msk [tilespmem:v43+s5+$0x0], $0xffff;
	v44 =	vmul.f32 v24, v35;
	v7 =	vadd.f32 v8, v7  }
0x1dd: {  	v45 =	vadd.s32 $0x3E, v6;
	v33 =	vld.idx.msk [tilespmem:v33+s5+$0x0], $0xffff;
	v21 =	vmul.f32 v31, v2;
	v31 =	vmul.f32 v22, v34  }
0x1de: {  	v46 =	vld.idx.msk [tilespmem:v10+s5+$0x0], $0xffff;
	[tilespmem:v5+s20+$0x0] =	vst.idx.msk $0xffff, v7  }
0x1df: {  	v56 =	vmul.f32 v4, v2;
	v2 =	vadd.f32 v44, v31;
	v31 =	vadd.s32 $0x41, v6;
	v29 =	vld.idx.msk [tilespmem:v29+s5+$0x0], $0xffff  }
0x1e0: {  	v10 =	vmul.f32 v23, v11;
	v47 =	vld.idx.msk [tilespmem:v38+s5+$0x0], $0xffff  }
0x1e1: {  	v49 =	vadd.s32 $0x4B5, v6;
	v39 =	vadd.s32 $0x4B2, v6;
	v36 =	vld.idx.msk [tilespmem:v36+s5+$0x0], $0xffff;
	[tilespmem:$0x1FF40] =	vst v20  }
0x1e2: {  	s30 =	simm.s32 $0x30;
	v50 =	vadd.s32 $0x4EE, v6;
	v37 =	vmul.f32 v20, v37;
	v48 =	vadd.f32 v2, v10;
	v34 =	vld.idx.msk [tilespmem:v45+s5+$0x0], $0xffff;
	[tilespmem:$0x1FF50] =	vst v56  }
0x1e3: {  	v42 =	vmov s30;
	v30 =	vadd.s32 $0x1, v26;
	v18 =	vadd.s32 $0x41, v26;
	[tilespmem:$0x1FF70] =	vst v55  }
0x1e4: {  	v28 =	vmul.f32 v21, v28;
	v6 =	vadd.s32 $0x4F1, v6;
	v37 =	vadd.f32 v48, v37;
	v31 =	vld.idx.msk [tilespmem:v31+s5+$0x0], $0xffff  }
0x1e5: {  	v17 =	vlaneseq.u32;
	[tilespmem:$0x1FF80] =	vst v54;
	v3 =	vmul.f32 v29, v3;
	v9 =	vmul.f32 v47, v9  }
0x1e6: {  	s31 =	simm.s32 $0x20;
	v4 =	vadd.s32 $0x4B1, v26;
	v40 =	vmul.f32 v56, v33;
	v28 =	vadd.f32 v37, v28;
	v29 =	vld.idx.msk [tilespmem:v39+s5+$0x0], $0xffff  }
0x1e7: {  	v0 =	vmul.f32 v34, v0;
	v3 =	vadd.f32 v9, v3;
	v9 =	vor.u32 s31, v17  }
0x1e8: {  	v41 =	vmul.f32 v55, v46;
	v51 =	vld.idx.msk [tilespmem:v49+s5+$0x0], $0xffff;
	v28 =	vadd.f32 v28, v40;
	v37 =	vshll.u32 v9, $0x4  }
0x1e9: {  	v6 =	vld.idx.msk [tilespmem:v6+s5+$0x0], $0xffff;
	v0 =	vadd.f32 v0, v3;
	v3 =	vmul.f32 v31, v16;
	v31 =	vor.u32 $0x2, v37  }
0x1ea: {  	s26 =	simm.s32 $0xB520;
	v36 =	vmul.f32 v36, v54;
	v28 =	vadd.f32 v28, v41;
	v16 =	vld.idx.msk [tilespmem:v50+s5+$0x0], $0xffff;
	v53 =	vor.u32 $0x3, v37  }
0x1eb: {  	s29 =	simm.s32 $0xB920;
	v57 =	vor.u32 $0x4, v37;
	v0 =	vadd.f32 v3, v0;
	v3 =	vmul.f32 v29, v15;
	v15 =	vld [tilespmem:s26+$0xFFFFFFF0];
	[tilespmem:$0x1FF30] =	vst v18  }
0x1ec: {  	v58 =	vor.u32 s30, v17;
	v43 =	vor.u32 $0x9, v37;
	v36 =	vadd.f32 v28, v36;
	v40 =	vld [tilespmem:s29+$0xFFFFFFF0]  }
0x1ed: {  	v28 =	vor.u32 $0x1, v37;
	v0 =	vadd.f32 v3, v0;
	v3 =	vmul.f32 v51, v14;
	v14 =	vld.idx.msk [tilespmem:v37+s21+$0x0], $0xffff  }
0x1ee: {  	v8 =	vadd.s32 $0x4, v26;
	v44 =	vshll.u32 v58, $0x4;
	v52 =	vor.u32 $0x6, v37;
	v31 =	vld.idx.msk [tilespmem:v31+s21+$0x0], $0xffff  }
0x1ef: {  	v11 =	vadd.s32 $0x4ED, v26;
	v7 =	vadd.s32 $0x3D, v26;
	v59 =	vor.u32 $0x7, v37;
	v39 =	vld.idx.msk [tilespmem:v53+s21+$0x0], $0xffff  }
0x1f0: {  	v5 =	vadd.s32 $0x40, v26;
	v2 =	vadd.s32 $0x4B4, v26;
	v45 =	vor.u32 $0x5, v37;
	v61 =	vld.idx.msk [tilespmem:v57+s21+$0x0], $0xffff  }
0x1f1: {  	v10 =	vadd.s32 $0x4F0, v26;
	v13 =	vmul.f32 v16, v13;
	v43 =	vld.idx.msk [tilespmem:v43+s21+$0x0], $0xffff;
	v0 =	vadd.f32 v3, v0  }
0x1f2: {  	v34 =	vor.u32 $0x6, v44;
	v6 =	vmul.f32 v6, v12;
	v46 =	vld.idx.msk [tilespmem:v28+s21+$0x0], $0xffff;
	v28 =	vsub.f32 $1.000000000e+00, v15  }
0x1f3: {  	v47 =	vor.u32 $0xA, v37;
	v3 =	vld.idx.msk [tilespmem:v52+s21+$0x0], $0xffff;
	v48 =	vsub.f32 $1.000000000e+00, v40;
	v0 =	vadd.f32 v13, v0  }
0x1f4: {  	v60 =	vor.u32 $0x8, v37;
	v51 =	vor.u32 $0x1, v44;
	v38 =	vld.idx.msk [tilespmem:v59+s21+$0x0], $0xffff;
	v50 =	vmul.f32 v40, v28  }
0x1f5: {  	v45 =	vld.idx.msk [tilespmem:v45+s21+$0x0], $0xffff;
	v49 =	vmul.f32 v48, v28;
	v48 =	vmul.f32 v48, v15;
	v0 =	vadd.f32 v6, v0  }
0x1f6: {  	v37 =	vor.u32 $0xB, v37;
	v6 =	vmul.f32 v40, v15;
	v39 =	vmul.f32 v39, v50  }
0x1f7: {  	v16 =	vor.u32 $0x3, v44;
	v13 =	vmul.f32 v61, v50;
	v14 =	vmul.f32 v49, v14;
	[tilespmem:$0x1FF60] =	vst v0  }
0x1f8: {  	v52 =	vor.u32 $0x4, v44;
	v3 =	vmul.f32 v3, v48;
	v15 =	vmul.f32 v46, v49;
	v0 =	vld.idx.msk [tilespmem:v47+s21+$0x0], $0xffff  }
0x1f9: {  	v43 =	vmul.f32 v43, v6;
	v31 =	vmul.f32 v31, v49;
	v12 =	vld.idx.msk [tilespmem:v60+s21+$0x0], $0xffff;
	v14 =	vadd.f32 v39, v14  }
0x1fa: {  	v40 =	vor.u32 $0x7, v44;
	v49 =	vmul.f32 v45, v50;
	v47 =	vmul.f32 v38, v48  }
0x1fb: {  	v37 =	vld.idx.msk [tilespmem:v37+s21+$0x0], $0xffff;
	v38 =	vor.u32 $0x8, v44;
	v13 =	vadd.f32 v13, v15;
	v3 =	vadd.f32 v3, v14  }
0x1fc: {  	v45 =	vld [tilespmem:s29+$0x0];
	[tilespmem:v1+s20+$0x0] =	vst.idx.msk $0xffff, v36;
	v1 =	vshll.u32 v42, $0x2;
	v36 =	vand.u32 $0x7F, v58;
	v39 =	vor.u32 $0x9, v44  }
0x1fd: {  	v30 =	vld.idx.msk [tilespmem:v30+s5+$0x0], $0xffff;
	v13 =	vadd.f32 v47, v13;
	v3 =	vadd.f32 v43, v3;
	v0 =	vmul.f32 v0, v6  }
0x1fe: {  	v15 =	vor.u32 $0x2, v44;
	v31 =	vadd.f32 v49, v31;
	v8 =	vld.idx.msk [tilespmem:v8+s5+$0x0], $0xffff;
	v12 =	vmul.f32 v12, v48  }
0x1ff: {  	v1 =	vand.u32 $0xE00, v1;
	v0 =	vadd.f32 v0, v13;
	v3 =	vmul.f32 $1.900000000e+01, v3  }
0x200: {  	v5 =	vld.idx.msk [tilespmem:v5+s5+$0x0], $0xffff;
	v14 =	vor.u32 $0x5, v44;
	v6 =	vmul.f32 v37, v6;
	v12 =	vadd.f32 v12, v31  }
0x201: {  	v60 =	vsub.f32 $1.000000000e+00, v45;
	v50 =	vtrunc.f32 v3;
	v0 =	vmul.f32 $1.900000000e+01, v0  }
0x202: {  	v43 =	vld [tilespmem:s26+$0x0];
	v30 =	vmul.f32 v30, v24;
	v6 =	vadd.f32 v6, v12;
	v53 =	vcvt.f32.s32 v50  }
0x203: {  	v37 =	vor.u32 v36, v1;
	v8 =	vmul.f32 v8, v22;
	v57 =	vtrunc.f32 v0  }
0x204: {  	v42 =	vld.idx.msk [tilespmem:v44+s21+$0x0], $0xffff;
	v6 =	vmul.f32 $1.900000000e+01, v6;
	vm4 =	vlt.s32 v53, $0x12;
	v58 =	vcvt.f32.s32 v57  }
0x205: {  	v16 =	vld.idx.msk [tilespmem:v16+s21+$0x0], $0xffff;
	v5 =	vmul.f32 v5, v20;
	v13 =	vor.u32 $0xA, v44;
	v12 =	vnsel vm4, $0x12, v53  }
0x206: {  	v34 =	vld.idx.msk [tilespmem:v34+s21+$0x0], $0xffff;
	v61 =	vtrunc.f32 v6;
	vm5 =	vlt.s32 v58, $0x12;
	v53 =	vmul.u32 $0x14, v12  }
0x207: {  	v1 =	vld.idx.msk [tilespmem:v51+s21+$0x0], $0xffff;
	v59 =	vsub.f32 $1.000000000e+00, v43;
	v57 =	vnsel vm5, $0x12, v58;
	v58 =	vcvt.f32.s32 v61  }
0x208: {  	v15 =	vld.idx.msk [tilespmem:v15+s21+$0x0], $0xffff;
	v31 =	vor.u32 $0xB, v44;
	v46 =	vmul.f32 v60, v43;
	v48 =	vadd.s32 v53, v57  }
0x209: {  	v14 =	vld.idx.msk [tilespmem:v14+s21+$0x0], $0xffff;
	v47 =	vmul.f32 v60, v59;
	vm6 =	vlt.s32 v58, $0x12;
	v48 =	vmul.u32 $0x14, v48  }
0x20a: {  	v8 =	vadd.f32 v8, v30;
	v44 =	vmul.f32 v45, v59;
	v41 =	vnsel vm6, $0x12, v58  }
0x20b: {  	v34 =	vmul.f32 v34, v46;
	v42 =	vmul.f32 v47, v42;
	v48 =	vadd.s32 v48, v41  }
0x20c: {  	v59 =	vld.idx.msk [tilespmem:v52+s21+$0x0], $0xffff;
	v16 =	vmul.f32 v16, v44;
	v1 =	vmul.f32 v1, v47;
	v30 =	vmul.u32 $0x3, v48  }
0x20d: {  	v9 =	vand.u32 $0x6F, v9;
	v40 =	vld.idx.msk [tilespmem:v40+s21+$0x0], $0xffff;
	v12 =	vcvt.s32.f32 v12;
	v15 =	vmul.f32 v15, v47  }
0x20e: {  	v39 =	vld.idx.msk [tilespmem:v39+s21+$0x0], $0xffff;
	v14 =	vmul.f32 v14, v44;
	v36 =	vcvt.s32.f32 v57;
	v60 =	vadd.s32 $0x3, v30  }
0x20f: {  	v16 =	vadd.f32 v16, v42;
	v42 =	vmul.f32 v45, v43;
	v3 =	vsub.f32 v3, v12  }
0x210: {  	v0 =	vsub.f32 v0, v36;
	v51 =	vcvt.s32.f32 v41;
	v52 =	vadd.s32 $0x3C, v30  }
0x211: {  	v12 =	vld.idx.msk [tilespmem:v13+s21+$0x0], $0xffff;
	v61 =	vmul.f32 v59, v44;
	v16 =	vadd.f32 v34, v16;
	v59 =	vsub.f32 $1.000000000e+00, v3  }
0x212: {  	v48 =	vsub.f32 $1.000000000e+00, v0;
	v34 =	vsub.f32 v6, v51;
	v58 =	vadd.s32 $0x3F, v30;
	v6 =	vld.idx.msk [tilespmem:v30+s5+$0x0], $0xffff  }
0x213: {  	v53 =	vmul.f32 v40, v46;
	v57 =	vmul.f32 v39, v42;
	v1 =	vadd.f32 v61, v1;
	v43 =	vld.idx.msk [tilespmem:v60+s5+$0x0], $0xffff  }
0x214: {  	v61 =	vadd.s32 $0x4B0, v30;
	v44 =	vmul.f32 v48, v59;
	v49 =	vsub.f32 $1.000000000e+00, v34;
	v60 =	vld.idx.msk [tilespmem:v38+s21+$0x0], $0xffff  }
0x215: {  	v16 =	vadd.f32 v57, v16;
	v1 =	vadd.f32 v53, v1;
	v53 =	vmul.f32 v0, v59;
	v52 =	vld.idx.msk [tilespmem:v52+s5+$0x0], $0xffff  }
0x216: {  	v31 =	vld.idx.msk [tilespmem:v31+s21+$0x0], $0xffff;
	v57 =	vadd.s32 $0x4B3, v30;
	v40 =	vmul.f32 v49, v44;
	v44 =	vmul.f32 v34, v44  }
0x217: {  	v14 =	vadd.f32 v14, v15;
	v12 =	vmul.f32 v12, v42;
	v15 =	vld.idx.msk [tilespmem:v58+s5+$0x0], $0xffff;
	v38 =	vmul.f32 v49, v53  }
0x218: {  	v58 =	vadd.s32 $0x4EC, v30;
	v6 =	vmul.f32 v40, v6;
	v43 =	vmul.f32 v44, v43  }
0x219: {  	v39 =	vmul.f32 v34, v53;
	v59 =	vld.idx.msk [tilespmem:v61+s5+$0x0], $0xffff;
	v61 =	vadd.s32 $0x4EF, v30;
	v45 =	vmul.f32 v60, v46  }
0x21a: {  	v60 =	vmul.f32 v48, v3;
	v13 =	vmul.f32 v38, v52;
	v6 =	vadd.f32 v6, v43  }
0x21b: {  	v42 =	vmul.f32 v31, v42;
	v51 =	vmov s31;
	v0 =	vmul.f32 v0, v3;
	v31 =	vld.idx.msk [tilespmem:v57+s5+$0x0], $0xffff  }
0x21c: {  	v15 =	vmul.f32 v39, v15;
	v36 =	vmul.f32 v49, v60;
	v13 =	vadd.f32 v6, v13  }
0x21d: {  	v16 =	vmul.f32 $1.900000000e+01, v16;
	v12 =	vadd.f32 v12, v1;
	v1 =	vshll.u32 v51, $0x2;
	v52 =	vld.idx.msk [tilespmem:v58+s5+$0x0], $0xffff  }
0x21e: {  	v6 =	vmul.f32 v34, v60;
	v53 =	vmul.f32 v36, v59;
	v3 =	vadd.f32 v13, v15  }
0x21f: {  	v41 =	vand.u32 $0xE00, v1;
	v1 =	vmul.f32 v49, v0;
	v12 =	vmul.f32 $1.900000000e+01, v12;
	v15 =	vld.idx.msk [tilespmem:v61+s5+$0x0], $0xffff  }
0x220: {  	v9 =	vor.u32 v9, v41;
	v57 =	vmul.f32 v6, v31;
	v3 =	vadd.f32 v3, v53  }
0x221: {  	v58 =	vtrunc.f32 v16;
	v48 =	vtrunc.f32 v12;
	v14 =	vadd.f32 v45, v14  }
0x222: {  	v7 =	vld.idx.msk [tilespmem:v7+s5+$0x0], $0xffff;
	v31 =	vmul.f32 v34, v0;
	v0 =	vadd.f32 v3, v57;
	v3 =	vmul.f32 v1, v52  }
0x223: {  	v59 =	vadd.f32 v42, v14;
	v60 =	vcvt.f32.s32 v58;
	v61 =	vand.u32 v62, v9  }
0x224: {  	v0 =	vadd.f32 v0, v3;
	v3 =	vmul.f32 v15, v31;
	v15 =	vadd.s32 $0x1, v30  }
0x225: {  	v50 =	vadd.s32 $0x3D, v30;
	v41 =	vcvt.f32.s32 v48;
	v49 =	vadd.s32 $0x4, v30  }
0x226: {  	vm7 =	vlt.s32 v60, $0x12;
	v13 =	vmul.f32 $1.900000000e+01, v59;
	v0 =	vadd.f32 v0, v3  }
0x227: {  	v4 =	vld.idx.msk [tilespmem:v4+s5+$0x0], $0xffff;
	vm8 =	vlt.s32 v41, $0x12;
	v3 =	vmul.f32 v7, v23;
	v7 =	vnsel vm7, $0x12, v60  }
0x228: {  	v2 =	vld.idx.msk [tilespmem:v2+s5+$0x0], $0xffff;
	v58 =	vadd.s32 $0x4B1, v30;
	v52 =	vtrunc.f32 v13;
	v51 =	vmul.u32 $0x14, v7;
	[tilespmem:v61+s20+$0x0] =	vst.idx.msk $0xffff, v0  }
0x229: {  	v57 =	vadd.s32 $0x40, v30;
	v53 =	vcvt.f32.s32 v52;
	v0 =	vnsel vm8, $0x12, v41;
	v15 =	vld.idx.msk [tilespmem:v15+s5+$0x0], $0xffff  }
0x22a: {  	v59 =	vadd.s32 $0x4B4, v30;
	v3 =	vadd.f32 v3, v8;
	v8 =	vadd.s32 v51, v0;
	v42 =	vld.idx.msk [tilespmem:v49+s5+$0x0], $0xffff  }
0x22b: {  	vm9 =	vlt.s32 v53, $0x12;
	v0 =	vcvt.s32.f32 v0;
	v8 =	vmul.u32 $0x14, v8  }
0x22c: {  	v14 =	vld.idx.msk [tilespmem:v50+s5+$0x0], $0xffff;
	v3 =	vadd.f32 v5, v3;
	v5 =	vcvt.s32.f32 v7;
	v7 =	vnsel vm9, $0x12, v53  }
0x22d: {  	v4 =	vmul.f32 v4, v21;
	v2 =	vmul.f32 v2, v56;
	v43 =	vld.idx.msk [tilespmem:v58+s5+$0x0], $0xffff;
	v8 =	vadd.s32 v8, v7  }
0x22e: {  	v0 =	vsub.f32 v12, v0;
	v5 =	vsub.f32 v16, v5;
	v41 =	vmul.u32 $0x3, v8;
	v8 =	vld.idx.msk [tilespmem:v57+s5+$0x0], $0xffff  }
0x22f: {  	v34 =	vld.idx.msk [tilespmem:v59+s5+$0x0], $0xffff;
	v16 =	vadd.s32 $0x4ED, v30;
	v15 =	vmul.f32 v15, v40;
	v42 =	vmul.f32 v42, v44  }
0x230: {  	v61 =	vadd.s32 $0x4F0, v30;
	v7 =	vcvt.s32.f32 v7;
	v46 =	vsub.f32 $1.000000000e+00, v0  }
0x231: {  	v14 =	vmul.f32 v14, v38;
	v60 =	vadd.s32 $0x3, v41;
	v15 =	vadd.f32 v42, v15  }
0x232: {  	v52 =	vsub.f32 $1.000000000e+00, v5;
	v47 =	vmul.f32 v0, v5;
	v7 =	vsub.f32 v13, v7  }
0x233: {  	v57 =	vmul.f32 v43, v36;
	v53 =	vadd.f32 v14, v15;
	v8 =	vmul.f32 v8, v39  }
0x234: {  	v34 =	vmul.f32 v34, v6;
	v48 =	vadd.s32 $0x3F, v41;
	v16 =	vld.idx.msk [tilespmem:v16+s5+$0x0], $0xffff;
	v14 =	vadd.s32 $0x3C, v41  }
0x235: {  	v45 =	vld.idx.msk [tilespmem:v61+s5+$0x0], $0xffff;
	v58 =	vadd.s32 $0x4B0, v41;
	v59 =	vadd.s32 $0x4B3, v41;
	v8 =	vadd.f32 v8, v53  }
0x236: {  	v61 =	vadd.s32 $0x4EC, v41;
	v5 =	vmul.f32 v46, v5;
	v15 =	vmul.f32 v46, v52;
	v12 =	vld.idx.msk [tilespmem:v60+s5+$0x0], $0xffff  }
0x237: {  	v49 =	vsub.f32 $1.000000000e+00, v7;
	v42 =	vand.u32 $0xE68, v9;
	v60 =	vld.idx.msk [tilespmem:v41+s5+$0x0], $0xffff;
	v8 =	vadd.f32 v57, v8  }
0x238: {  	v0 =	vmul.f32 v0, v52;
	v9 =	vld.idx.msk [tilespmem:v10+s5+$0x0], $0xffff;
	v10 =	vor.u32 v63, v42;
	v28 =	vmul.f32 v7, v15  }
0x239: {  	v13 =	vmul.f32 v49, v15;
	v16 =	vmul.f32 v16, v1;
	v15 =	vld.idx.msk [tilespmem:v14+s5+$0x0], $0xffff;
	v8 =	vadd.f32 v34, v8  }
0x23a: {  	v18 =	vmul.f32 v49, v0;
	v19 =	vmul.f32 v7, v0;
	v0 =	vadd.s32 $0x4EF, v41;
	v34 =	vld.idx.msk [tilespmem:v48+s5+$0x0], $0xffff  }
0x23b: {  	v11 =	vld.idx.msk [tilespmem:v11+s5+$0x0], $0xffff;
	v8 =	vadd.f32 v16, v8;
	v16 =	vmul.f32 v45, v31;
	v45 =	vadd.s32 $0x2, v30  }
0x23c: {  	v48 =	vld.idx.msk [tilespmem:v58+s5+$0x0], $0xffff;
	v58 =	vadd.s32 $0x5, v30;
	v12 =	vmul.f32 v28, v12;
	v57 =	vmul.f32 v13, v60  }
0x23d: {  	v20 =	vmul.f32 v7, v47;
	v59 =	vld.idx.msk [tilespmem:v59+s5+$0x0], $0xffff;
	v60 =	vadd.s32 $0x3E, v30;
	v8 =	vadd.f32 v16, v8  }
0x23e: {  	v52 =	vld.idx.msk [tilespmem:v61+s5+$0x0], $0xffff;
	v53 =	vadd.s32 $0x41, v30;
	v12 =	vadd.f32 v57, v12;
	v16 =	vmul.f32 v18, v15  }
0x23f: {  	s31 =	simm.s32 $0x40;
	v0 =	vld.idx.msk [tilespmem:v0+s5+$0x0], $0xffff;
	v15 =	vmul.f32 v49, v5;
	v57 =	vmul.f32 v19, v34;
	[tilespmem:v10+s20+$0x0] =	vst.idx.msk $0xffff, v8  }
0x240: {  	v34 =	vor.u32 s31, v17;
	v8 =	vadd.s32 $0x4B2, v30;
	v12 =	vadd.f32 v12, v16;
	v45 =	vld.idx.msk [tilespmem:v45+s5+$0x0], $0xffff  }
0x241: {  	v14 =	vmul.f32 v7, v5;
	v7 =	vmul.f32 v15, v48;
	v48 =	vshll.u32 v34, $0x4;
	v5 =	vld.idx.msk [tilespmem:v58+s5+$0x0], $0xffff  }
0x242: {  	v3 =	vadd.f32 v4, v3;
	v61 =	vmul.f32 v49, v47;
	v47 =	vld.idx.msk [tilespmem:v60+s5+$0x0], $0xffff;
	v12 =	vadd.f32 v12, v57  }
0x243: {  	s24 =	simm.s32 $0xB540;
	v11 =	vmul.f32 v11, v55;
	v46 =	vmul.f32 v14, v59;
	v50 =	vld.idx.msk [tilespmem:v53+s5+$0x0], $0xffff;
	v59 =	vor.u32 $0x2, v48  }
0x244: {  	v2 =	vadd.f32 v2, v3;
	v53 =	vor.u32 $0x1, v48;
	v16 =	vmovc v61;
	v4 =	vadd.f32 v12, v7;
	v12 =	vld [tilespmem:s24+$0xFFFFFFF0]  }
0x245: {  	v58 =	vmul.f32 v16, v52;
	v52 =	vor.u32 $0x3, v48;
	v7 =	vld.idx.msk [tilespmem:v8+s5+$0x0], $0xffff  }
0x246: {  	s25 =	simm.s32 $0xB940;
	v2 =	vadd.f32 v11, v2;
	v60 =	vor.u32 $0x4, v48;
	v3 =	vld.idx.msk [tilespmem:v48+s21+$0x0], $0xffff  }
0x247: {  	v9 =	vmul.f32 v9, v54;
	v56 =	vor.u32 $0x7, v48;
	v4 =	vadd.f32 v4, v46;
	v46 =	vld [tilespmem:s25+$0xFFFFFFF0]  }
0x248: {  	v55 =	vadd.s32 $0x4B5, v30;
	v8 =	vor.u32 $0x6, v48;
	v51 =	vld.idx.msk [tilespmem:v59+s21+$0x0], $0xffff  }
0x249: {  	v11 =	vadd.s32 $0x4EE, v30;
	v2 =	vadd.f32 v9, v2;
	v61 =	vor.u32 $0x9, v48;
	v53 =	vld.idx.msk [tilespmem:v53+s21+$0x0], $0xffff  }
0x24a: {  	v40 =	vmul.f32 v45, v40;
	v5 =	vmul.f32 v5, v44;
	v45 =	vld.idx.msk [tilespmem:v52+s21+$0x0], $0xffff;
	v52 =	vor.u32 $0x5, v48  }
0x24b: {  	v0 =	vmul.f32 v0, v20;
	v57 =	vor.u32 $0xA, v48;
	v60 =	vld.idx.msk [tilespmem:v60+s21+$0x0], $0xffff;
	v4 =	vadd.f32 v4, v58  }
0x24c: {  	v39 =	vmul.f32 v50, v39;
	v50 =	vld.idx.msk [tilespmem:v56+s21+$0x0], $0xffff;
	v5 =	vadd.f32 v5, v40;
	v58 =	vsub.f32 $1.000000000e+00, v12  }
0x24d: {  	v8 =	vld.idx.msk [tilespmem:v8+s21+$0x0], $0xffff;
	v44 =	vadd.f32 v4, v0;
	v0 =	vmul.f32 v47, v38;
	v59 =	vsub.f32 $1.000000000e+00, v46  }
0x24e: {  	v61 =	vld.idx.msk [tilespmem:v61+s21+$0x0], $0xffff;
	v4 =	vor.u32 $0x8, v48;
	v7 =	vmul.f32 v7, v36;
	v49 =	vmul.f32 v46, v58  }
0x24f: {  	v48 =	vor.u32 $0xB, v48;
	v47 =	vmul.f32 v59, v58;
	v58 =	vmul.f32 v59, v12;
	v9 =	vld.idx.msk [tilespmem:v52+s21+$0x0], $0xffff  }
0x250: {  	v0 =	vadd.f32 v0, v5;
	v5 =	vld.idx.msk [tilespmem:v57+s21+$0x0], $0xffff;
	v45 =	vmul.f32 v45, v49;
	v12 =	vmul.f32 v46, v12  }
0x251: {  	s28 =	simm.s32 $0x50;
	v30 =	vadd.s32 $0x4F1, v30;
	v38 =	vmul.f32 v60, v49;
	v60 =	vld.idx.msk [tilespmem:v55+s5+$0x0], $0xffff;
	v3 =	vmul.f32 v47, v3  }
0x252: {  	v36 =	vor.u32 s28, v17;
	v0 =	vadd.f32 v39, v0;
	v8 =	vmul.f32 v8, v58  }
0x253: {  	v4 =	vld.idx.msk [tilespmem:v4+s21+$0x0], $0xffff;
	v59 =	vmul.f32 v53, v47;
	v61 =	vmul.f32 v61, v12;
	v3 =	vadd.f32 v45, v3  }
0x254: {  	v53 =	vmul.f32 v51, v47;
	v0 =	vadd.f32 v7, v0;
	v9 =	vmul.f32 v9, v49  }
0x255: {  	v48 =	vld.idx.msk [tilespmem:v48+s21+$0x0], $0xffff;
	v52 =	vmul.f32 v50, v58;
	v3 =	vadd.f32 v8, v3;
	v8 =	vadd.f32 v38, v59  }
0x256: {  	v5 =	vmul.f32 v5, v12;
	v6 =	vmul.f32 v60, v6;
	v7 =	vadd.f32 v9, v53  }
0x257: {  	v9 =	vshll.u32 v36, $0x4;
	v3 =	vadd.f32 v61, v3;
	v8 =	vadd.f32 v52, v8  }
0x258: {  	v11 =	vld.idx.msk [tilespmem:v11+s5+$0x0], $0xffff;
	v4 =	vmul.f32 v4, v58;
	v0 =	vadd.f32 v6, v0;
	v56 =	vor.u32 $0x1, v9  }
0x259: {  	v40 =	vor.u32 $0x4, v9;
	v5 =	vadd.f32 v5, v8;
	v8 =	vmul.f32 $1.900000000e+01, v3  }
0x25a: {  	v38 =	vld [tilespmem:s25+$0x0];
	v47 =	vor.u32 $0x9, v9;
	v3 =	vadd.f32 v4, v7;
	v4 =	vmul.f32 v48, v12  }
0x25b: {  	v60 =	vor.u32 $0x2, v9;
	v6 =	vtrunc.f32 v8;
	v5 =	vmul.f32 $1.900000000e+01, v5  }
0x25c: {  	v61 =	vor.u32 $0x5, v9;
	v4 =	vadd.f32 v4, v3;
	v6 =	vcvt.f32.s32 v6  }
0x25d: {  	v7 =	vor.u32 $0x3, v9;
	v3 =	vmul.f32 v11, v1;
	v11 =	vld [tilespmem:s24+$0x0];
	v55 =	vtrunc.f32 v5  }
0x25e: {  	v4 =	vmul.f32 $1.900000000e+01, v4;
	vm10 =	vlt.s32 v6, $0x12;
	v12 =	vcvt.f32.s32 v55  }
0x25f: {  	v48 =	vor.u32 $0x7, v9;
	v51 =	vsub.f32 $1.000000000e+00, v38;
	v6 =	vnsel vm10, $0x12, v6  }
0x260: {  	v50 =	vld.idx.msk [tilespmem:v9+s21+$0x0], $0xffff;
	v57 =	vtrunc.f32 v4;
	vm11 =	vlt.s32 v12, $0x12;
	v58 =	vmul.u32 $0x14, v6  }
0x261: {  	v1 =	vor.u32 $0x6, v9;
	v39 =	vld.idx.msk [tilespmem:v56+s21+$0x0], $0xffff;
	v45 =	vcvt.f32.s32 v57;
	v12 =	vnsel vm11, $0x12, v12  }
0x262: {  	v56 =	vor.u32 $0x8, v9;
	v40 =	vld.idx.msk [tilespmem:v40+s21+$0x0], $0xffff;
	v59 =	vsub.f32 $1.000000000e+00, v11;
	v46 =	vadd.s32 v58, v12  }
0x263: {  	v7 =	vld.idx.msk [tilespmem:v7+s21+$0x0], $0xffff;
	v57 =	vor.u32 $0xA, v9;
	vm12 =	vlt.s32 v45, $0x12;
	v46 =	vmul.u32 $0x14, v46  }
0x264: {  	v47 =	vld.idx.msk [tilespmem:v47+s21+$0x0], $0xffff;
	v9 =	vor.u32 $0xB, v9;
	v6 =	vcvt.s32.f32 v6;
	v45 =	vnsel vm12, $0x12, v45  }
0x265: {  	v48 =	vld.idx.msk [tilespmem:v48+s21+$0x0], $0xffff;
	v54 =	vmul.f32 v51, v59;
	v55 =	vmul.f32 v38, v59;
	v46 =	vadd.s32 v46, v45  }
0x266: {  	v1 =	vld.idx.msk [tilespmem:v1+s21+$0x0], $0xffff;
	v12 =	vcvt.s32.f32 v12;
	v51 =	vmul.f32 v51, v11;
	v49 =	vmul.u32 $0x3, v46  }
0x267: {  	v60 =	vld.idx.msk [tilespmem:v60+s21+$0x0], $0xffff;
	v8 =	vsub.f32 v8, v6;
	v11 =	vmul.f32 v38, v11;
	v58 =	vmul.f32 v54, v50  }
0x268: {  	v56 =	vld.idx.msk [tilespmem:v56+s21+$0x0], $0xffff;
	v7 =	vmul.f32 v7, v55;
	v39 =	vmul.f32 v39, v54;
	v59 =	vadd.s32 $0x3, v49  }
0x269: {  	v6 =	vld.idx.msk [tilespmem:v61+s21+$0x0], $0xffff;
	v12 =	vsub.f32 v5, v12;
	v61 =	vsub.f32 $1.000000000e+00, v8;
	v40 =	vmul.f32 v40, v55  }
0x26a: {  	v48 =	vmul.f32 v48, v51;
	v45 =	vcvt.s32.f32 v45;
	v5 =	vadd.s32 $0x3C, v49  }
0x26b: {  	v47 =	vmul.f32 v47, v11;
	v1 =	vmul.f32 v1, v51;
	v7 =	vadd.f32 v7, v58  }
0x26c: {  	v52 =	vsub.f32 $1.000000000e+00, v12;
	v45 =	vsub.f32 v4, v45;
	v53 =	vadd.s32 $0x3F, v49;
	v4 =	vld.idx.msk [tilespmem:v49+s5+$0x0], $0xffff  }
0x26d: {  	v46 =	vmul.f32 v60, v54;
	v51 =	vmul.f32 v56, v51;
	v7 =	vadd.f32 v1, v7;
	v58 =	vld.idx.msk [tilespmem:v59+s5+$0x0], $0xffff  }
0x26e: {  	v57 =	vld.idx.msk [tilespmem:v57+s21+$0x0], $0xffff;
	v1 =	vmul.f32 v52, v61;
	v54 =	vadd.s32 $0x4B0, v49;
	v59 =	vsub.f32 $1.000000000e+00, v45  }
0x26f: {  	v39 =	vadd.f32 v40, v39;
	v55 =	vmul.f32 v6, v55;
	v6 =	vmul.f32 v12, v61;
	v40 =	vld.idx.msk [tilespmem:v5+s5+$0x0], $0xffff  }
0x270: {  	v9 =	vld.idx.msk [tilespmem:v9+s21+$0x0], $0xffff;
	v61 =	vadd.s32 $0x4B3, v49;
	v50 =	vmul.f32 v59, v1;
	v1 =	vmul.f32 v45, v1  }
0x271: {  	v52 =	vmul.f32 v52, v8;
	v47 =	vadd.f32 v47, v7;
	v38 =	vld.idx.msk [tilespmem:v53+s5+$0x0], $0xffff;
	v7 =	vmul.f32 v59, v6  }
0x272: {  	v34 =	vand.u32 $0x6F, v34;
	v10 =	vld [tilespmem:$0x1FF90];
	v4 =	vmul.f32 v50, v4;
	v58 =	vmul.f32 v1, v58  }
0x273: {  	v46 =	vadd.f32 v55, v46;
	v55 =	vmul.f32 v57, v11;
	v57 =	vadd.s32 $0x4EC, v49;
	v54 =	vld.idx.msk [tilespmem:v54+s5+$0x0], $0xffff  }
0x274: {  	v6 =	vmul.f32 v45, v6;
	v40 =	vmul.f32 v7, v40;
	v4 =	vadd.f32 v4, v58  }
0x275: {  	v39 =	vadd.f32 v48, v39;
	v9 =	vmul.f32 v9, v11;
	v11 =	vadd.s32 $0x4EF, v49  }
0x276: {  	v48 =	vld.idx.msk [tilespmem:v61+s5+$0x0], $0xffff;
	v38 =	vmul.f32 v6, v38;
	v40 =	vadd.f32 v4, v40;
	v4 =	vmul.f32 v59, v52  }
0x277: {  	v60 =	vand.u32 v10, v37;
	v56 =	vadd.s32 $0x4, v41;
	v12 =	vmul.f32 v12, v8  }
0x278: {  	v46 =	vadd.f32 v51, v46;
	v57 =	vld.idx.msk [tilespmem:v57+s5+$0x0], $0xffff;
	v38 =	vadd.f32 v40, v38;
	v61 =	vmul.f32 v4, v54  }
0x279: {  	v55 =	vadd.f32 v55, v39;
	v39 =	vmov s31;
	v40 =	vmul.f32 v45, v52  }
0x27a: {  	v47 =	vmul.f32 $1.900000000e+01, v47;
	v11 =	vld.idx.msk [tilespmem:v11+s5+$0x0], $0xffff;
	v61 =	vadd.f32 v38, v61;
	v38 =	vshll.u32 v39, $0x2  }
0x27b: {  	v39 =	vmul.f32 v59, v12;
	v48 =	vmul.f32 v40, v48;
	v38 =	vand.u32 $0xE00, v38  }
0x27c: {  	v53 =	vadd.s32 $0x1, v41;
	v9 =	vadd.f32 v9, v46;
	v34 =	vor.u32 v34, v38  }
0x27d: {  	v38 =	vmul.f32 v45, v12;
	v52 =	vadd.f32 v61, v48;
	v59 =	vmul.f32 v39, v57  }
0x27e: {  	v51 =	vtrunc.f32 v47;
	v48 =	vmul.f32 $1.900000000e+01, v55;
	v46 =	vand.u32 v62, v34  }
0x27f: {  	v45 =	vadd.s32 $0x1, v49;
	v12 =	vadd.f32 v52, v59;
	v11 =	vmul.f32 v11, v38  }
0x280: {  	v30 =	vld.idx.msk [tilespmem:v30+s5+$0x0], $0xffff;
	v0 =	vadd.f32 v3, v0;
	v51 =	vcvt.f32.s32 v51;
	v62 =	vadd.s32 $0x4, v49  }
0x281: {  	[tilespmem:v60+s20+$0x0] =	vst.idx.msk $0xffff, v44;
	v58 =	vadd.s32 $0x40, v41;
	v61 =	vtrunc.f32 v48;
	v11 =	vadd.f32 v12, v11  }
0x282: {  	vm13 =	vlt.s32 v51, $0x12;
	v44 =	vld.idx.msk [tilespmem:v53+s5+$0x0], $0xffff;
	v52 =	vcvt.f32.s32 v61;
	v12 =	vadd.s32 $0x3D, v49  }
0x283: {  	v9 =	vmul.f32 $1.900000000e+01, v9;
	v3 =	vnsel vm13, $0x12, v51;
	v54 =	vadd.s32 $0x3D, v41;
	v55 =	vld.idx.msk [tilespmem:v56+s5+$0x0], $0xffff;
	[tilespmem:v46+s20+$0x0] =	vst.idx.msk $0xffff, v11  }
0x284: {  	v61 =	vadd.s32 $0x40, v49;
	vm14 =	vlt.s32 v52, $0x12;
	v11 =	vmul.u32 $0x14, v3;
	v45 =	vld.idx.msk [tilespmem:v45+s5+$0x0], $0xffff  }
0x285: {  	v30 =	vmul.f32 v30, v31;
	v60 =	vtrunc.f32 v9;
	v31 =	vnsel vm14, $0x12, v52;
	v62 =	vld.idx.msk [tilespmem:v62+s5+$0x0], $0xffff  }
0x286: {  	v56 =	vld.idx.msk [tilespmem:v58+s5+$0x0], $0xffff;
	v59 =	vadd.s32 $0x4B1, v49;
	v46 =	vcvt.f32.s32 v60;
	v11 =	vadd.s32 v11, v31  }
0x287: {  	v51 =	vadd.f32 v30, v0;
	v0 =	vmul.u32 $0x14, v11;
	v11 =	vld.idx.msk [tilespmem:v12+s5+$0x0], $0xffff  }
0x288: {  	v60 =	vmov s28;
	vm15 =	vlt.s32 v46, $0x12;
	v12 =	vld.idx.msk [tilespmem:v54+s5+$0x0], $0xffff;
	v54 =	vadd.s32 $0x4B4, v49  }
0x289: {  	v58 =	vadd.s32 $0x4ED, v49;
	v30 =	vshll.u32 v60, $0x2;
	v53 =	vld.idx.msk [tilespmem:v61+s5+$0x0], $0xffff;
	v46 =	vnsel vm15, $0x12, v46  }
0x28a: {  	[tilespmem:$0x1FEA0] =	vst v13;
	v0 =	vadd.s32 v0, v46;
	v45 =	vmul.f32 v45, v50;
	v60 =	vmul.f32 v62, v1  }
0x28b: {  	v36 =	vand.u32 $0x7F, v36;
	v30 =	vand.u32 $0xE00, v30;
	v52 =	vmul.u32 $0x3, v0;
	v0 =	vld.idx.msk [tilespmem:v59+s5+$0x0], $0xffff  }
0x28c: {  	v59 =	vadd.s32 $0x4F0, v49;
	v45 =	vadd.f32 v60, v45;
	v11 =	vmul.f32 v11, v7  }
0x28d: {  	v44 =	vmul.f32 v44, v13;
	v60 =	vor.u32 v36, v30;
	v36 =	vld.idx.msk [tilespmem:v54+s5+$0x0], $0xffff  }
0x28e: {  	v3 =	vcvt.s32.f32 v3;
	v61 =	vmul.f32 v53, v6;
	[tilespmem:$0x1FEB0] =	vst v18;
	v11 =	vadd.f32 v11, v45  }
0x28f: {  	v55 =	vmul.f32 v55, v28;
	v31 =	vcvt.s32.f32 v31;
	v62 =	vld.idx.msk [tilespmem:v58+s5+$0x0], $0xffff  }
0x290: {  	v3 =	vsub.f32 v47, v3;
	v0 =	vmul.f32 v0, v4;
	v11 =	vadd.f32 v61, v11  }
0x291: {  	v48 =	vsub.f32 v48, v31;
	v31 =	vcvt.s32.f32 v46;
	v30 =	vadd.f32 v55, v44;
	v13 =	vld.idx.msk [tilespmem:v59+s5+$0x0], $0xffff  }
0x292: {  	v44 =	vadd.s32 $0x3, v52;
	v0 =	vadd.f32 v0, v11;
	v11 =	vmul.f32 v36, v40  }
0x293: {  	v32 =	vadd.s32 $0x2, v26;
	v46 =	vsub.f32 $1.000000000e+00, v3;
	v9 =	vsub.f32 v9, v31  }
0x294: {  	v45 =	vand.u32 $0xE68, v34;
	v0 =	vadd.f32 v11, v0;
	v11 =	vmul.f32 v62, v39  }
0x295: {  	v53 =	vmul.f32 v56, v19;
	v55 =	vadd.s32 $0x3C, v52;
	v61 =	vor.u32 v63, v45  }
0x296: {  	v56 =	vsub.f32 $1.000000000e+00, v48;
	v58 =	vld.idx.msk [tilespmem:v52+s5+$0x0], $0xffff;
	v54 =	vmul.f32 v13, v38;
	v0 =	vadd.f32 v11, v0  }
0x297: {  	v35 =	vadd.s32 $0x3E, v26;
	v33 =	vadd.s32 $0x5, v26;
	v44 =	vld.idx.msk [tilespmem:v44+s5+$0x0], $0xffff;
	v36 =	vadd.s32 $0x3F, v52  }
0x298: {  	v59 =	vsub.f32 $1.000000000e+00, v9;
	v62 =	vmul.f32 v56, v46;
	v0 =	vadd.f32 v54, v0  }
0x299: {  	v43 =	vadd.s32 $0x4B2, v26;
	v12 =	vmul.f32 v12, v18;
	[tilespmem:v25+s20+$0x0] =	vst.idx.msk $0xffff, v2;
	v11 =	vadd.s32 $0x4B0, v52  }
0x29a: {  	v55 =	vld.idx.msk [tilespmem:v55+s5+$0x0], $0xffff;
	v31 =	vmul.f32 v9, v62;
	v29 =	vmul.f32 v59, v62;
	[tilespmem:v61+s20+$0x0] =	vst.idx.msk $0xffff, v0  }
0x29b: {  	v8 =	vadd.s32 $0x4B1, v41;
	v2 =	vmul.f32 v48, v46;
	v25 =	vadd.s32 $0x4B3, v52;
	v10 =	vld [tilespmem:$0x1FFE0]  }
0x29c: {  	v12 =	vadd.f32 v12, v30;
	v13 =	vld.idx.msk [tilespmem:v36+s5+$0x0], $0xffff;
	v62 =	vmul.f32 v31, v44;
	v58 =	vmul.f32 v29, v58  }
0x29d: {  	v5 =	vadd.s32 $0x4B5, v26;
	v34 =	vmul.f32 v9, v2;
	v36 =	vmul.f32 v59, v2  }
0x29e: {  	v12 =	vadd.f32 v53, v12;
	v53 =	vadd.s32 $0x4EE, v26;
	v46 =	vadd.f32 v58, v62;
	v2 =	vld.idx.msk [tilespmem:v11+s5+$0x0], $0xffff  }
0x29f: {  	v61 =	vmul.f32 v36, v55;
	v11 =	vadd.s32 $0x4F1, v26;
	v26 =	vmul.f32 v56, v3  }
0x2a0: {  	v57 =	vadd.s32 $0x4B4, v41;
	v55 =	vor.u32 v10, v27;
	v10 =	vld.idx.msk [tilespmem:v25+s5+$0x0], $0xffff  }
0x2a1: {  	v62 =	vadd.f32 v46, v61;
	v13 =	vmul.f32 v34, v13;
	v47 =	vmul.f32 v59, v26  }
0x2a2: {  	v54 =	vadd.s32 $0x4ED, v41  }
0x2a3: {  	v44 =	vmul.f32 v9, v26;
	v26 =	vadd.f32 v62, v13;
	v2 =	vmul.f32 v47, v2  }
0x2a4: {  	v8 =	vld.idx.msk [tilespmem:v8+s5+$0x0], $0xffff  }
0x2a5: {  	v0 =	vadd.s32 $0x4EC, v52;
	v2 =	vadd.f32 v26, v2;
	v26 =	vmul.f32 v44, v10;
	v10 =	vld [tilespmem:$0x1FFE0]  }
0x2a6: {  	v18 =	vmov v19;
	v19 =	vld.idx.msk [tilespmem:v57+s5+$0x0], $0xffff;
	v27 =	vadd.s32 $0x4EF, v52  }
0x2a7: {  	v33 =	vld.idx.msk [tilespmem:v33+s5+$0x0], $0xffff;
	v3 =	vmul.f32 v48, v3  }
0x2a8: {  	v57 =	vadd.s32 $0x2, v49;
	v54 =	vld.idx.msk [tilespmem:v54+s5+$0x0], $0xffff  }
0x2a9: {  	v37 =	vand.u32 $0xE78, v37;
	v48 =	vmul.f32 v9, v3;
	v9 =	vld.idx.msk [tilespmem:v32+s5+$0x0], $0xffff  }
0x2aa: {  	v0 =	vld.idx.msk [tilespmem:v0+s5+$0x0], $0xffff;
	v10 =	vor.u32 v10, v37  }
0x2ab: {  	v61 =	vld.idx.msk [tilespmem:v27+s5+$0x0], $0xffff;
	[tilespmem:$0x1FEC0] =	vst v10;
	v10 =	vadd.s32 $0x2, v41  }
0x2ac: {  	v35 =	vld.idx.msk [tilespmem:v35+s5+$0x0], $0xffff;
	[tilespmem:$0x1FED0] =	vst v10  }
0x2ad: {  	v46 =	vmul.f32 v59, v3;
	v57 =	vld.idx.msk [tilespmem:v57+s5+$0x0], $0xffff  }
0x2ae: {  	v3 =	vadd.s32 $0x4F0, v41  }
0x2af: {  	v0 =	vmul.f32 v46, v0;
	v2 =	vadd.f32 v2, v26;
	_ =	sdelay $0x1  }
0x2b0: {  	v0 =	vadd.f32 v2, v0;
	v2 =	vadd.s32 $0x5, v41  }
0x2b1: {  	v8 =	vmul.f32 v8, v15;
	v62 =	vadd.s32 $0x5, v49;
	[tilespmem:$0x1FEE0] =	vst v2;
	v50 =	vmul.f32 v57, v50;
	v57 =	vld [tilespmem:$0x1FF30]  }
0x2b2: {  	v2 =	vld.idx.msk [tilespmem:v3+s5+$0x0], $0xffff  }
0x2b3: {  	v8 =	vadd.f32 v8, v12;
	v27 =	vmul.f32 v19, v14;
	v10 =	vadd.s32 $0x3E, v41  }
0x2b4: {  	v12 =	vadd.s32 $0x3E, v49;
	v58 =	vmul.f32 v33, v22;
	[tilespmem:$0x1FEF0] =	vst v10;
	v10 =	vld [tilespmem:$0x1FF90]  }
0x2b5: {  	v33 =	vadd.s32 $0x4B2, v41;
	v8 =	vadd.f32 v27, v8;
	v3 =	vmul.f32 v54, v16  }
0x2b6: {  	v13 =	vor.u32 v63, v37;
	v61 =	vmul.f32 v61, v48;
	v37 =	vadd.s32 $0x4B5, v41;
	v54 =	vld.idx.msk [tilespmem:v62+s5+$0x0], $0xffff;
	[tilespmem:$0x1FF10] =	vst v33  }
0x2b7: {  	v62 =	vadd.s32 $0x41, v41;
	[tilespmem:$0x1FF20] =	vst v37;
	v3 =	vadd.f32 v3, v8;
	v2 =	vmul.f32 v2, v20  }
0x2b8: {  	v9 =	vmul.f32 v9, v24;
	[tilespmem:$0x1FF00] =	vst v62  }
0x2b9: {  	v0 =	vadd.f32 v0, v61;
	v61 =	vld.idx.msk [tilespmem:v57+s5+$0x0], $0xffff;
	v57 =	vadd.f32 v2, v3;
	v2 =	vand.u32 v10, v60  }
0x2ba: {  	v32 =	vld [tilespmem:$0x1FFE0]  }
0x2bb: {  	v9 =	vadd.f32 v58, v9;
	v8 =	vadd.s32 $0x41, v49;
	v12 =	vld.idx.msk [tilespmem:v12+s5+$0x0], $0xffff  }
0x2bc: {  	v62 =	vadd.s32 $0x4B2, v49;
	v59 =	vmul.f32 v35, v23;
	v43 =	vld.idx.msk [tilespmem:v43+s5+$0x0], $0xffff;
	v1 =	vmul.f32 v54, v1  }
0x2bd: {  	v25 =	vmov v15;
	v5 =	vld.idx.msk [tilespmem:v5+s5+$0x0], $0xffff  }
0x2be: {  	v15 =	vadd.f32 v59, v9;
	v9 =	vld [tilespmem:$0x1FF40];
	v1 =	vadd.f32 v1, v50;
	v50 =	vadd.s32 $0x4B5, v49;
	[tilespmem:v2+s20+$0x0] =	vst.idx.msk $0xffff, v0  }
0x2bf: {  	v2 =	vld [tilespmem:$0x1FF60]  }
0x2c0: {  	v37 =	vadd.s32 $0x4EE, v41;
	v23 =	vadd.s32 $0x4F1, v41;
	v41 =	vor.u32 v32, v42;
	v8 =	vld.idx.msk [tilespmem:v8+s5+$0x0], $0xffff  }
0x2c1: {  	v54 =	vld.idx.msk [tilespmem:v62+s5+$0x0], $0xffff;
	v3 =	vand.u32 $0xE78, v60  }
0x2c2: {  	v10 =	vld.idx.msk [tilespmem:v11+s5+$0x0], $0xffff;
	v22 =	vor.u32 v63, v3;
	v35 =	vor.u32 v32, v3;
	v3 =	vmul.f32 v12, v7  }
0x2c3: {  	v42 =	vadd.s32 $0x4EE, v49;
	v12 =	vmul.f32 v43, v21;
	v43 =	vld.idx.msk [tilespmem:v50+s5+$0x0], $0xffff  }
0x2c4: {  	v56 =	vmovc v14;
	v58 =	vadd.s32 $0x4, v52;
	v7 =	vadd.s32 $0x1, v52;
	v59 =	vadd.f32 v3, v1;
	v1 =	vld [tilespmem:$0x1FF50];
	[tilespmem:v55+s20+$0x0] =	vst.idx.msk $0xffff, v2  }
0x2c5: {  	v14 =	vadd.s32 $0x4F1, v49;
	v6 =	vmul.f32 v8, v6;
	v19 =	vmul.f32 v61, v9;
	v2 =	vld [tilespmem:$0x1FF70];
	[tilespmem:v41+s20+$0x0] =	vst.idx.msk $0xffff, v51  }
0x2c6: {  	v62 =	vadd.s32 $0x3E, v52;
	v49 =	vadd.s32 $0x4B5, v52;
	v63 =	vadd.s32 $0x3D, v52;
	v61 =	vld.idx.msk [tilespmem:v53+s5+$0x0], $0xffff;
	[tilespmem:v13+s20+$0x0] =	vst.idx.msk $0xffff, v57  }
0x2c7: {  	v8 =	vadd.s32 $0x4B1, v52;
	v33 =	vadd.f32 v19, v15;
	v19 =	vadd.f32 v6, v59;
	v6 =	vld [tilespmem:$0x1FF80]  }
0x2c8: {  	v11 =	vadd.s32 $0x4F0, v52;
	v4 =	vmul.f32 v54, v4;
	v21 =	vld.idx.msk [tilespmem:v42+s5+$0x0], $0xffff;
	v0 =	vadd.s32 $0x4ED, v52  }
0x2c9: {  	v60 =	vadd.s32 $0x5, v52;
	v54 =	vadd.s32 $0x41, v52;
	v50 =	vadd.s32 $0x4EE, v52;
	v7 =	vld.idx.msk [tilespmem:v7+s5+$0x0], $0xffff  }
0x2ca: {  	v3 =	vadd.s32 $0x4B4, v52;
	v9 =	vadd.s32 $0x40, v52;
	v53 =	vadd.s32 $0x2, v52;
	v42 =	vld.idx.msk [tilespmem:v58+s5+$0x0], $0xffff  }
0x2cb: {  	v1 =	vmul.f32 v5, v1;
	v5 =	vadd.f32 v12, v33;
	v55 =	vld.idx.msk [tilespmem:v63+s5+$0x0], $0xffff;
	v51 =	vadd.s32 $0x4B2, v52  }
0x2cc: {  	s26 =	simm.s32 $0x4;
	s28 =	simm.s32 $0x70;
	v41 =	vld.idx.msk [tilespmem:v14+s5+$0x0], $0xffff;
	v52 =	vadd.s32 $0x4F1, v52;
	v2 =	vmul.f32 v61, v2;
	v61 =	vmovc v20;
	v57 =	vmul.f32 v10, v6  }
.LBB2_25:
0x2cd: {  	v0 =	vld.idx.msk [tilespmem:v0+s5+$0x0], $0xffff;
	_ =	sdelay $0x1  }
0x2ce: {  	s29 =	sadd.s32 $0xFFFFFFF0, s28;
	v30 =	vmovc v46;
	v46 =	vld.idx.msk [tilespmem:v8+s5+$0x0], $0xffff;
	v8 =	vmov v48;
	v19 =	vadd.f32 v4, v19;
	v20 =	vmul.f32 v43, v40  }
0x2cf: {  	v4 =	vor.u32 s29, v17;
	[tilespmem:$0x1FDD0] =	vst v8;
	v39 =	vmul.f32 v21, v39;
	v21 =	vld.idx.msk [tilespmem:v3+s5+$0x0], $0xffff;
	v3 =	vmov v25  }
0x2d0: {  	v6 =	vld.idx.msk [tilespmem:v9+s5+$0x0], $0xffff;
	v9 =	vmov s28;
	v8 =	vshll.u32 v4, $0x4;
	[tilespmem:$0x1FE30] =	vst v3;
	v43 =	vadd.f32 v20, v19  }
0x2d1: {  	v38 =	vmul.f32 v41, v38;
	v45 =	vor.u32 v32, v45;
	v3 =	vor.u32 $0x2, v8;
	[tilespmem:$0x1FDE0] =	vst v0;
	v0 =	vmovc v56  }
0x2d2: {  	v41 =	vld.idx.msk [tilespmem:v11+s5+$0x0], $0xffff;
	s24 =	sadd.s32 $0x20, s24;
	v9 =	vshll.u32 v9, $0x2;
	[tilespmem:$0x1FE40] =	vst v0;
	v0 =	vor.u32 $0x6, v8;
	v39 =	vadd.f32 v39, v43  }
0x2d3: {  	v12 =	vor.u32 s28, v17;
	s25 =	sadd.s32 $0x20, s25;
	v11 =	vld [tilespmem:s24+$0xFFFFFFF0];
	v9 =	vand.u32 $0xE00, v9  }
0x2d4: {  	v40 =	vshll.u32 v12, $0x4;
	v12 =	vand.u32 $0x7F, v12;
	v56 =	vld [tilespmem:s25+$0xFFFFFFF0];
	v38 =	vadd.f32 v38, v39  }
0x2d5: {  	v7 =	vmul.f32 v7, v29;
	v63 =	vor.u32 $0x9, v40;
	v9 =	vor.u32 v12, v9;
	v39 =	vld.idx.msk [tilespmem:v8+s21+$0x0], $0xffff  }
0x2d6: {  	v12 =	vmul.f32 v42, v31;
	v43 =	vor.u32 $0x3, v8;
	v3 =	vld.idx.msk [tilespmem:v3+s21+$0x0], $0xffff;
	[tilespmem:v45+s20+$0x0] =	vst.idx.msk $0xffff, v38  }
0x2d7: {  	v38 =	vld.idx.msk [tilespmem:v0+s21+$0x0], $0xffff;
	v0 =	vor.u32 $0x7, v8  }
0x2d8: {  	v55 =	vmul.f32 v55, v36;
	v7 =	vadd.f32 v12, v7  }
0x2d9: {  	v10 =	vmov v61;
	v61 =	vor.u32 $0x4, v8  }
0x2da: {  	v58 =	vor.u32 $0x1, v8;
	v7 =	vadd.f32 v55, v7;
	v55 =	vld.idx.msk [tilespmem:v63+s21+$0x0], $0xffff  }
0x2db: {  	v15 =	vor.u32 $0x5, v8;
	v43 =	vld.idx.msk [tilespmem:v43+s21+$0x0], $0xffff  }
0x2dc: {  	[tilespmem:$0x1FE10] =	vst v18;
	v1 =	vadd.f32 v1, v5;
	v18 =	vor.u32 $0x9, v8;
	v27 =	vld.idx.msk [tilespmem:v0+s21+$0x0], $0xffff  }
0x2dd: {  	v26 =	vor.u32 $0x8, v8;
	v17 =	vsub.f32 $1.000000000e+00, v11;
	v24 =	vsub.f32 $1.000000000e+00, v56;
	v0 =	vld [tilespmem:$0x1FF90]  }
0x2de: {  	v25 =	vor.u32 $0xA, v8;
	v61 =	vld.idx.msk [tilespmem:v61+s21+$0x0], $0xffff  }
0x2df: {  	v1 =	vadd.f32 v2, v1;
	v42 =	vmul.f32 v24, v17;
	v58 =	vld.idx.msk [tilespmem:v58+s21+$0x0], $0xffff;
	v8 =	vor.u32 $0xB, v8  }
0x2e0: {  	[tilespmem:$0x1FE00] =	vst v22;
	v48 =	vor.u32 $0x3, v40;
	v13 =	vor.u32 $0x7, v40;
	v17 =	vmul.f32 v56, v17;
	v22 =	vld.idx.msk [tilespmem:v15+s21+$0x0], $0xffff  }
0x2e1: {  	v14 =	vor.u32 $0x2, v40;
	v24 =	vmul.f32 v24, v11;
	v18 =	vld.idx.msk [tilespmem:v18+s21+$0x0], $0xffff;
	v12 =	vmul.f32 v42, v39  }
0x2e2: {  	v26 =	vld.idx.msk [tilespmem:v26+s21+$0x0], $0xffff;
	v3 =	vmul.f32 v3, v42;
	v39 =	vmul.f32 v43, v17;
	v0 =	vand.u32 v0, v9  }
0x2e3: {  	v43 =	vld.idx.msk [tilespmem:v25+s21+$0x0], $0xffff;
	v61 =	vmul.f32 v61, v17;
	[tilespmem:$0x1FDF0] =	vst v0;
	v0 =	vand.u32 $0xE78, v9;
	v9 =	vmul.f32 v56, v11  }
0x2e4: {  	v8 =	vld.idx.msk [tilespmem:v8+s21+$0x0], $0xffff;
	v12 =	vadd.f32 v39, v12;
	v11 =	vmul.f32 v38, v24;
	v38 =	vmul.f32 v58, v42  }
0x2e5: {  	v33 =	vmovc v47;
	v47 =	vor.u32 $0x1, v40;
	v17 =	vmul.f32 v22, v17;
	v39 =	vmul.f32 v27, v24;
	v27 =	vld [tilespmem:s25+$0x0]  }
0x2e6: {  	v59 =	vor.u32 $0x4, v40;
	v56 =	vld [tilespmem:s24+$0x0];
	v5 =	vadd.f32 v11, v12;
	v11 =	vadd.f32 v61, v38  }
0x2e7: {  	[tilespmem:$0x1FE80] =	vst v10;
	v10 =	vor.u32 $0x5, v40;
	v13 =	vld.idx.msk [tilespmem:v13+s21+$0x0], $0xffff;
	v3 =	vadd.f32 v17, v3;
	v17 =	vmul.f32 v26, v24  }
0x2e8: {  	v15 =	vld [tilespmem:$0x1FFF0];
	v18 =	vmul.f32 v18, v9;
	v43 =	vmul.f32 v43, v9;
	v11 =	vadd.f32 v39, v11  }
0x2e9: {  	v6 =	vmul.f32 v6, v34;
	v20 =	vmovc v28;
	v28 =	vor.u32 $0xA, v40;
	v14 =	vld.idx.msk [tilespmem:v14+s21+$0x0], $0xffff;
	v3 =	vadd.f32 v17, v3  }
0x2ea: {  	v45 =	vor.u32 $0x8, v40;
	v22 =	vld.idx.msk [tilespmem:v48+s21+$0x0], $0xffff;
	v5 =	vadd.f32 v18, v5;
	v11 =	vadd.f32 v43, v11  }
0x2eb: {  	v8 =	vmul.f32 v8, v9;
	v18 =	vld.idx.msk [tilespmem:v40+s21+$0x0], $0xffff;
	v9 =	vsub.f32 $1.000000000e+00, v27;
	v24 =	vsub.f32 $1.000000000e+00, v56  }
0x2ec: {  	[tilespmem:$0x1FE60] =	vst v16;
	v16 =	vor.u32 $0xB, v40;
	v12 =	vmul.f32 $1.900000000e+01, v5;
	v5 =	vld.idx.msk [tilespmem:v47+s21+$0x0], $0xffff;
	v11 =	vmul.f32 $1.900000000e+01, v11  }
0x2ed: {  	v10 =	vld.idx.msk [tilespmem:v10+s21+$0x0], $0xffff;
	v25 =	vor.u32 v15, v0;
	v3 =	vadd.f32 v8, v3;
	v8 =	vmul.f32 v9, v24  }
0x2ee: {  	v17 =	vld.idx.msk [tilespmem:v59+s21+$0x0], $0xffff;
	v61 =	vadd.f32 v6, v7;
	v24 =	vmul.f32 v27, v24;
	v7 =	vtrunc.f32 v11  }
0x2ef: {  	v19 =	vmovc v44;
	v44 =	vor.u32 $0x6, v40;
	v40 =	vld.idx.msk [tilespmem:v45+s21+$0x0], $0xffff;
	v3 =	vmul.f32 $1.900000000e+01, v3;
	v2 =	vcvt.f32.s32 v7  }
0x2f0: {  	v7 =	vmul.f32 v8, v18;
	v18 =	vmul.f32 v22, v24;
	v22 =	vld.idx.msk [tilespmem:v28+s21+$0x0], $0xffff  }
0x2f1: {  	[tilespmem:$0x1FE20] =	vst v25;
	v25 =	vmovc v53;
	v28 =	vtrunc.f32 v3;
	v47 =	vmul.f32 v5, v8;
	v5 =	vld [tilespmem:$0x1FED0];
	vm11 =	vlt.s32 v2, $0x12  }
0x2f2: {  	[tilespmem:$0x1FED0] =	vst v25;
	v25 =	vld [tilespmem:$0x1FF00];
	v45 =	vnsel vm11, $0x12, v2;
	v2 =	vcvt.f32.s32 v28  }
0x2f3: {  	v16 =	vld.idx.msk [tilespmem:v16+s21+$0x0], $0xffff;
	v9 =	vmul.f32 v9, v56  }
0x2f4: {  	v48 =	vtrunc.f32 v12;
	v18 =	vadd.f32 v18, v7;
	v7 =	vld [tilespmem:$0x1FEE0];
	vm12 =	vlt.s32 v2, $0x12  }
0x2f5: {  	v6 =	vcvt.f32.s32 v48;
	v17 =	vmul.f32 v17, v24;
	v48 =	vnsel vm12, $0x12, v2;
	v2 =	vld [tilespmem:$0x1FEF0]  }
0x2f6: {  	v26 =	vld.idx.msk [tilespmem:v44+s21+$0x0], $0xffff;
	v10 =	vmul.f32 v10, v24;
	v8 =	vmul.f32 v14, v8  }
0x2f7: {  	v59 =	vld [tilespmem:$0x1FF20];
	v13 =	vmul.f32 v13, v9;
	vm0 =	vlt.s32 v6, $0x12;
	v17 =	vadd.f32 v17, v47  }
0x2f8: {  	v6 =	vnsel vm0, $0x12, v6;
	v8 =	vadd.f32 v10, v8;
	v10 =	vld [tilespmem:$0x1FE90]  }
0x2f9: {  	v63 =	vmul.u32 $0x14, v6;
	v13 =	vadd.f32 v13, v17;
	v17 =	vld.idx.msk [tilespmem:v37+s5+$0x0], $0xffff  }
0x2fa: {  	v58 =	vld.idx.msk [tilespmem:v25+s5+$0x0], $0xffff  }
0x2fb: {  	v28 =	vadd.s32 v63, v45;
	v25 =	vld [tilespmem:$0x1FF10]  }
0x2fc: {  	v28 =	vmul.u32 $0x14, v28;
	v63 =	vld.idx.msk [tilespmem:v7+s5+$0x0], $0xffff;
	v7 =	vmov v60  }
0x2fd: {  	[tilespmem:$0x1FEE0] =	vst v7;
	v7 =	vld.idx.msk [tilespmem:v2+s5+$0x0], $0xffff;
	v2 =	vmov v62  }
0x2fe: {  	v24 =	vld [tilespmem:$0x1FEC0];
	[tilespmem:$0x1FEF0] =	vst v2;
	v2 =	vadd.s32 v28, v48  }
0x2ff: {  	v27 =	vmul.f32 v27, v56;
	v26 =	vmul.f32 v26, v9;
	[tilespmem:$0x1FE70] =	vst v17;
	v17 =	vmovc v51;
	v2 =	vmul.u32 $0x3, v2  }
0x300: {  	v14 =	vld.idx.msk [tilespmem:v59+s5+$0x0], $0xffff;
	v6 =	vcvt.s32.f32 v6;
	[tilespmem:$0x1FF10] =	vst v17;
	v17 =	vcvt.s32.f32 v45  }
0x301: {  	v1 =	vadd.f32 v57, v1;
	v59 =	vld.idx.msk [tilespmem:v23+s5+$0x0], $0xffff;
	v18 =	vadd.f32 v26, v18;
	v60 =	vadd.s32 $0x3, v2  }
0x302: {  	v26 =	vmul.f32 v55, v27;
	v12 =	vsub.f32 v12, v6;
	v5 =	vld.idx.msk [tilespmem:v5+s5+$0x0], $0xffff;
	v11 =	vsub.f32 v11, v17  }
0x303: {  	v24 =	vmov v24;
	v55 =	vld.idx.msk [tilespmem:v25+s5+$0x0], $0xffff;
	[tilespmem:v10+s20+$0x0] =	vst.idx.msk $0xffff, v1;
	v1 =	vcvt.s32.f32 v48;
	v10 =	vadd.s32 $0x3C, v2  }
0x304: {  	v6 =	vmul.f32 v40, v9;
	v9 =	vmovc v49;
	v22 =	vmul.f32 v22, v27;
	[tilespmem:$0x1FE90] =	vst v24;
	v24 =	vsub.f32 $1.000000000e+00, v11  }
0x305: {  	[tilespmem:$0x1FF20] =	vst v9;
	v3 =	vsub.f32 v3, v1;
	v17 =	vadd.s32 $0x3F, v2;
	v1 =	vsub.f32 $1.000000000e+00, v12;
	v9 =	vld.idx.msk [tilespmem:v2+s5+$0x0], $0xffff  }
0x306: {  	v23 =	vmov v35;
	[tilespmem:$0x1FE50] =	vst v14;
	v6 =	vadd.f32 v6, v8;
	v13 =	vadd.f32 v22, v13;
	v14 =	vld.idx.msk [tilespmem:v60+s5+$0x0], $0xffff  }
0x307: {  	[tilespmem:$0x1FEC0] =	vst v23;
	v23 =	vadd.s32 $0x4B0, v2;
	v8 =	vmul.f32 v24, v1;
	v22 =	vsub.f32 $1.000000000e+00, v3  }
0x308: {  	v16 =	vmul.f32 v16, v27;
	v27 =	vmul.f32 v11, v1;
	v10 =	vld.idx.msk [tilespmem:v10+s5+$0x0], $0xffff  }
0x309: {  	v28 =	vadd.s32 $0x4B3, v2;
	v49 =	vmul.f32 v22, v8;
	v1 =	vmul.f32 v3, v8  }
0x30a: {  	v57 =	vmov v50;
	v50 =	vmul.f32 v22, v27;
	v8 =	vld.idx.msk [tilespmem:v17+s5+$0x0], $0xffff  }
0x30b: {  	v16 =	vadd.f32 v16, v6;
	v6 =	vmul.f32 v49, v9;
	v9 =	vmul.f32 v1, v14  }
0x30c: {  	v35 =	vor.u32 v32, v0;
	v0 =	vmul.f32 v24, v12;
	v62 =	vld.idx.msk [tilespmem:v23+s5+$0x0], $0xffff  }
0x30d: {  	v37 =	vmovc v52;
	v52 =	vmul.f32 v3, v27;
	v10 =	vmul.f32 v50, v10;
	v9 =	vadd.f32 v6, v9  }
0x30e: {  	v17 =	vadd.s32 $0x4EC, v2;
	v27 =	vld.idx.msk [tilespmem:v28+s5+$0x0], $0xffff  }
0x30f: {  	v8 =	vmul.f32 v52, v8;
	v6 =	vmul.f32 v22, v0;
	v9 =	vadd.f32 v9, v10  }
0x310: {  	v18 =	vadd.f32 v26, v18;
	v24 =	vadd.s32 $0x4EF, v2  }
0x311: {  	v40 =	vmul.f32 v3, v0;
	v0 =	vadd.f32 v9, v8;
	v8 =	vmul.f32 v6, v62  }
0x312: {  	v18 =	vmul.f32 $1.900000000e+01, v18  }
0x313: {  	v0 =	vadd.f32 v0, v8;
	v8 =	vmul.f32 v40, v27  }
0x314: {  	v4 =	vand.u32 $0x6F, v4;
	v13 =	vmul.f32 $1.900000000e+01, v13;
	v26 =	vtrunc.f32 v18;
	v10 =	vld.idx.msk [tilespmem:v17+s5+$0x0], $0xffff  }
0x315: {  	v26 =	vcvt.f32.s32 v26;
	v11 =	vmul.f32 v11, v12;
	v0 =	vadd.f32 v0, v8;
	v8 =	vld [tilespmem:$0x1FFD0]  }
0x316: {  	v16 =	vmul.f32 $1.900000000e+01, v16;
	v45 =	vtrunc.f32 v13;
	v28 =	vmov s29;
	v9 =	vld.idx.msk [tilespmem:v24+s5+$0x0], $0xffff  }
0x317: {  	vm13 =	vlt.s32 v26, $0x12;
	v39 =	vmul.f32 v22, v11;
	v48 =	vshll.u32 v28, $0x2  }
0x318: {  	v47 =	vcvt.f32.s32 v45;
	v51 =	vnsel vm13, $0x12, v26;
	v12 =	vand.u32 $0xE00, v48  }
0x319: {  	v38 =	vmul.f32 v3, v11;
	v17 =	vor.u32 v4, v12;
	v3 =	vmul.f32 v39, v10  }
0x31a: {  	vm14 =	vlt.s32 v47, $0x12;
	v53 =	vadd.s32 $0x4, v2;
	v8 =	vand.u32 v8, v17  }
0x31b: {  	v0 =	vadd.f32 v0, v3;
	v3 =	vmul.f32 v9, v38;
	v9 =	vadd.s32 $0x1, v2  }
0x31c: {  	v25 =	vmovc v54;
	v54 =	vadd.s32 $0x3D, v2;
	v11 =	vtrunc.f32 v16;
	v4 =	vmul.u32 $0x14, v51  }
0x31d: {  	v11 =	vcvt.f32.s32 v11;
	v10 =	vnsel vm14, $0x12, v47;
	v0 =	vadd.f32 v0, v3  }
0x31e: {  	v44 =	vadd.s32 $0x4ED, v2;
	v4 =	vadd.s32 v4, v10;
	v10 =	vcvt.s32.f32 v10  }
0x31f: {  	v60 =	vadd.s32 $0x4B1, v2;
	vm15 =	vlt.s32 v11, $0x12;
	v3 =	vcvt.s32.f32 v51;
	[tilespmem:v8+s20+$0x0] =	vst.idx.msk $0xffff, v0  }
0x320: {  	v4 =	vmul.u32 $0x14, v4;
	v10 =	vsub.f32 v13, v10;
	v8 =	vld.idx.msk [tilespmem:v9+s5+$0x0], $0xffff;
	v9 =	vadd.s32 $0x40, v2  }
0x321: {  	v27 =	vadd.s32 $0x4B4, v2;
	v0 =	vsub.f32 v18, v3;
	v3 =	vnsel vm15, $0x12, v11;
	v11 =	vld.idx.msk [tilespmem:v53+s5+$0x0], $0xffff  }
0x322: {  	v22 =	vsub.f32 $1.000000000e+00, v10;
	v18 =	vmul.f32 v46, v33;
	v4 =	vadd.s32 v4, v3  }
0x323: {  	v3 =	vcvt.s32.f32 v3;
	v14 =	vld.idx.msk [tilespmem:v54+s5+$0x0], $0xffff;
	v4 =	vmul.u32 $0x3, v4;
	v56 =	vsub.f32 $1.000000000e+00, v0  }
0x324: {  	v62 =	vadd.s32 $0x4F0, v2;
	v24 =	vmul.f32 v10, v0;
	v0 =	vmul.f32 v22, v0  }
0x325: {  	v3 =	vsub.f32 v16, v3;
	v16 =	vadd.s32 $0x3, v4;
	v28 =	vmul.f32 v22, v56;
	v9 =	vld.idx.msk [tilespmem:v9+s5+$0x0], $0xffff  }
0x326: {  	v26 =	vadd.s32 $0x3C, v4;
	v8 =	vmul.f32 v8, v49;
	v11 =	vmul.f32 v11, v1  }
0x327: {  	[tilespmem:$0x1FF00] =	vst v25;
	v13 =	vld.idx.msk [tilespmem:v60+s5+$0x0], $0xffff;
	v42 =	vadd.s32 $0x3F, v4;
	v10 =	vmul.f32 v10, v56;
	v43 =	vsub.f32 $1.000000000e+00, v3  }
0x328: {  	v60 =	vld.idx.msk [tilespmem:v27+s5+$0x0], $0xffff;
	v48 =	vmul.f32 v3, v24;
	v8 =	vadd.f32 v11, v8;
	v11 =	vmul.f32 v14, v50  }
0x329: {  	v25 =	vmovc v33;
	v45 =	vadd.s32 $0x4B0, v4;
	v12 =	vmul.f32 v3, v10;
	v33 =	vmul.f32 v43, v10;
	v10 =	vld.idx.msk [tilespmem:v4+s5+$0x0], $0xffff  }
0x32a: {  	v32 =	vmul.f32 v3, v28;
	v16 =	vld.idx.msk [tilespmem:v16+s5+$0x0], $0xffff;
	v8 =	vadd.f32 v11, v8;
	v9 =	vmul.f32 v9, v52  }
0x32b: {  	v53 =	vadd.s32 $0x4EC, v4;
	v46 =	vmul.f32 v43, v24;
	v47 =	vmul.f32 v43, v0;
	v11 =	vld.idx.msk [tilespmem:v44+s5+$0x0], $0xffff  }
0x32c: {  	v24 =	vld.idx.msk [tilespmem:v26+s5+$0x0], $0xffff;
	v44 =	vmul.f32 v3, v0;
	v3 =	vmul.f32 v13, v6;
	v0 =	vadd.f32 v9, v8  }
0x32d: {  	v51 =	vadd.s32 $0x4B3, v4;
	v28 =	vmul.f32 v43, v28;
	v13 =	vld.idx.msk [tilespmem:v62+s5+$0x0], $0xffff  }
0x32e: {  	v14 =	vmul.f32 v60, v40;
	v42 =	vld.idx.msk [tilespmem:v42+s5+$0x0], $0xffff;
	v62 =	vadd.f32 v3, v0  }
0x32f: {  	v10 =	vmul.f32 v28, v10;
	v16 =	vmul.f32 v32, v16  }
0x330: {  	v60 =	vld.idx.msk [tilespmem:v45+s5+$0x0], $0xffff;
	v45 =	vand.u32 $0xE68, v17;
	v11 =	vmul.f32 v11, v39;
	v14 =	vadd.f32 v14, v62  }
0x331: {  	v17 =	vld.idx.msk [tilespmem:v53+s5+$0x0], $0xffff;
	v10 =	vadd.f32 v10, v16;
	v16 =	vmul.f32 v33, v24;
	v62 =	vor.u32 v15, v45  }
0x332: {  	v22 =	vadd.s32 $0x4EF, v4;
	v51 =	vld.idx.msk [tilespmem:v51+s5+$0x0], $0xffff;
	v13 =	vmul.f32 v13, v38;
	v11 =	vadd.f32 v11, v14  }
0x333: {  	v15 =	vld [tilespmem:$0x1FDE0];
	v10 =	vadd.f32 v10, v16;
	v16 =	vmul.f32 v12, v42  }
0x334: {  	v13 =	vadd.f32 v13, v11  }
0x335: {  	v42 =	vmul.f32 v47, v60;
	v14 =	vadd.s32 $0x2, v2;
	v10 =	vadd.f32 v10, v16  }
0x336: {  	[tilespmem:v62+s20+$0x0] =	vst.idx.msk $0xffff, v13;
	v13 =	vmul.f32 v46, v17;
	v17 =	vadd.f32 v18, v61;
	v18 =	vadd.s32 $0x41, v2  }
0x337: {  	v22 =	vld.idx.msk [tilespmem:v22+s5+$0x0], $0xffff;
	v16 =	vmul.f32 v44, v51;
	v10 =	vadd.f32 v10, v42  }
0x338: {  	v21 =	vmul.f32 v21, v19;
	v56 =	vmovc v19;
	v24 =	vadd.s32 $0x5, v2;
	v19 =	vmul.f32 v15, v30;
	v15 =	vld [tilespmem:$0x1FDF0]  }
0x339: {  	v61 =	vld [tilespmem:$0x1FDD0];
	v10 =	vadd.f32 v10, v16  }
0x33a: {  	v54 =	vadd.s32 $0x3E, v2;
	v14 =	vld.idx.msk [tilespmem:v14+s5+$0x0], $0xffff  }
0x33b: {  	v10 =	vadd.f32 v10, v13;
	v13 =	vld.idx.msk [tilespmem:v18+s5+$0x0], $0xffff  }
0x33c: {  	v18 =	vmul.f32 v63, v20;
	v20 =	vld [tilespmem:$0x1FEB0]  }
0x33d: {  	v24 =	vld.idx.msk [tilespmem:v24+s5+$0x0], $0xffff;
	_ =	sdelay $0x1  }
0x33e: {  	v22 =	vmul.f32 v22, v48;
	v16 =	vmul.f32 v41, v61;
	v41 =	vld.idx.msk [tilespmem:v54+s5+$0x0], $0xffff;
	_ =	sdelay $0x1  }
0x33f: {  	v27 =	vadd.s32 $0x4, v4;
	v10 =	vadd.f32 v10, v22;
	v22 =	vmul.f32 v7, v20;
	v7 =	vmovc v36  }
0x340: {  	v23 =	vadd.s32 $0x3D, v4;
	v1 =	vmul.f32 v24, v1;
	[tilespmem:$0x1FEB0] =	vst v7;
	v7 =	vmul.f32 v14, v49  }
0x341: {  	v26 =	vadd.s32 $0x1, v4;
	v53 =	vadd.s32 $0x2, v4;
	v9 =	vadd.s32 $0x40, v4  }
0x342: {  	v42 =	vadd.s32 $0x4B2, v2;
	[tilespmem:v15+s20+$0x0] =	vst.idx.msk $0xffff, v10;
	v10 =	vmul.f32 v41, v50;
	v1 =	vadd.f32 v1, v7  }
0x343: {  	v8 =	vadd.s32 $0x4B1, v4;
	v3 =	vadd.s32 $0x4B4, v4;
	v0 =	vadd.s32 $0x4ED, v4  }
0x344: {  	v60 =	vadd.s32 $0x5, v4;
	v51 =	vmovc v29;
	v17 =	vadd.f32 v21, v17;
	v10 =	vadd.f32 v10, v1;
	v1 =	vld [tilespmem:$0x1FE30]  }
0x345: {  	v43 =	vld [tilespmem:$0x1FEA0];
	v11 =	vadd.s32 $0x4F0, v4;
	[tilespmem:$0x1FEA0] =	vst v51;
	v51 =	vadd.s32 $0x4B2, v4;
	v62 =	vadd.s32 $0x3E, v4  }
0x346: {  	v21 =	vadd.s32 $0x4B5, v2;
	v17 =	vadd.f32 v19, v17;
	v19 =	vadd.s32 $0x4EE, v2  }
0x347: {  	v2 =	vadd.s32 $0x4F1, v2;
	v54 =	vadd.s32 $0x41, v4;
	v63 =	vld.idx.msk [tilespmem:v42+s5+$0x0], $0xffff;
	v50 =	vadd.s32 $0x4EE, v4  }
0x348: {  	v13 =	vmul.f32 v13, v52;
	v52 =	vadd.s32 $0x4F1, v4;
	v49 =	vadd.s32 $0x4B5, v4;
	v4 =	vld [tilespmem:$0x1FE50]  }
0x349: {  	v20 =	vmul.f32 v55, v1;
	v1 =	vld [tilespmem:$0x1FE40]  }
0x34a: {  	v7 =	vld [tilespmem:$0x1FE00];
	_ =	sdelay $0x1  }
0x34b: {  	v41 =	vld.idx.msk [tilespmem:v2+s5+$0x0], $0xffff  }
0x34c: {  	v2 =	vld [tilespmem:$0x1FE60]  }
0x34d: {  	v1 =	vmul.f32 v4, v1;
	v4 =	vmul.f32 v63, v6;
	v6 =	vld [tilespmem:$0x1FE70]  }
0x34e: {  	v15 =	vld [tilespmem:$0x1FE10]  }
0x34f: {  	v5 =	vmul.f32 v5, v43;
	v16 =	vadd.f32 v16, v17  }
0x350: {  	v43 =	vld.idx.msk [tilespmem:v21+s5+$0x0], $0xffff  }
0x351: {  	s26 =	sadd.s32 $0x2, s26;
	v5 =	vadd.f32 v18, v5;
	[tilespmem:v7+s20+$0x0] =	vst.idx.msk $0xffff, v16;
	v16 =	vld [tilespmem:$0x1FE20]  }
0x352: {  	p0 =	slt.u32 s26, $0x3E;
	v2 =	vmul.f32 v6, v2;
	v6 =	vld [tilespmem:$0x1FE80]  }
.Ltmp15:
0x353: {  	v21 =	vld.idx.msk [tilespmem:v19+s5+$0x0], $0xffff;
	v5 =	vadd.f32 v22, v5;
	v15 =	vmul.f32 v58, v15;
	(pc) =	sbr.rel @p0 .LBB2_25-.Ltmp15, $4  }
0x354: {  	v7 =	vld.idx.msk [tilespmem:v26+s5+$0x0], $0xffff  }
0x355: {  	v29 =	vmovc v28;
	v28 =	vmovc v31;
	v31 =	vmov v32;
	v17 =	vlaneseq.u32;
	v5 =	vadd.f32 v15, v5;
	v42 =	vld.idx.msk [tilespmem:v27+s5+$0x0], $0xffff  }
0x356: {  	v18 =	vmovc v34;
	v34 =	vmovc v12;
	v36 =	vmov v33;
	v19 =	vadd.f32 v13, v10;
	v55 =	vld.idx.msk [tilespmem:v23+s5+$0x0], $0xffff;
	v23 =	vmov v37  }
0x357: {  	s28 =	sadd.s32 $0x20, s28;
	v32 =	vld [tilespmem:$0x1FFE0];
	v37 =	vmovc v57;
	v5 =	vadd.f32 v20, v5;
	v22 =	vmovc v16;
	v16 =	vmov v30;
	v57 =	vmul.f32 v59, v6  }
0x358: {  	_ =	sdelay $0x3  }
0x359: {  	v6 =	vld.idx.msk [tilespmem:v9+s5+$0x0], $0xffff  }
0x35a: {  	v7 =	vmul.f32 v7, v29;
	v42 =	vmul.f32 v42, v31  }
0x35b: {  	v8 =	vld.idx.msk [tilespmem:v8+s5+$0x0], $0xffff  }
0x35c: {  	v58 =	vmul.f32 v55, v36;
	v7 =	vadd.f32 v42, v7  }
0x35d: {  	v3 =	vld.idx.msk [tilespmem:v3+s5+$0x0], $0xffff  }
0x35e: {  	v6 =	vmul.f32 v6, v34;
	v7 =	vadd.f32 v58, v7  }
0x35f: {  	v0 =	vld.idx.msk [tilespmem:v0+s5+$0x0], $0xffff  }
0x360: {  	v59 =	vmul.f32 v8, v47;
	v6 =	vadd.f32 v6, v7  }
0x361: {  	v63 =	vld.idx.msk [tilespmem:v11+s5+$0x0], $0xffff  }
0x362: {  	v14 =	vld [tilespmem:$0x1FEE0];
	v3 =	vmul.f32 v3, v44;
	v6 =	vadd.f32 v59, v6;
	_ =	sdelay $0x1  }
0x363: {  	v0 =	vmul.f32 v0, v46;
	v3 =	vadd.f32 v3, v6;
	_ =	sdelay $0x1  }
0x364: {  	v13 =	vld [tilespmem:$0x1FED0];
	v12 =	vmul.f32 v63, v48;
	v0 =	vadd.f32 v0, v3;
	_ =	sdelay $0x1  }
0x365: {  	v0 =	vadd.f32 v12, v0;
	_ =	sdelay $0x1  }
0x366: {  	v6 =	vld.idx.msk [tilespmem:v14+s5+$0x0], $0xffff;
	[tilespmem:v22+s20+$0x0] =	vst.idx.msk $0xffff, v0  }
0x367: {  	v14 =	vld [tilespmem:$0x1FF20];
	_ =	sdelay $0x2  }
0x368: {  	v3 =	vld.idx.msk [tilespmem:v13+s5+$0x0], $0xffff  }
0x369: {  	v0 =	vld.idx.msk [tilespmem:v53+s5+$0x0], $0xffff  }
0x36a: {  	v22 =	vld.idx.msk [tilespmem:v60+s5+$0x0], $0xffff  }
0x36b: {  	v24 =	vld [tilespmem:$0x1FEF0]  }
0x36c: {  	v26 =	vld.idx.msk [tilespmem:v62+s5+$0x0], $0xffff  }
0x36d: {  	v14 =	vld.idx.msk [tilespmem:v14+s5+$0x0], $0xffff  }
0x36e: {  	v4 =	vadd.f32 v4, v19;
	v33 =	vmul.f32 v43, v40;
	v10 =	vld [tilespmem:$0x1FF00]  }
0x36f: {  	v12 =	vld [tilespmem:$0x1FF10]  }
0x370: {  	v4 =	vadd.f32 v33, v4;
	v40 =	vld.idx.msk [tilespmem:v49+s5+$0x0], $0xffff;
	v49 =	vmul.f32 v21, v39  }
0x371: {  	v7 =	vmul.f32 v22, v31;
	v31 =	vld.idx.msk [tilespmem:v51+s5+$0x0], $0xffff;
	v51 =	vor.u32 v32, v45  }
0x372: {  	v27 =	vld [tilespmem:$0x1FEA0];
	v4 =	vadd.f32 v49, v4;
	v53 =	vmul.f32 v14, v56;
	v56 =	vmul.f32 v41, v38  }
0x373: {  	v30 =	vld.idx.msk [tilespmem:v54+s5+$0x0], $0xffff  }
0x374: {  	v13 =	vld [tilespmem:$0x1FEB0];
	v4 =	vadd.f32 v56, v4  }
0x375: {  	v8 =	vld.idx.msk [tilespmem:v24+s5+$0x0], $0xffff  }
0x376: {  	v10 =	vld.idx.msk [tilespmem:v10+s5+$0x0], $0xffff;
	[tilespmem:v51+s20+$0x0] =	vst.idx.msk $0xffff, v4  }
0x377: {  	v0 =	vmul.f32 v0, v29;
	v63 =	vld [tilespmem:$0x1FE90]  }
0x378: {  	v6 =	vmul.f32 v6, v28;
	v3 =	vmul.f32 v3, v27  }
0x379: {  	v1 =	vadd.f32 v1, v5;
	v9 =	vmul.f32 v26, v36;
	v0 =	vadd.f32 v7, v0;
	v12 =	vld.idx.msk [tilespmem:v12+s5+$0x0], $0xffff  }
0x37a: {  	v3 =	vadd.f32 v6, v3;
	v8 =	vmul.f32 v8, v13  }
0x37b: {  	v15 =	vld.idx.msk [tilespmem:v23+s5+$0x0], $0xffff;
	v1 =	vadd.f32 v2, v1;
	v43 =	vmul.f32 v30, v34;
	v0 =	vadd.f32 v9, v0  }
0x37c: {  	v50 =	vld.idx.msk [tilespmem:v50+s5+$0x0], $0xffff;
	v36 =	vmul.f32 v10, v18;
	v3 =	vadd.f32 v8, v3  }
0x37d: {  	v42 =	vld.idx.msk [tilespmem:v37+s5+$0x0], $0xffff;
	v1 =	vadd.f32 v57, v1;
	v6 =	vmul.f32 v31, v47;
	v0 =	vadd.f32 v43, v0  }
0x37e: {  	v54 =	vld.idx.msk [tilespmem:v52+s5+$0x0], $0xffff;
	v12 =	vmul.f32 v12, v25;
	v3 =	vadd.f32 v36, v3  }
0x37f: {  	v55 =	vmul.f32 v40, v44;
	v0 =	vadd.f32 v6, v0;
	[tilespmem:v63+s20+$0x0] =	vst.idx.msk $0xffff, v1  }
0x380: {  	v3 =	vadd.f32 v12, v3;
	v1 =	vld [tilespmem:$0x1FEC0]  }
0x381: {  	v59 =	vmul.f32 v50, v46;
	v0 =	vadd.f32 v55, v0  }
0x382: {  	v58 =	vmul.f32 v42, v16;
	v3 =	vadd.f32 v53, v3  }
0x383: {  	v60 =	vmul.f32 v15, v61;
	v61 =	vmul.f32 v54, v48;
	v0 =	vadd.f32 v59, v0  }
0x384: {  	v3 =	vadd.f32 v58, v3  }
0x385: {  	v0 =	vadd.f32 v61, v0  }
0x386: {  	v62 =	vadd.f32 v60, v3  }
0x387: {  	s0 =	sshrl.u32 s23, $0x1;
	s22 =	sadd.s32 $0x1, s22;
	[tilespmem:v35+s20+$0x0] =	vst.idx.msk $0xffff, v0  }
0x388: {  	s0 =	sadd.s32 s7, s0;
	p0 =	sne.s32 s22, $0x80;
	[tilespmem:v1+s20+$0x0] =	vst.idx.msk $0xffff, v62  }
0x389: {  	[hbm4b:s0+s3] =	stream.linear.scatter [tilespmem:s20], [sflag:$0x2], $0x1000, $0x38;
	[tilespmem:$0x10CF0] =	vst v63  }
.Ltmp16:
0x38a: {  	_ = 	snop;
	(pc) =	sbr.rel @p0 .LBB2_22-.Ltmp16, $4  }
0x38b: {  	_ =	swait.ge [sflag:s17], $0x1000  }
0x38c: {  	v18 =	vld [tilespmem:$0x1FFB0]  }
0x38d: {  	[sflag:s17] =	ssyncset.done $0x0;
	v63 =	vld [tilespmem:$0x1FFF0]  }
0x38e: {  	v19 =	vld [tilespmem:$0x1FFC0];
	[sflag:s17] =	ssyncadd.s32 $0xFFFFF000  }
0x38f: {  	s22 =	rddreg [dreg:$0x6]  }
0x390: {  	s0 =	rddreg [dreg:$0x5];
	s22 =	sadd.s32 $0x1, s22  }
0x391: {  	p0 =	sne.s32 s22, s0  }
.Ltmp17:
0x392: {  	v15 =	vld [tilespmem:$0x1FFA0];
	(pc) =	sbr.rel @p0 .LBB2_1-.Ltmp17, $2  }
0x393: {  	_ =	sdelay $0x2  }
0x394: {  	s29 =	rddreg [dreg:$0x4];
	s4 =	simm.s32 $0x560;
	s30 =	simm.s32 $0xAC0  }
0x395: {  	_ =	sfence.sel $0x180000  }
0x396: {  	[bflag:$0x0] =	sbarrier.arrive $0xFFFF  }
0x397: {  	_ =	strace $0x90000047  }
0x398: {  	s0 =	stileid.u32;
	[bflag:$0x2] =	sbarrier.arrive $0xFFFF  }
0x399: {  	p0 =	sne.s32 s0, $0x0;
	s0 =	rddreg [dreg:$0x3]  }
0x39a: {  	s0 =	sadd.s32 @!p0 $0x100000, s0  }
0x39b: {  	[sflag:s0] =	ssyncadd.tile.s32 @!p0 $0x1;
	_ =	shalt  }
.Lfunc_end2:
_tile_overlayer_lowered:
.L_overlay_start_2:
0x39c: {  	(tag) =	ssettag $0x2  }
0x39d: {  	s0 =	rddreg [dreg:$0x0];
	s2 =	stileid.u32  }
0x39e: {  	s1 =	rddreg [dreg:$0x1];
	p0 =	sne.s32 s2, $0x0  }
0x39f: {  	s3 =	rddreg [dreg:$0x2];
	[bflag:$0x3] =	sbarrier.arrive $0xFFFF;
	s2 =	simm.s32 @!p0 $0x1C02  }
0x3a0: {  	[timem:s3], [sflag:s2] =	dma.local @!p0 [hbm:s0], s1  }
0x3a1: {  	s0 =	simm.s32 @!p0 $0x2  }
0x3a2: {  	_ =	swait.ge @!p0 [sflag:s0], s1  }
0x3a3: {  	s1 =	ssub.s32 @!p0 $0x0, s1;
	[sflag:s0] =	ssyncset.done @!p0 $0x0  }
0x3a4: {  	[sflag:s0] =	ssyncadd.s32 @!p0 s1  }
0x3a5: {  	[bflag:$0x3] =	sbarrier.arrive $0xFFFF  }
0x3a6: {  	_ =	shalt  }

</sc_bundles>
